<compile_context>
chip_gen: v7x
topology: tpu7x:2x2x1
jax: 0.10.2.dev20260603
libtpu: 0.0.44.dev20260713+nightly
codegen_flags: <defaults>
</compile_context>

<pallas_src>
import jax
import jax.numpy as jnp
from jax import lax
from jax.experimental import pallas as pl
from jax.experimental.pallas import tpu as pltpu
from jax.experimental.pallas import tpu_sc as plsc

_B, _C, _L = 4, 768, 8192
_H = 2048
_KEEP = 64
_LB1 = 1024
_CH2 = 2048
_LB3 = 1024
_NEG = -3.0e38
_PREC = lax.Precision.HIGHEST
_ZR = 8


def _p1_body(x_ref, w1_ref, b1_ref, out_ref):
    hb = lax.dot_general(w1_ref[...], x_ref[0], (((1,), (0,)), ((), ())),
                         preferred_element_type=jnp.float32)
    hb = hb + b1_ref[...]
    out_ref[0, 0, :] = jnp.max(hb, axis=0)


def _p2_body(cm_ref, x_ref, w1_ref, b1_ref,
             v_ref, hh_ref, ll_ref, spt_ref, hq_ref, lq_ref,
             hgT_ref, xgT_ref, cols_ref):
    iota_l = lax.broadcasted_iota(jnp.int32, (1, _L), 1)
    iota_kr = lax.broadcasted_iota(jnp.int32, (1, _KEEP), 1)
    iota_kc = lax.broadcasted_iota(jnp.int32, (_KEEP, 1), 0)
    iota_h = lax.broadcasted_iota(jnp.int32, (1, _H), 1)
    c = pl.program_id(1)

    @pl.when(c == 0)
    def _():
        def sel_body(k, carry):
            cm, cols = carry
            m = jnp.max(cm)
            j = jnp.min(jnp.where(cm == m, iota_l, _L))
            cm = jnp.where(iota_l == j, _NEG, cm)
            cols = jnp.where(iota_kc == k, j, cols)
            return cm, cols

        cm0 = cm_ref[0]
        cols0 = jnp.zeros((_KEEP, 1), jnp.int32)
        _, cols = lax.fori_loop(0, _KEEP, sel_body, (cm0, cols0))
        cols_ref[...] = cols
        xgT_ref[...] = jnp.zeros((_KEEP, _C), jnp.float32)

    cols = cols_ref[...]
    selm = (c * _CH2 + lax.broadcasted_iota(jnp.int32, (_KEEP, _CH2), 1)
            == cols).astype(jnp.bfloat16)
    xgT_ref[...] += lax.dot_general(selm, x_ref[0], (((1,), (1,)), ((), ())),
                                    preferred_element_type=jnp.float32)

    @pl.when(c == _L // _CH2 - 1)
    def _():
        hgT = lax.dot_general(xgT_ref[...].astype(jnp.bfloat16), w1_ref[...],
                              (((1,), (1,)), ((), ())),
                              preferred_element_type=jnp.float32)
        hgT = hgT + b1_ref[...]
        hgT_ref[...] = hgT
        rmax0 = jnp.max(hgT, axis=1, keepdims=True)

        iota_qc = lax.broadcasted_iota(jnp.int32, (8 * _KEEP, 1), 0)

        def ext_body(k, carry):
            rmax, v, hh, ll, llc, hd8x, ld128x, hm8x, vx = carry
            m = jnp.max(rmax)
            j = jnp.min(jnp.where(rmax == m, iota_kc, _KEEP))
            row = hgT_ref[pl.ds(j, 1), :]
            i = jnp.min(jnp.where(row == m, iota_h, _H))
            masked = jnp.where(iota_h == i, _NEG, row)
            hgT_ref[pl.ds(j, 1), :] = masked
            nm = jnp.max(masked)
            rmax = jnp.where(iota_kc == j, nm, rmax)
            lcol = jnp.min(jnp.where(iota_kc == j, cols, _L))
            v = jnp.where(iota_kr == k, m, v)
            hh = jnp.where(iota_kr == k, i, hh)
            ll = jnp.where(iota_kr == k, lcol, ll)
            llc = jnp.where(iota_kc == k, lcol, llc)
            qsel = (iota_qc // 8) == k
            hd8x = jnp.where(qsel, i // 8, hd8x)
            ld128x = jnp.where(qsel, lcol // 128, ld128x)
            hm8x = jnp.where(qsel, i % 8, hm8x)
            vx = jnp.where(qsel, m, vx)
            return rmax, v, hh, ll, llc, hd8x, ld128x, hm8x, vx

        z0r = jnp.zeros((1, _KEEP), jnp.int32)
        v0r = jnp.zeros((1, _KEEP), jnp.float32)
        z0c = jnp.zeros((_KEEP, 1), jnp.int32)
        z0q = jnp.zeros((8 * _KEEP, 1), jnp.int32)
        v0q = jnp.zeros((8 * _KEEP, 1), jnp.float32)
        _, v, hh, ll, llc, hd8x, ld128x, hm8x, vx = lax.fori_loop(
            0, _KEEP, ext_body,
            (rmax0, v0r, z0r, z0r, z0c, z0q, z0q, z0q, v0q))

        hd8r = hh // 8
        ld128r = ll // 128
        hm8r = hh % 8
        same_tile = (hd8x == hd8r) & (ld128x == ld128r)
        wmat = (same_tile & ((iota_qc % 8) == hm8r)).astype(jnp.float32) * v
        p128 = (lax.broadcasted_iota(jnp.int32, (_KEEP, 128), 1)
                == (llc % 128)).astype(jnp.float32)
        tiles = lax.dot_general(wmat, p128, (((1,), (0,)), ((), ())),
                                preferred_element_type=jnp.float32,
                                precision=_PREC)
        v_ref[0] = v
        hh_ref[0] = hh
        ll_ref[0] = ll
        spt_ref[0] = tiles
        hq_ref[0] = hd8r * 8
        lq_ref[0] = ld128r * 128


def _sc_mesh():
    return plsc.VectorSubcoreMesh(core_axis_name="c", subcore_axis_name="s")


def _fill_body(spz_ref, zbuf):
    wid = lax.axis_index("s") * 2 + lax.axis_index("c")
    z16 = jnp.zeros((16,), jnp.float32)

    def zb(t, carry):
        r = t // (_L // 16)
        i = t % (_L // 16)
        zbuf[r, pl.ds(i * 16, 16)] = z16
        return carry

    lax.fori_loop(0, _ZR * (_L // 16), zb, 0)
    b = wid // 8
    sub = wid % 8
    for j in range(256 // _ZR):
        h0 = sub * 256 + j * _ZR
        pltpu.sync_copy(zbuf, spz_ref.at[b, pl.ds(h0, _ZR), :])


def _scat_body(spt_hbm, hq_hbm, lq_hbm, spz_ref, tbuf, hv, lv):
    wid = lax.axis_index("s") * 2 + lax.axis_index("c")
    pltpu.sync_copy(hq_hbm, hv)
    pltpu.sync_copy(lq_hbm, lv)
    iota16 = lax.broadcasted_iota(jnp.int32, (16,), 0)
    for j in range(8):
        p = wid * 8 + j
        b = p // _KEEP
        lane = p % 16
        hvec = hv[pl.ds((p // 16) * 16, 16)]
        lvec = lv[pl.ds((p // 16) * 16, 16)]
        h0 = lax.reduce_max(jnp.where(iota16 == lane, hvec, -1), (0,))
        l0 = lax.reduce_max(jnp.where(iota16 == lane, lvec, -1), (0,))
        h0 = pl.multiple_of(h0, 8)
        l0 = pl.multiple_of(l0, 128)
        pltpu.sync_copy(spt_hbm.at[pl.ds(pl.multiple_of(p * 8, 8), 8)], tbuf)
        pltpu.sync_copy(tbuf, spz_ref.at[b, pl.ds(h0, 8), pl.ds(l0, 128)])


def _tc_front(x, W1, b1, W2, b2):
    xb = x.astype(jnp.bfloat16)
    W1b = W1.astype(jnp.bfloat16)
    W2b = W2.astype(jnp.bfloat16)
    b1c = b1.reshape(_H, 1)
    b1r = b1.reshape(1, _H)
    b2r = b2.reshape(1, _C)

    colmax = pl.pallas_call(
        _p1_body,
        grid=(_B, _L // _LB1),
        in_specs=[
            pl.BlockSpec((1, _C, _LB1), lambda b, l: (b, 0, l)),
            pl.BlockSpec((_H, _C), lambda b, l: (0, 0)),
            pl.BlockSpec((_H, 1), lambda b, l: (0, 0)),
        ],
        out_specs=pl.BlockSpec((1, 1, _LB1), lambda b, l: (b, 0, l)),
        out_shape=jax.ShapeDtypeStruct((_B, 1, _L), jnp.float32),
    )(xb, W1b, b1c)

    v, hh, ll, spt, hq, lq = pl.pallas_call(
        _p2_body,
        grid=(_B, _L // _CH2),
        in_specs=[
            pl.BlockSpec((1, 1, _L), lambda b, c: (b, 0, 0)),
            pl.BlockSpec((1, _C, _CH2), lambda b, c: (b, 0, c)),
            pl.BlockSpec((_H, _C), lambda b, c: (0, 0)),
            pl.BlockSpec((1, _H), lambda b, c: (0, 0)),
        ],
        out_specs=[
            pl.BlockSpec((1, 1, _KEEP), lambda b, c: (b, 0, 0)),
            pl.BlockSpec((1, 1, _KEEP), lambda b, c: (b, 0, 0)),
            pl.BlockSpec((1, 1, _KEEP), lambda b, c: (b, 0, 0)),
            pl.BlockSpec((1, 8 * _KEEP, 128), lambda b, c: (b, 0, 0)),
            pl.BlockSpec((1, 1, _KEEP), lambda b, c: (b, 0, 0)),
            pl.BlockSpec((1, 1, _KEEP), lambda b, c: (b, 0, 0)),
        ],
        out_shape=[
            jax.ShapeDtypeStruct((_B, 1, _KEEP), jnp.float32),
            jax.ShapeDtypeStruct((_B, 1, _KEEP), jnp.int32),
            jax.ShapeDtypeStruct((_B, 1, _KEEP), jnp.int32),
            jax.ShapeDtypeStruct((_B, 8 * _KEEP, 128), jnp.float32),
            jax.ShapeDtypeStruct((_B, 1, _KEEP), jnp.int32),
            jax.ShapeDtypeStruct((_B, 1, _KEEP), jnp.int32),
        ],
        scratch_shapes=[pltpu.VMEM((_KEEP, _H), jnp.float32),
                        pltpu.VMEM((_KEEP, _C), jnp.float32),
                        pltpu.VMEM((_KEEP, 1), jnp.int32)],
    )(colmax, xb, W1b, b1r)

    return v, hh, ll, spt, hq, lq


def _p3y_body(v_ref, hh_ref, ll_ref, w2_ref, b2_ref, y_ref,
              ot0_ref, yg0_ref, yg1_ref):
    lb = pl.program_id(1)

    @pl.when(lb == 0)
    def _():
        vv = v_ref[0]
        v0 = vv.astype(jnp.bfloat16).astype(jnp.float32)
        ot = (lax.broadcasted_iota(jnp.int32, (_H, _KEEP), 0) == hh_ref[0]
              ).astype(jnp.float32)
        ot0_ref[...] = (ot * v0).astype(jnp.bfloat16)
        wg = lax.dot_general(w2_ref[...], ot0_ref[...],
                             (((1,), (0,)), ((), ())),
                             preferred_element_type=jnp.float32)
        yg0 = wg.astype(jnp.bfloat16)
        yg0_ref[...] = yg0
        yg1_ref[...] = (wg - yg0.astype(jnp.float32)).astype(jnp.bfloat16)

    l0 = lb * _LB3
    pt = (l0 + lax.broadcasted_iota(jnp.int32, (_LB3, _KEEP), 0) == ll_ref[0]
          ).astype(jnp.bfloat16)
    y_ref[0] = (
        lax.dot_general(yg0_ref[...], pt, (((1,), (1,)), ((), ())),
                        preferred_element_type=jnp.float32)
        + lax.dot_general(yg1_ref[...], pt, (((1,), (1,)), ((), ())),
                          preferred_element_type=jnp.float32)
        + b2_ref[...])


def kernel(x, W1, b1, W2, b2):
    W2b = W2.astype(jnp.bfloat16)
    b2c = b2.reshape(_C, 1)

    fill = pl.kernel(
        _fill_body,
        out_type=jax.ShapeDtypeStruct((_B, _H, _L), jnp.float32),
        mesh=_sc_mesh(),
        scratch_types=[pltpu.VMEM((_ZR, _L), jnp.float32)],
    )
    spz = fill()

    v, hh, ll, spt, hq, lq = _tc_front(x, W1, b1, W2, b2)

    y = pl.pallas_call(
        _p3y_body,
        grid=(_B, _L // _LB3),
        in_specs=[
            pl.BlockSpec((1, 1, _KEEP), lambda b, l: (b, 0, 0)),
            pl.BlockSpec((1, 1, _KEEP), lambda b, l: (b, 0, 0)),
            pl.BlockSpec((1, 1, _KEEP), lambda b, l: (b, 0, 0)),
            pl.BlockSpec((_C, _H), lambda b, l: (0, 0)),
            pl.BlockSpec((_C, 1), lambda b, l: (0, 0)),
        ],
        out_specs=pl.BlockSpec((1, _C, _LB3), lambda b, l: (b, 0, l)),
        out_shape=jax.ShapeDtypeStruct((_B, _C, _L), jnp.float32),
        scratch_shapes=[pltpu.VMEM((_H, _KEEP), jnp.bfloat16),
                        pltpu.VMEM((_C, _KEEP), jnp.bfloat16),
                        pltpu.VMEM((_C, _KEEP), jnp.bfloat16)],
    )(v, hh, ll, W2b, b2c)

    sptf = spt.reshape(_B * 8 * _KEEP, 128)
    hqf = hq.reshape(_B * _KEEP)
    lqf = lq.reshape(_B * _KEEP)
    sp_ref = jax.new_ref(spz)
    scat = pl.kernel(
        _scat_body,
        out_type=(),
        mesh=_sc_mesh(),
        scratch_types=[pltpu.VMEM((8, 128), jnp.float32),
                       pltpu.VMEM((_B * _KEEP,), jnp.int32),
                       pltpu.VMEM((_B * _KEEP,), jnp.int32)],
        compiler_params=pltpu.CompilerParams(needs_layout_passes=False),
    )
    scat(sptf, hqf, lqf, sp_ref)
    return (y, sp_ref[...])

# --- scband reference (transcript-rebuilt; emitter-appended) ---
"""Pipeline reference for scband-elementwise-sparsity-9105330668182 (READ-ONLY COPY).

The authoritative reference and input builder live on the scoring server;
editing this copy changes nothing except your own understanding.
"""

import jax, jax.numpy as jnp
import numpy as np

B, C, L = 4, 768, 8192
H = 2048
KEEP = 64


def setup_inputs(seed: int = 0) -> dict:
    key = jax.random.key(seed)
    k1, k2, k3 = jax.random.split(key, 3)
    x = jax.random.normal(k1, (B, C, L), dtype=jnp.float32)
    W1 = jax.random.normal(k2, (H, C), dtype=jnp.float32) * (1.0 / np.sqrt(C))
    b1 = jnp.zeros((H,), dtype=jnp.float32)
    W2 = jax.random.normal(k3, (C, H), dtype=jnp.float32) * (1.0 / np.sqrt(H))
    b2 = jnp.zeros((C,), dtype=jnp.float32)
    return {"x": x, "W1": W1, "b1": b1, "W2": W2, "b2": b2}


def sparsify(x, n_to_keep):
    orig_shape = x.shape
    flat = x.reshape(x.shape[0], -1)
    values, indices = jax.lax.top_k(flat, n_to_keep)
    out = jnp.zeros_like(flat)
    out = out.at[jnp.arange(flat.shape[0])[:, None], indices].set(values)
    return out.reshape(orig_shape)


def reference(x, W1, b1, W2, b2):
    # expand: 1x1 Conv1d == per-position linear over channel dim
    h = jnp.einsum('bcl,hc->bhl', x, W1) + b1[None, :, None]
    # softmax=False, dropout=None
    sparse = sparsify(h, KEEP)
    # contract: 1x1 Conv1d
    y = jnp.einsum('bhl,ch->bcl', sparse, W2) + b2[None, :, None]
    return (y, sparse)

if __name__ == "__main__":
    import jax
    _d = setup_inputs()
    print(jax.jit(kernel)(*tuple(_d.values())))

</pallas_src>

<mosaic_0001>
#map = affine_map<(d0, d1) -> (0, 0)>
#map1 = affine_map<(d0, d1) -> (0)>
#map2 = affine_map<(d0, d1) -> (0, 0, 0)>
module attributes {stable_mosaic.version = 14 : i64} {
  func.func @new_body(%arg0: i32, %arg1: i32, %arg2: memref<2048x128xf32, #tpu.memory_space<hbm>>, %arg3: memref<256xi32, #tpu.memory_space<hbm>>, %arg4: memref<256xi32, #tpu.memory_space<hbm>>, %arg5: memref<4x2048x8192xf32, #tpu.memory_space<hbm>>, %arg6: memref<4x2048x8192xf32, #tpu.memory_space<hbm>>, %arg7: memref<8x128xf32, #tpu.memory_space<vmem>>, %arg8: memref<256xi32, #tpu.memory_space<vmem>>, %arg9: memref<256xi32, #tpu.memory_space<vmem>>) attributes {dimension_semantics = [#tpu.dimension_semantics<core_parallel>, #tpu.dimension_semantics<subcore_parallel>], iteration_bounds = array<i64: 2, 16>, scalar_prefetch = 0 : i64, scratch_operands = 3 : i64, tpu.core_type = #tpu.core_type<sc_vector_subcore>, window_params = [{transform_indices = #map}, {transform_indices = #map1}, {transform_indices = #map1}, {transform_indices = #map2}, {transform_indices = #map2}]} {
    %mul3A = arith.constant 2 : i32
    %mul3A_0 = arith.muli %arg1, %mul3A : i32
    %add3A = arith.addi %mul3A_0, %arg0 : i32
    "tpu.region"() ({
      %run_scoped3A = tpu.sem_alloc : memref<!tpu.dma_semaphore, #tpu.memory_space<semaphore_mem>>
      tpu.enqueue_dma source(%arg3 : memref<256xi32, #tpu.memory_space<hbm>>) target(%arg8 : memref<256xi32, #tpu.memory_space<vmem>>) target_semaphore(%run_scoped3A : memref<!tpu.dma_semaphore, #tpu.memory_space<semaphore_mem>>)
      tpu.wait_dma2 semaphore(%run_scoped3A : memref<!tpu.dma_semaphore, #tpu.memory_space<semaphore_mem>>) src(%arg3 : memref<256xi32, #tpu.memory_space<hbm>>) dst(%arg8 : memref<256xi32, #tpu.memory_space<vmem>>)
      tpu.yield
    }) : () -> ()
    "tpu.region"() ({
      %run_scoped3A = tpu.sem_alloc : memref<!tpu.dma_semaphore, #tpu.memory_space<semaphore_mem>>
      tpu.enqueue_dma source(%arg4 : memref<256xi32, #tpu.memory_space<hbm>>) target(%arg9 : memref<256xi32, #tpu.memory_space<vmem>>) target_semaphore(%run_scoped3A : memref<!tpu.dma_semaphore, #tpu.memory_space<semaphore_mem>>)
      tpu.wait_dma2 semaphore(%run_scoped3A : memref<!tpu.dma_semaphore, #tpu.memory_space<semaphore_mem>>) src(%arg4 : memref<256xi32, #tpu.memory_space<hbm>>) dst(%arg9 : memref<256xi32, #tpu.memory_space<vmem>>)
      tpu.yield
    }) : () -> ()
    %iota3A = tpu.iota {dimensions = array<i32: 0>} : vector<16xi32>
    %mul3A_1 = arith.constant 8 : i32
    %mul3A_2 = arith.muli %add3A, %mul3A_1 : i32
    %add3A_3 = arith.constant 0 : i32
    %add3A_4 = arith.addi %mul3A_2, %add3A_3 : i32
    %jit3A = arith.constant 64 : i32
    %div3A = arith.divsi %add3A_4, %jit3A : i32
    %sign3A = arith.constant 0 : i32
    %sign3A_5 = arith.cmpi sgt, %add3A_4, %sign3A : i32
    %sign3A_6 = arith.extui %sign3A_5 : i1 to i32
    %sign3A_7 = arith.constant 0 : i32
    %sign3A_8 = arith.cmpi slt, %add3A_4, %sign3A_7 : i32
    %sign3A_9 = arith.extui %sign3A_8 : i1 to i32
    %sign3A_10 = arith.subi %sign3A_6, %sign3A_9 : i32
    %sign3A_11 = arith.constant 0 : i32
    %sign3A_12 = arith.cmpi sgt, %jit3A, %sign3A_11 : i32
    %sign3A_13 = arith.extui %sign3A_12 : i1 to i32
    %sign3A_14 = arith.constant 0 : i32
    %sign3A_15 = arith.cmpi slt, %jit3A, %sign3A_14 : i32
    %sign3A_16 = arith.extui %sign3A_15 : i1 to i32
    %sign3A_17 = arith.subi %sign3A_13, %sign3A_16 : i32
    %ne3A = arith.cmpi ne, %sign3A_10, %sign3A_17 : i32
    %rem3A = arith.remsi %add3A_4, %jit3A : i32
    %ne3A_18 = arith.constant 0 : i32
    %ne3A_19 = arith.cmpi ne, %rem3A, %ne3A_18 : i32
    %and3A = arith.andi %ne3A, %ne3A_19 : i1
    %sub3A = arith.constant 1 : i32
    %sub3A_20 = arith.subi %div3A, %sub3A : i32
    %select_n3A = arith.select %and3A, %sub3A_20, %div3A : i32
    %jit3A_21 = arith.constant 16 : i32
    %eq3A = arith.constant 0 : i32
    %eq3A_22 = arith.cmpi eq, %jit3A_21, %eq3A : i32
    %jit3A_23 = arith.constant 1 : i32
    %select_n3A_24 = arith.select %eq3A_22, %jit3A_23, %jit3A_21 : i32
    %rem3A_25 = arith.remsi %add3A_4, %select_n3A_24 : i32
    %ne3A_26 = arith.constant 0 : i32
    %ne3A_27 = arith.cmpi ne, %rem3A_25, %ne3A_26 : i32
    %lt3A = arith.constant 0 : i32
    %lt3A_28 = arith.cmpi slt, %rem3A_25, %lt3A : i32
    %lt3A_29 = arith.constant 0 : i32
    %lt3A_30 = arith.cmpi slt, %select_n3A_24, %lt3A_29 : i32
    %ne3A_31 = arith.xori %lt3A_28, %lt3A_30 : i1
    %and3A_32 = arith.andi %ne3A_31, %ne3A_27 : i1
    %add3A_33 = arith.addi %rem3A_25, %select_n3A_24 : i32
    %select_n3A_34 = arith.select %and3A_32, %add3A_33, %rem3A_25 : i32
    %jit3A_35 = arith.constant 16 : i32
    %div3A_36 = arith.divsi %add3A_4, %jit3A_35 : i32
    %sign3A_37 = arith.constant 0 : i32
    %sign3A_38 = arith.cmpi sgt, %add3A_4, %sign3A_37 : i32
    %sign3A_39 = arith.extui %sign3A_38 : i1 to i32
    %sign3A_40 = arith.constant 0 : i32
    %sign3A_41 = arith.cmpi slt, %add3A_4, %sign3A_40 : i32
    %sign3A_42 = arith.extui %sign3A_41 : i1 to i32
    %sign3A_43 = arith.subi %sign3A_39, %sign3A_42 : i32
    %sign3A_44 = arith.constant 0 : i32
    %sign3A_45 = arith.cmpi sgt, %jit3A_35, %sign3A_44 : i32
    %sign3A_46 = arith.extui %sign3A_45 : i1 to i32
    %sign3A_47 = arith.constant 0 : i32
    %sign3A_48 = arith.cmpi slt, %jit3A_35, %sign3A_47 : i32
    %sign3A_49 = arith.extui %sign3A_48 : i1 to i32
    %sign3A_50 = arith.subi %sign3A_46, %sign3A_49 : i32
    %ne3A_51 = arith.cmpi ne, %sign3A_43, %sign3A_50 : i32
    %rem3A_52 = arith.remsi %add3A_4, %jit3A_35 : i32
    %ne3A_53 = arith.constant 0 : i32
    %ne3A_54 = arith.cmpi ne, %rem3A_52, %ne3A_53 : i32
    %and3A_55 = arith.andi %ne3A_51, %ne3A_54 : i1
    %sub3A_56 = arith.constant 1 : i32
    %sub3A_57 = arith.subi %div3A_36, %sub3A_56 : i32
    %select_n3A_58 = arith.select %and3A_55, %sub3A_57, %div3A_36 : i32
    %mul3A_59 = arith.constant 16 : i32
    %mul3A_60 = arith.muli %select_n3A_58, %mul3A_59 : i32
    %get3A = arith.index_cast %mul3A_60 : i32 to index
    %get3A_61 = tpu.vector_load %arg8[%get3A] {strides = array<i32>} : memref<256xi32, #tpu.memory_space<vmem>>, vector<16xi32>,
    %jit3A_62 = arith.constant 16 : i32
    %div3A_63 = arith.divsi %add3A_4, %jit3A_62 : i32
    %sign3A_64 = arith.constant 0 : i32
    %sign3A_65 = arith.cmpi sgt, %add3A_4, %sign3A_64 : i32
    %sign3A_66 = arith.extui %sign3A_65 : i1 to i32
    %sign3A_67 = arith.constant 0 : i32
    %sign3A_68 = arith.cmpi slt, %add3A_4, %sign3A_67 : i32
    %sign3A_69 = arith.extui %sign3A_68 : i1 to i32
    %sign3A_70 = arith.subi %sign3A_66, %sign3A_69 : i32
    %sign3A_71 = arith.constant 0 : i32
    %sign3A_72 = arith.cmpi sgt, %jit3A_62, %sign3A_71 : i32
    %sign3A_73 = arith.extui %sign3A_72 : i1 to i32
    %sign3A_74 = arith.constant 0 : i32
    %sign3A_75 = arith.cmpi slt, %jit3A_62, %sign3A_74 : i32
    %sign3A_76 = arith.extui %sign3A_75 : i1 to i32
    %sign3A_77 = arith.subi %sign3A_73, %sign3A_76 : i32
    %ne3A_78 = arith.cmpi ne, %sign3A_70, %sign3A_77 : i32
    %rem3A_79 = arith.remsi %add3A_4, %jit3A_62 : i32
    %ne3A_80 = arith.constant 0 : i32
    %ne3A_81 = arith.cmpi ne, %rem3A_79, %ne3A_80 : i32
    %and3A_82 = arith.andi %ne3A_78, %ne3A_81 : i1
    %sub3A_83 = arith.constant 1 : i32
    %sub3A_84 = arith.subi %div3A_63, %sub3A_83 : i32
    %select_n3A_85 = arith.select %and3A_82, %sub3A_84, %div3A_63 : i32
    %mul3A_86 = arith.constant 16 : i32
    %mul3A_87 = arith.muli %select_n3A_85, %mul3A_86 : i32
    %get3A_88 = arith.index_cast %mul3A_87 : i32 to index
    %get3A_89 = tpu.vector_load %arg9[%get3A_88] {strides = array<i32>} : memref<256xi32, #tpu.memory_space<vmem>>, vector<16xi32>,
    %eq3A_90 = vector.broadcast %select_n3A_34 : i32 to vector<16xi32>
    %eq3A_91 = arith.cmpi eq, %iota3A, %eq3A_90 : vector<16xi32>
    %jit3A_92 = arith.constant -1 : i32
    %broadcast_in_dim3A = vector.broadcast %jit3A_92 : i32 to vector<16xi32>
    %select_n3A_93 = arith.select %eq3A_91, %get3A_61, %broadcast_in_dim3A : vector<16xi1>, vector<16xi32>
    %reduce_max3A = arith.constant true
    %reduce_max3A_94 = vector.broadcast %reduce_max3A : i1 to vector<16xi1>
    %reduce_max3A_95 = arith.constant -2147483648 : i32
    %reduce_max3A_96 = vector.broadcast %reduce_max3A_95 : i32 to vector<16xi32>
    %reduce_max3A_97 = arith.xori %select_n3A_93, %reduce_max3A_96 : vector<16xi32>
    %reduce_max3A_98 = tpu.scan <max>, %reduce_max3A_97 masked %reduce_max3A_94 : vector<16xi32>, vector<16xi1> -> vector<16xi32>
    %reduce_max3A_99 = arith.xori %reduce_max3A_98, %reduce_max3A_96 : vector<16xi32>
    %reduce_max3A_100 = vector.extract %reduce_max3A_99[15] : i32 from vector<16xi32>
    %eq3A_101 = vector.broadcast %select_n3A_34 : i32 to vector<16xi32>
    %eq3A_102 = arith.cmpi eq, %iota3A, %eq3A_101 : vector<16xi32>
    %jit3A_103 = arith.constant -1 : i32
    %broadcast_in_dim3A_104 = vector.broadcast %jit3A_103 : i32 to vector<16xi32>
    %select_n3A_105 = arith.select %eq3A_102, %get3A_89, %broadcast_in_dim3A_104 : vector<16xi1>, vector<16xi32>
    %reduce_max3A_106 = arith.constant true
    %reduce_max3A_107 = vector.broadcast %reduce_max3A_106 : i1 to vector<16xi1>
    %reduce_max3A_108 = arith.constant -2147483648 : i32
    %reduce_max3A_109 = vector.broadcast %reduce_max3A_108 : i32 to vector<16xi32>
    %reduce_max3A_110 = arith.xori %select_n3A_105, %reduce_max3A_109 : vector<16xi32>
    %reduce_max3A_111 = tpu.scan <max>, %reduce_max3A_110 masked %reduce_max3A_107 : vector<16xi32>, vector<16xi1> -> vector<16xi32>
    %reduce_max3A_112 = arith.xori %reduce_max3A_111, %reduce_max3A_109 : vector<16xi32>
    %reduce_max3A_113 = vector.extract %reduce_max3A_112[15] : i32 from vector<16xi32>
    %multiple_of3A = tpu.assume_multiple %reduce_max3A_100, 8 : i32
    %multiple_of3A_114 = tpu.assume_multiple %reduce_max3A_113, 128 : i32
    %mul3A_115 = arith.constant 8 : i32
    %mul3A_116 = arith.muli %add3A_4, %mul3A_115 : i32
    %multiple_of3A_117 = tpu.assume_multiple %mul3A_116, 8 : i32
    "tpu.region"() ({
      %run_scoped3A = tpu.sem_alloc : memref<!tpu.dma_semaphore, #tpu.memory_space<semaphore_mem>>
      %dma_start3A = arith.constant 0 : i32
      %dma_start3A_1035 = tpu.memref_slice %arg2[%multiple_of3A_117, %dma_start3A] : memref<2048x128xf32, #tpu.memory_space<hbm>> -> memref<8x128xf32, #tpu.memory_space<hbm>>
      %dma_start3A_1036 = arith.constant 0 : i32
      %dma_start3A_1037 = tpu.memref_slice %arg2[%multiple_of3A_117, %dma_start3A_1036] : memref<2048x128xf32, #tpu.memory_space<hbm>> -> memref<8x128xf32, #tpu.memory_space<hbm>>
      tpu.enqueue_dma source(%dma_start3A_1037 : memref<8x128xf32, #tpu.memory_space<hbm>>) target(%arg7 : memref<8x128xf32, #tpu.memory_space<vmem>>) target_semaphore(%run_scoped3A : memref<!tpu.dma_semaphore, #tpu.memory_space<semaphore_mem>>)
      %dma_wait3A = arith.constant 0 : i32
      %dma_wait3A_1038 = tpu.memref_slice %arg2[%multiple_of3A_117, %dma_wait3A] : memref<2048x128xf32, #tpu.memory_space<hbm>> -> memref<8x128xf32, #tpu.memory_space<hbm>>
      %dma_wait3A_1039 = arith.constant 0 : i32
      %dma_wait3A_1040 = tpu.memref_slice %arg2[%multiple_of3A_117, %dma_wait3A_1039] : memref<2048x128xf32, #tpu.memory_space<hbm>> -> memref<8x128xf32, #tpu.memory_space<hbm>>
      tpu.wait_dma2 semaphore(%run_scoped3A : memref<!tpu.dma_semaphore, #tpu.memory_space<semaphore_mem>>) src(%dma_wait3A_1040 : memref<8x128xf32, #tpu.memory_space<hbm>>) dst(%arg7 : memref<8x128xf32, #tpu.memory_space<vmem>>)
      tpu.yield
    }) : () -> ()
    "tpu.region"() ({
      %run_scoped3A = tpu.sem_alloc : memref<!tpu.dma_semaphore, #tpu.memory_space<semaphore_mem>>
      %dma_start3A = tpu.memref_slice %arg5[%select_n3A, %multiple_of3A, %multiple_of3A_114] : memref<4x2048x8192xf32, #tpu.memory_space<hbm>> -> memref<1x8x128xf32, #tpu.memory_space<hbm>>
      %dma_start3A_1035 = tpu.memref_squeeze %dma_start3A : memref<1x8x128xf32, #tpu.memory_space<hbm>> -> memref<8x128xf32, #tpu.memory_space<hbm>>
      %dma_start3A_1036 = tpu.memref_slice %arg5[%select_n3A, %multiple_of3A, %multiple_of3A_114] : memref<4x2048x8192xf32, #tpu.memory_space<hbm>> -> memref<1x8x128xf32, #tpu.memory_space<hbm>>
      %dma_start3A_1037 = tpu.memref_squeeze %dma_start3A_1036 : memref<1x8x128xf32, #tpu.memory_space<hbm>> -> memref<8x128xf32, #tpu.memory_space<hbm>>
      tpu.enqueue_dma source(%arg7 : memref<8x128xf32, #tpu.memory_space<vmem>>) target(%dma_start3A_1037 : memref<8x128xf32, #tpu.memory_space<hbm>>) target_semaphore(%run_scoped3A : memref<!tpu.dma_semaphore, #tpu.memory_space<semaphore_mem>>)
      %dma_wait3A = tpu.memref_slice %arg5[%select_n3A, %multiple_of3A, %multiple_of3A_114] : memref<4x2048x8192xf32, #tpu.memory_space<hbm>> -> memref<1x8x128xf32, #tpu.memory_space<hbm>>
      %dma_wait3A_1038 = tpu.memref_squeeze %dma_wait3A : memref<1x8x128xf32, #tpu.memory_space<hbm>> -> memref<8x128xf32, #tpu.memory_space<hbm>>
      %dma_wait3A_1039 = tpu.memref_slice %arg5[%select_n3A, %multiple_of3A, %multiple_of3A_114] : memref<4x2048x8192xf32, #tpu.memory_space<hbm>> -> memref<1x8x128xf32, #tpu.memory_space<hbm>>
      %dma_wait3A_1040 = tpu.memref_squeeze %dma_wait3A_1039 : memref<1x8x128xf32, #tpu.memory_space<hbm>> -> memref<8x128xf32, #tpu.memory_space<hbm>>
      tpu.wait_dma2 semaphore(%run_scoped3A : memref<!tpu.dma_semaphore, #tpu.memory_space<semaphore_mem>>) src(%arg7 : memref<8x128xf32, #tpu.memory_space<vmem>>) dst(%dma_wait3A_1040 : memref<8x128xf32, #tpu.memory_space<hbm>>)
      tpu.yield
    }) : () -> ()
    %mul3A_118 = arith.constant 8 : i32
    %mul3A_119 = arith.muli %add3A, %mul3A_118 : i32
    %add3A_120 = arith.constant 1 : i32
    %add3A_121 = arith.addi %mul3A_119, %add3A_120 : i32
    %jit3A_122 = arith.constant 64 : i32
    %div3A_123 = arith.divsi %add3A_121, %jit3A_122 : i32
    %sign3A_124 = arith.constant 0 : i32
    %sign3A_125 = arith.cmpi sgt, %add3A_121, %sign3A_124 : i32
    %sign3A_126 = arith.extui %sign3A_125 : i1 to i32
    %sign3A_127 = arith.constant 0 : i32
    %sign3A_128 = arith.cmpi slt, %add3A_121, %sign3A_127 : i32
    %sign3A_129 = arith.extui %sign3A_128 : i1 to i32
    %sign3A_130 = arith.subi %sign3A_126, %sign3A_129 : i32
    %sign3A_131 = arith.constant 0 : i32
    %sign3A_132 = arith.cmpi sgt, %jit3A_122, %sign3A_131 : i32
    %sign3A_133 = arith.extui %sign3A_132 : i1 to i32
    %sign3A_134 = arith.constant 0 : i32
    %sign3A_135 = arith.cmpi slt, %jit3A_122, %sign3A_134 : i32
    %sign3A_136 = arith.extui %sign3A_135 : i1 to i32
    %sign3A_137 = arith.subi %sign3A_133, %sign3A_136 : i32
    %ne3A_138 = arith.cmpi ne, %sign3A_130, %sign3A_137 : i32
    %rem3A_139 = arith.remsi %add3A_121, %jit3A_122 : i32
    %ne3A_140 = arith.constant 0 : i32
    %ne3A_141 = arith.cmpi ne, %rem3A_139, %ne3A_140 : i32
    %and3A_142 = arith.andi %ne3A_138, %ne3A_141 : i1
    %sub3A_143 = arith.constant 1 : i32
    %sub3A_144 = arith.subi %div3A_123, %sub3A_143 : i32
    %select_n3A_145 = arith.select %and3A_142, %sub3A_144, %div3A_123 : i32
    %jit3A_146 = arith.constant 16 : i32
    %eq3A_147 = arith.constant 0 : i32
    %eq3A_148 = arith.cmpi eq, %jit3A_146, %eq3A_147 : i32
    %jit3A_149 = arith.constant 1 : i32
    %select_n3A_150 = arith.select %eq3A_148, %jit3A_149, %jit3A_146 : i32
    %rem3A_151 = arith.remsi %add3A_121, %select_n3A_150 : i32
    %ne3A_152 = arith.constant 0 : i32
    %ne3A_153 = arith.cmpi ne, %rem3A_151, %ne3A_152 : i32
    %lt3A_154 = arith.constant 0 : i32
    %lt3A_155 = arith.cmpi slt, %rem3A_151, %lt3A_154 : i32
    %lt3A_156 = arith.constant 0 : i32
    %lt3A_157 = arith.cmpi slt, %select_n3A_150, %lt3A_156 : i32
    %ne3A_158 = arith.xori %lt3A_155, %lt3A_157 : i1
    %and3A_159 = arith.andi %ne3A_158, %ne3A_153 : i1
    %add3A_160 = arith.addi %rem3A_151, %select_n3A_150 : i32
    %select_n3A_161 = arith.select %and3A_159, %add3A_160, %rem3A_151 : i32
    %jit3A_162 = arith.constant 16 : i32
    %div3A_163 = arith.divsi %add3A_121, %jit3A_162 : i32
    %sign3A_164 = arith.constant 0 : i32
    %sign3A_165 = arith.cmpi sgt, %add3A_121, %sign3A_164 : i32
    %sign3A_166 = arith.extui %sign3A_165 : i1 to i32
    %sign3A_167 = arith.constant 0 : i32
    %sign3A_168 = arith.cmpi slt, %add3A_121, %sign3A_167 : i32
    %sign3A_169 = arith.extui %sign3A_168 : i1 to i32
    %sign3A_170 = arith.subi %sign3A_166, %sign3A_169 : i32
    %sign3A_171 = arith.constant 0 : i32
    %sign3A_172 = arith.cmpi sgt, %jit3A_162, %sign3A_171 : i32
    %sign3A_173 = arith.extui %sign3A_172 : i1 to i32
    %sign3A_174 = arith.constant 0 : i32
    %sign3A_175 = arith.cmpi slt, %jit3A_162, %sign3A_174 : i32
    %sign3A_176 = arith.extui %sign3A_175 : i1 to i32
    %sign3A_177 = arith.subi %sign3A_173, %sign3A_176 : i32
    %ne3A_178 = arith.cmpi ne, %sign3A_170, %sign3A_177 : i32
    %rem3A_179 = arith.remsi %add3A_121, %jit3A_162 : i32
    %ne3A_180 = arith.constant 0 : i32
    %ne3A_181 = arith.cmpi ne, %rem3A_179, %ne3A_180 : i32
    %and3A_182 = arith.andi %ne3A_178, %ne3A_181 : i1
    %sub3A_183 = arith.constant 1 : i32
    %sub3A_184 = arith.subi %div3A_163, %sub3A_183 : i32
    %select_n3A_185 = arith.select %and3A_182, %sub3A_184, %div3A_163 : i32
    %mul3A_186 = arith.constant 16 : i32
    %mul3A_187 = arith.muli %select_n3A_185, %mul3A_186 : i32
    %get3A_188 = arith.index_cast %mul3A_187 : i32 to index
    %get3A_189 = tpu.vector_load %arg8[%get3A_188] {strides = array<i32>} : memref<256xi32, #tpu.memory_space<vmem>>, vector<16xi32>,
    %jit3A_190 = arith.constant 16 : i32
    %div3A_191 = arith.divsi %add3A_121, %jit3A_190 : i32
    %sign3A_192 = arith.constant 0 : i32
    %sign3A_193 = arith.cmpi sgt, %add3A_121, %sign3A_192 : i32
    %sign3A_194 = arith.extui %sign3A_193 : i1 to i32
    %sign3A_195 = arith.constant 0 : i32
    %sign3A_196 = arith.cmpi slt, %add3A_121, %sign3A_195 : i32
    %sign3A_197 = arith.extui %sign3A_196 : i1 to i32
    %sign3A_198 = arith.subi %sign3A_194, %sign3A_197 : i32
    %sign3A_199 = arith.constant 0 : i32
    %sign3A_200 = arith.cmpi sgt, %jit3A_190, %sign3A_199 : i32
    %sign3A_201 = arith.extui %sign3A_200 : i1 to i32
    %sign3A_202 = arith.constant 0 : i32
    %sign3A_203 = arith.cmpi slt, %jit3A_190, %sign3A_202 : i32
    %sign3A_204 = arith.extui %sign3A_203 : i1 to i32
    %sign3A_205 = arith.subi %sign3A_201, %sign3A_204 : i32
    %ne3A_206 = arith.cmpi ne, %sign3A_198, %sign3A_205 : i32
    %rem3A_207 = arith.remsi %add3A_121, %jit3A_190 : i32
    %ne3A_208 = arith.constant 0 : i32
    %ne3A_209 = arith.cmpi ne, %rem3A_207, %ne3A_208 : i32
    %and3A_210 = arith.andi %ne3A_206, %ne3A_209 : i1
    %sub3A_211 = arith.constant 1 : i32
    %sub3A_212 = arith.subi %div3A_191, %sub3A_211 : i32
    %select_n3A_213 = arith.select %and3A_210, %sub3A_212, %div3A_191 : i32
    %mul3A_214 = arith.constant 16 : i32
    %mul3A_215 = arith.muli %select_n3A_213, %mul3A_214 : i32
    %get3A_216 = arith.index_cast %mul3A_215 : i32 to index
    %get3A_217 = tpu.vector_load %arg9[%get3A_216] {strides = array<i32>} : memref<256xi32, #tpu.memory_space<vmem>>, vector<16xi32>,
    %eq3A_218 = vector.broadcast %select_n3A_161 : i32 to vector<16xi32>
    %eq3A_219 = arith.cmpi eq, %iota3A, %eq3A_218 : vector<16xi32>
    %jit3A_220 = arith.constant -1 : i32
    %broadcast_in_dim3A_221 = vector.broadcast %jit3A_220 : i32 to vector<16xi32>
    %select_n3A_222 = arith.select %eq3A_219, %get3A_189, %broadcast_in_dim3A_221 : vector<16xi1>, vector<16xi32>
    %reduce_max3A_223 = arith.constant true
    %reduce_max3A_224 = vector.broadcast %reduce_max3A_223 : i1 to vector<16xi1>
    %reduce_max3A_225 = arith.constant -2147483648 : i32
    %reduce_max3A_226 = vector.broadcast %reduce_max3A_225 : i32 to vector<16xi32>
    %reduce_max3A_227 = arith.xori %select_n3A_222, %reduce_max3A_226 : vector<16xi32>
    %reduce_max3A_228 = tpu.scan <max>, %reduce_max3A_227 masked %reduce_max3A_224 : vector<16xi32>, vector<16xi1> -> vector<16xi32>
    %reduce_max3A_229 = arith.xori %reduce_max3A_228, %reduce_max3A_226 : vector<16xi32>
    %reduce_max3A_230 = vector.extract %reduce_max3A_229[15] : i32 from vector<16xi32>
    %eq3A_231 = vector.broadcast %select_n3A_161 : i32 to vector<16xi32>
    %eq3A_232 = arith.cmpi eq, %iota3A, %eq3A_231 : vector<16xi32>
    %jit3A_233 = arith.constant -1 : i32
    %broadcast_in_dim3A_234 = vector.broadcast %jit3A_233 : i32 to vector<16xi32>
    %select_n3A_235 = arith.select %eq3A_232, %get3A_217, %broadcast_in_dim3A_234 : vector<16xi1>, vector<16xi32>
    %reduce_max3A_236 = arith.constant true
    %reduce_max3A_237 = vector.broadcast %reduce_max3A_236 : i1 to vector<16xi1>
    %reduce_max3A_238 = arith.constant -2147483648 : i32
    %reduce_max3A_239 = vector.broadcast %reduce_max3A_238 : i32 to vector<16xi32>
    %reduce_max3A_240 = arith.xori %select_n3A_235, %reduce_max3A_239 : vector<16xi32>
    %reduce_max3A_241 = tpu.scan <max>, %reduce_max3A_240 masked %reduce_max3A_237 : vector<16xi32>, vector<16xi1> -> vector<16xi32>
    %reduce_max3A_242 = arith.xori %reduce_max3A_241, %reduce_max3A_239 : vector<16xi32>
    %reduce_max3A_243 = vector.extract %reduce_max3A_242[15] : i32 from vector<16xi32>
    %multiple_of3A_244 = tpu.assume_multiple %reduce_max3A_230, 8 : i32
    %multiple_of3A_245 = tpu.assume_multiple %reduce_max3A_243, 128 : i32
    %mul3A_246 = arith.constant 8 : i32
    %mul3A_247 = arith.muli %add3A_121, %mul3A_246 : i32
    %multiple_of3A_248 = tpu.assume_multiple %mul3A_247, 8 : i32
    "tpu.region"() ({
      %run_scoped3A = tpu.sem_alloc : memref<!tpu.dma_semaphore, #tpu.memory_space<semaphore_mem>>
      %dma_start3A = arith.constant 0 : i32
      %dma_start3A_1035 = tpu.memref_slice %arg2[%multiple_of3A_248, %dma_start3A] : memref<2048x128xf32, #tpu.memory_space<hbm>> -> memref<8x128xf32, #tpu.memory_space<hbm>>
      %dma_start3A_1036 = arith.constant 0 : i32
      %dma_start3A_1037 = tpu.memref_slice %arg2[%multiple_of3A_248, %dma_start3A_1036] : memref<2048x128xf32, #tpu.memory_space<hbm>> -> memref<8x128xf32, #tpu.memory_space<hbm>>
      tpu.enqueue_dma source(%dma_start3A_1037 : memref<8x128xf32, #tpu.memory_space<hbm>>) target(%arg7 : memref<8x128xf32, #tpu.memory_space<vmem>>) target_semaphore(%run_scoped3A : memref<!tpu.dma_semaphore, #tpu.memory_space<semaphore_mem>>)
      %dma_wait3A = arith.constant 0 : i32
      %dma_wait3A_1038 = tpu.memref_slice %arg2[%multiple_of3A_248, %dma_wait3A] : memref<2048x128xf32, #tpu.memory_space<hbm>> -> memref<8x128xf32, #tpu.memory_space<hbm>>
      %dma_wait3A_1039 = arith.constant 0 : i32
      %dma_wait3A_1040 = tpu.memref_slice %arg2[%multiple_of3A_248, %dma_wait3A_1039] : memref<2048x128xf32, #tpu.memory_space<hbm>> -> memref<8x128xf32, #tpu.memory_space<hbm>>
      tpu.wait_dma2 semaphore(%run_scoped3A : memref<!tpu.dma_semaphore, #tpu.memory_space<semaphore_mem>>) src(%dma_wait3A_1040 : memref<8x128xf32, #tpu.memory_space<hbm>>) dst(%arg7 : memref<8x128xf32, #tpu.memory_space<vmem>>)
      tpu.yield
    }) : () -> ()
    "tpu.region"() ({
      %run_scoped3A = tpu.sem_alloc : memref<!tpu.dma_semaphore, #tpu.memory_space<semaphore_mem>>
      %dma_start3A = tpu.memref_slice %arg5[%select_n3A_145, %multiple_of3A_244, %multiple_of3A_245] : memref<4x2048x8192xf32, #tpu.memory_space<hbm>> -> memref<1x8x128xf32, #tpu.memory_space<hbm>>
      %dma_start3A_1035 = tpu.memref_squeeze %dma_start3A : memref<1x8x128xf32, #tpu.memory_space<hbm>> -> memref<8x128xf32, #tpu.memory_space<hbm>>
      %dma_start3A_1036 = tpu.memref_slice %arg5[%select_n3A_145, %multiple_of3A_244, %multiple_of3A_245] : memref<4x2048x8192xf32, #tpu.memory_space<hbm>> -> memref<1x8x128xf32, #tpu.memory_space<hbm>>
      %dma_start3A_1037 = tpu.memref_squeeze %dma_start3A_1036 : memref<1x8x128xf32, #tpu.memory_space<hbm>> -> memref<8x128xf32, #tpu.memory_space<hbm>>
      tpu.enqueue_dma source(%arg7 : memref<8x128xf32, #tpu.memory_space<vmem>>) target(%dma_start3A_1037 : memref<8x128xf32, #tpu.memory_space<hbm>>) target_semaphore(%run_scoped3A : memref<!tpu.dma_semaphore, #tpu.memory_space<semaphore_mem>>)
      %dma_wait3A = tpu.memref_slice %arg5[%select_n3A_145, %multiple_of3A_244, %multiple_of3A_245] : memref<4x2048x8192xf32, #tpu.memory_space<hbm>> -> memref<1x8x128xf32, #tpu.memory_space<hbm>>
      %dma_wait3A_1038 = tpu.memref_squeeze %dma_wait3A : memref<1x8x128xf32, #tpu.memory_space<hbm>> -> memref<8x128xf32, #tpu.memory_space<hbm>>
      %dma_wait3A_1039 = tpu.memref_slice %arg5[%select_n3A_145, %multiple_of3A_244, %multiple_of3A_245] : memref<4x2048x8192xf32, #tpu.memory_space<hbm>> -> memref<1x8x128xf32, #tpu.memory_space<hbm>>
      %dma_wait3A_1040 = tpu.memref_squeeze %dma_wait3A_1039 : memref<1x8x128xf32, #tpu.memory_space<hbm>> -> memref<8x128xf32, #tpu.memory_space<hbm>>
      tpu.wait_dma2 semaphore(%run_scoped3A : memref<!tpu.dma_semaphore, #tpu.memory_space<semaphore_mem>>) src(%arg7 : memref<8x128xf32, #tpu.memory_space<vmem>>) dst(%dma_wait3A_1040 : memref<8x128xf32, #tpu.memory_space<hbm>>)
      tpu.yield
    }) : () -> ()
    %mul3A_249 = arith.constant 8 : i32
    %mul3A_250 = arith.muli %add3A, %mul3A_249 : i32
    %add3A_251 = arith.constant 2 : i32
    %add3A_252 = arith.addi %mul3A_250, %add3A_251 : i32
    %jit3A_253 = arith.constant 64 : i32
    %div3A_254 = arith.divsi %add3A_252, %jit3A_253 : i32
    %sign3A_255 = arith.constant 0 : i32
    %sign3A_256 = arith.cmpi sgt, %add3A_252, %sign3A_255 : i32
    %sign3A_257 = arith.extui %sign3A_256 : i1 to i32
    %sign3A_258 = arith.constant 0 : i32
    %sign3A_259 = arith.cmpi slt, %add3A_252, %sign3A_258 : i32
    %sign3A_260 = arith.extui %sign3A_259 : i1 to i32
    %sign3A_261 = arith.subi %sign3A_257, %sign3A_260 : i32
    %sign3A_262 = arith.constant 0 : i32
    %sign3A_263 = arith.cmpi sgt, %jit3A_253, %sign3A_262 : i32
    %sign3A_264 = arith.extui %sign3A_263 : i1 to i32
    %sign3A_265 = arith.constant 0 : i32
    %sign3A_266 = arith.cmpi slt, %jit3A_253, %sign3A_265 : i32
    %sign3A_267 = arith.extui %sign3A_266 : i1 to i32
    %sign3A_268 = arith.subi %sign3A_264, %sign3A_267 : i32
    %ne3A_269 = arith.cmpi ne, %sign3A_261, %sign3A_268 : i32
    %rem3A_270 = arith.remsi %add3A_252, %jit3A_253 : i32
    %ne3A_271 = arith.constant 0 : i32
    %ne3A_272 = arith.cmpi ne, %rem3A_270, %ne3A_271 : i32
    %and3A_273 = arith.andi %ne3A_269, %ne3A_272 : i1
    %sub3A_274 = arith.constant 1 : i32
    %sub3A_275 = arith.subi %div3A_254, %sub3A_274 : i32
    %select_n3A_276 = arith.select %and3A_273, %sub3A_275, %div3A_254 : i32
    %jit3A_277 = arith.constant 16 : i32
    %eq3A_278 = arith.constant 0 : i32
    %eq3A_279 = arith.cmpi eq, %jit3A_277, %eq3A_278 : i32
    %jit3A_280 = arith.constant 1 : i32
    %select_n3A_281 = arith.select %eq3A_279, %jit3A_280, %jit3A_277 : i32
    %rem3A_282 = arith.remsi %add3A_252, %select_n3A_281 : i32
    %ne3A_283 = arith.constant 0 : i32
    %ne3A_284 = arith.cmpi ne, %rem3A_282, %ne3A_283 : i32
    %lt3A_285 = arith.constant 0 : i32
    %lt3A_286 = arith.cmpi slt, %rem3A_282, %lt3A_285 : i32
    %lt3A_287 = arith.constant 0 : i32
    %lt3A_288 = arith.cmpi slt, %select_n3A_281, %lt3A_287 : i32
    %ne3A_289 = arith.xori %lt3A_286, %lt3A_288 : i1
    %and3A_290 = arith.andi %ne3A_289, %ne3A_284 : i1
    %add3A_291 = arith.addi %rem3A_282, %select_n3A_281 : i32
    %select_n3A_292 = arith.select %and3A_290, %add3A_291, %rem3A_282 : i32
    %jit3A_293 = arith.constant 16 : i32
    %div3A_294 = arith.divsi %add3A_252, %jit3A_293 : i32
    %sign3A_295 = arith.constant 0 : i32
    %sign3A_296 = arith.cmpi sgt, %add3A_252, %sign3A_295 : i32
    %sign3A_297 = arith.extui %sign3A_296 : i1 to i32
    %sign3A_298 = arith.constant 0 : i32
    %sign3A_299 = arith.cmpi slt, %add3A_252, %sign3A_298 : i32
    %sign3A_300 = arith.extui %sign3A_299 : i1 to i32
    %sign3A_301 = arith.subi %sign3A_297, %sign3A_300 : i32
    %sign3A_302 = arith.constant 0 : i32
    %sign3A_303 = arith.cmpi sgt, %jit3A_293, %sign3A_302 : i32
    %sign3A_304 = arith.extui %sign3A_303 : i1 to i32
    %sign3A_305 = arith.constant 0 : i32
    %sign3A_306 = arith.cmpi slt, %jit3A_293, %sign3A_305 : i32
    %sign3A_307 = arith.extui %sign3A_306 : i1 to i32
    %sign3A_308 = arith.subi %sign3A_304, %sign3A_307 : i32
    %ne3A_309 = arith.cmpi ne, %sign3A_301, %sign3A_308 : i32
    %rem3A_310 = arith.remsi %add3A_252, %jit3A_293 : i32
    %ne3A_311 = arith.constant 0 : i32
    %ne3A_312 = arith.cmpi ne, %rem3A_310, %ne3A_311 : i32
    %and3A_313 = arith.andi %ne3A_309, %ne3A_312 : i1
    %sub3A_314 = arith.constant 1 : i32
    %sub3A_315 = arith.subi %div3A_294, %sub3A_314 : i32
    %select_n3A_316 = arith.select %and3A_313, %sub3A_315, %div3A_294 : i32
    %mul3A_317 = arith.constant 16 : i32
    %mul3A_318 = arith.muli %select_n3A_316, %mul3A_317 : i32
    %get3A_319 = arith.index_cast %mul3A_318 : i32 to index
    %get3A_320 = tpu.vector_load %arg8[%get3A_319] {strides = array<i32>} : memref<256xi32, #tpu.memory_space<vmem>>, vector<16xi32>,
    %jit3A_321 = arith.constant 16 : i32
    %div3A_322 = arith.divsi %add3A_252, %jit3A_321 : i32
    %sign3A_323 = arith.constant 0 : i32
    %sign3A_324 = arith.cmpi sgt, %add3A_252, %sign3A_323 : i32
    %sign3A_325 = arith.extui %sign3A_324 : i1 to i32
    %sign3A_326 = arith.constant 0 : i32
    %sign3A_327 = arith.cmpi slt, %add3A_252, %sign3A_326 : i32
    %sign3A_328 = arith.extui %sign3A_327 : i1 to i32
    %sign3A_329 = arith.subi %sign3A_325, %sign3A_328 : i32
    %sign3A_330 = arith.constant 0 : i32
    %sign3A_331 = arith.cmpi sgt, %jit3A_321, %sign3A_330 : i32
    %sign3A_332 = arith.extui %sign3A_331 : i1 to i32
    %sign3A_333 = arith.constant 0 : i32
    %sign3A_334 = arith.cmpi slt, %jit3A_321, %sign3A_333 : i32
    %sign3A_335 = arith.extui %sign3A_334 : i1 to i32
    %sign3A_336 = arith.subi %sign3A_332, %sign3A_335 : i32
    %ne3A_337 = arith.cmpi ne, %sign3A_329, %sign3A_336 : i32
    %rem3A_338 = arith.remsi %add3A_252, %jit3A_321 : i32
    %ne3A_339 = arith.constant 0 : i32
    %ne3A_340 = arith.cmpi ne, %rem3A_338, %ne3A_339 : i32
    %and3A_341 = arith.andi %ne3A_337, %ne3A_340 : i1
    %sub3A_342 = arith.constant 1 : i32
    %sub3A_343 = arith.subi %div3A_322, %sub3A_342 : i32
    %select_n3A_344 = arith.select %and3A_341, %sub3A_343, %div3A_322 : i32
    %mul3A_345 = arith.constant 16 : i32
    %mul3A_346 = arith.muli %select_n3A_344, %mul3A_345 : i32
    %get3A_347 = arith.index_cast %mul3A_346 : i32 to index
    %get3A_348 = tpu.vector_load %arg9[%get3A_347] {strides = array<i32>} : memref<256xi32, #tpu.memory_space<vmem>>, vector<16xi32>,
    %eq3A_349 = vector.broadcast %select_n3A_292 : i32 to vector<16xi32>
    %eq3A_350 = arith.cmpi eq, %iota3A, %eq3A_349 : vector<16xi32>
    %jit3A_351 = arith.constant -1 : i32
    %broadcast_in_dim3A_352 = vector.broadcast %jit3A_351 : i32 to vector<16xi32>
    %select_n3A_353 = arith.select %eq3A_350, %get3A_320, %broadcast_in_dim3A_352 : vector<16xi1>, vector<16xi32>
    %reduce_max3A_354 = arith.constant true
    %reduce_max3A_355 = vector.broadcast %reduce_max3A_354 : i1 to vector<16xi1>
    %reduce_max3A_356 = arith.constant -2147483648 : i32
    %reduce_max3A_357 = vector.broadcast %reduce_max3A_356 : i32 to vector<16xi32>
    %reduce_max3A_358 = arith.xori %select_n3A_353, %reduce_max3A_357 : vector<16xi32>
    %reduce_max3A_359 = tpu.scan <max>, %reduce_max3A_358 masked %reduce_max3A_355 : vector<16xi32>, vector<16xi1> -> vector<16xi32>
    %reduce_max3A_360 = arith.xori %reduce_max3A_359, %reduce_max3A_357 : vector<16xi32>
    %reduce_max3A_361 = vector.extract %reduce_max3A_360[15] : i32 from vector<16xi32>
    %eq3A_362 = vector.broadcast %select_n3A_292 : i32 to vector<16xi32>
    %eq3A_363 = arith.cmpi eq, %iota3A, %eq3A_362 : vector<16xi32>
    %jit3A_364 = arith.constant -1 : i32
    %broadcast_in_dim3A_365 = vector.broadcast %jit3A_364 : i32 to vector<16xi32>
    %select_n3A_366 = arith.select %eq3A_363, %get3A_348, %broadcast_in_dim3A_365 : vector<16xi1>, vector<16xi32>
    %reduce_max3A_367 = arith.constant true
    %reduce_max3A_368 = vector.broadcast %reduce_max3A_367 : i1 to vector<16xi1>
    %reduce_max3A_369 = arith.constant -2147483648 : i32
    %reduce_max3A_370 = vector.broadcast %reduce_max3A_369 : i32 to vector<16xi32>
    %reduce_max3A_371 = arith.xori %select_n3A_366, %reduce_max3A_370 : vector<16xi32>
    %reduce_max3A_372 = tpu.scan <max>, %reduce_max3A_371 masked %reduce_max3A_368 : vector<16xi32>, vector<16xi1> -> vector<16xi32>
    %reduce_max3A_373 = arith.xori %reduce_max3A_372, %reduce_max3A_370 : vector<16xi32>
    %reduce_max3A_374 = vector.extract %reduce_max3A_373[15] : i32 from vector<16xi32>
    %multiple_of3A_375 = tpu.assume_multiple %reduce_max3A_361, 8 : i32
    %multiple_of3A_376 = tpu.assume_multiple %reduce_max3A_374, 128 : i32
    %mul3A_377 = arith.constant 8 : i32
    %mul3A_378 = arith.muli %add3A_252, %mul3A_377 : i32
    %multiple_of3A_379 = tpu.assume_multiple %mul3A_378, 8 : i32
    "tpu.region"() ({
      %run_scoped3A = tpu.sem_alloc : memref<!tpu.dma_semaphore, #tpu.memory_space<semaphore_mem>>
      %dma_start3A = arith.constant 0 : i32
      %dma_start3A_1035 = tpu.memref_slice %arg2[%multiple_of3A_379, %dma_start3A] : memref<2048x128xf32, #tpu.memory_space<hbm>> -> memref<8x128xf32, #tpu.memory_space<hbm>>
      %dma_start3A_1036 = arith.constant 0 : i32
      %dma_start3A_1037 = tpu.memref_slice %arg2[%multiple_of3A_379, %dma_start3A_1036] : memref<2048x128xf32, #tpu.memory_space<hbm>> -> memref<8x128xf32, #tpu.memory_space<hbm>>
      tpu.enqueue_dma source(%dma_start3A_1037 : memref<8x128xf32, #tpu.memory_space<hbm>>) target(%arg7 : memref<8x128xf32, #tpu.memory_space<vmem>>) target_semaphore(%run_scoped3A : memref<!tpu.dma_semaphore, #tpu.memory_space<semaphore_mem>>)
      %dma_wait3A = arith.constant 0 : i32
      %dma_wait3A_1038 = tpu.memref_slice %arg2[%multiple_of3A_379, %dma_wait3A] : memref<2048x128xf32, #tpu.memory_space<hbm>> -> memref<8x128xf32, #tpu.memory_space<hbm>>
      %dma_wait3A_1039 = arith.constant 0 : i32
      %dma_wait3A_1040 = tpu.memref_slice %arg2[%multiple_of3A_379, %dma_wait3A_1039] : memref<2048x128xf32, #tpu.memory_space<hbm>> -> memref<8x128xf32, #tpu.memory_space<hbm>>
      tpu.wait_dma2 semaphore(%run_scoped3A : memref<!tpu.dma_semaphore, #tpu.memory_space<semaphore_mem>>) src(%dma_wait3A_1040 : memref<8x128xf32, #tpu.memory_space<hbm>>) dst(%arg7 : memref<8x128xf32, #tpu.memory_space<vmem>>)
      tpu.yield
    }) : () -> ()
    "tpu.region"() ({
      %run_scoped3A = tpu.sem_alloc : memref<!tpu.dma_semaphore, #tpu.memory_space<semaphore_mem>>
      %dma_start3A = tpu.memref_slice %arg5[%select_n3A_276, %multiple_of3A_375, %multiple_of3A_376] : memref<4x2048x8192xf32, #tpu.memory_space<hbm>> -> memref<1x8x128xf32, #tpu.memory_space<hbm>>
      %dma_start3A_1035 = tpu.memref_squeeze %dma_start3A : memref<1x8x128xf32, #tpu.memory_space<hbm>> -> memref<8x128xf32, #tpu.memory_space<hbm>>
      %dma_start3A_1036 = tpu.memref_slice %arg5[%select_n3A_276, %multiple_of3A_375, %multiple_of3A_376] : memref<4x2048x8192xf32, #tpu.memory_space<hbm>> -> memref<1x8x128xf32, #tpu.memory_space<hbm>>
      %dma_start3A_1037 = tpu.memref_squeeze %dma_start3A_1036 : memref<1x8x128xf32, #tpu.memory_space<hbm>> -> memref<8x128xf32, #tpu.memory_space<hbm>>
      tpu.enqueue_dma source(%arg7 : memref<8x128xf32, #tpu.memory_space<vmem>>) target(%dma_start3A_1037 : memref<8x128xf32, #tpu.memory_space<hbm>>) target_semaphore(%run_scoped3A : memref<!tpu.dma_semaphore, #tpu.memory_space<semaphore_mem>>)
      %dma_wait3A = tpu.memref_slice %arg5[%select_n3A_276, %multiple_of3A_375, %multiple_of3A_376] : memref<4x2048x8192xf32, #tpu.memory_space<hbm>> -> memref<1x8x128xf32, #tpu.memory_space<hbm>>
      %dma_wait3A_1038 = tpu.memref_squeeze %dma_wait3A : memref<1x8x128xf32, #tpu.memory_space<hbm>> -> memref<8x128xf32, #tpu.memory_space<hbm>>
      %dma_wait3A_1039 = tpu.memref_slice %arg5[%select_n3A_276, %multiple_of3A_375, %multiple_of3A_376] : memref<4x2048x8192xf32, #tpu.memory_space<hbm>> -> memref<1x8x128xf32, #tpu.memory_space<hbm>>
      %dma_wait3A_1040 = tpu.memref_squeeze %dma_wait3A_1039 : memref<1x8x128xf32, #tpu.memory_space<hbm>> -> memref<8x128xf32, #tpu.memory_space<hbm>>
      tpu.wait_dma2 semaphore(%run_scoped3A : memref<!tpu.dma_semaphore, #tpu.memory_space<semaphore_mem>>) src(%arg7 : memref<8x128xf32, #tpu.memory_space<vmem>>) dst(%dma_wait3A_1040 : memref<8x128xf32, #tpu.memory_space<hbm>>)
      tpu.yield
    }) : () -> ()
    %mul3A_380 = arith.constant 8 : i32
    %mul3A_381 = arith.muli %add3A, %mul3A_380 : i32
    %add3A_382 = arith.constant 3 : i32
    %add3A_383 = arith.addi %mul3A_381, %add3A_382 : i32
    %jit3A_384 = arith.constant 64 : i32
    %div3A_385 = arith.divsi %add3A_383, %jit3A_384 : i32
    %sign3A_386 = arith.constant 0 : i32
    %sign3A_387 = arith.cmpi sgt, %add3A_383, %sign3A_386 : i32
    %sign3A_388 = arith.extui %sign3A_387 : i1 to i32
    %sign3A_389 = arith.constant 0 : i32
    %sign3A_390 = arith.cmpi slt, %add3A_383, %sign3A_389 : i32
    %sign3A_391 = arith.extui %sign3A_390 : i1 to i32
    %sign3A_392 = arith.subi %sign3A_388, %sign3A_391 : i32
    %sign3A_393 = arith.constant 0 : i32
    %sign3A_394 = arith.cmpi sgt, %jit3A_384, %sign3A_393 : i32
    %sign3A_395 = arith.extui %sign3A_394 : i1 to i32
    %sign3A_396 = arith.constant 0 : i32
    %sign3A_397 = arith.cmpi slt, %jit3A_384, %sign3A_396 : i32
    %sign3A_398 = arith.extui %sign3A_397 : i1 to i32
    %sign3A_399 = arith.subi %sign3A_395, %sign3A_398 : i32
    %ne3A_400 = arith.cmpi ne, %sign3A_392, %sign3A_399 : i32
    %rem3A_401 = arith.remsi %add3A_383, %jit3A_384 : i32
    %ne3A_402 = arith.constant 0 : i32
    %ne3A_403 = arith.cmpi ne, %rem3A_401, %ne3A_402 : i32
    %and3A_404 = arith.andi %ne3A_400, %ne3A_403 : i1
    %sub3A_405 = arith.constant 1 : i32
    %sub3A_406 = arith.subi %div3A_385, %sub3A_405 : i32
    %select_n3A_407 = arith.select %and3A_404, %sub3A_406, %div3A_385 : i32
    %jit3A_408 = arith.constant 16 : i32
    %eq3A_409 = arith.constant 0 : i32
    %eq3A_410 = arith.cmpi eq, %jit3A_408, %eq3A_409 : i32
    %jit3A_411 = arith.constant 1 : i32
    %select_n3A_412 = arith.select %eq3A_410, %jit3A_411, %jit3A_408 : i32
    %rem3A_413 = arith.remsi %add3A_383, %select_n3A_412 : i32
    %ne3A_414 = arith.constant 0 : i32
    %ne3A_415 = arith.cmpi ne, %rem3A_413, %ne3A_414 : i32
    %lt3A_416 = arith.constant 0 : i32
    %lt3A_417 = arith.cmpi slt, %rem3A_413, %lt3A_416 : i32
    %lt3A_418 = arith.constant 0 : i32
    %lt3A_419 = arith.cmpi slt, %select_n3A_412, %lt3A_418 : i32
    %ne3A_420 = arith.xori %lt3A_417, %lt3A_419 : i1
    %and3A_421 = arith.andi %ne3A_420, %ne3A_415 : i1
    %add3A_422 = arith.addi %rem3A_413, %select_n3A_412 : i32
    %select_n3A_423 = arith.select %and3A_421, %add3A_422, %rem3A_413 : i32
    %jit3A_424 = arith.constant 16 : i32
    %div3A_425 = arith.divsi %add3A_383, %jit3A_424 : i32
    %sign3A_426 = arith.constant 0 : i32
    %sign3A_427 = arith.cmpi sgt, %add3A_383, %sign3A_426 : i32
    %sign3A_428 = arith.extui %sign3A_427 : i1 to i32
    %sign3A_429 = arith.constant 0 : i32
    %sign3A_430 = arith.cmpi slt, %add3A_383, %sign3A_429 : i32
    %sign3A_431 = arith.extui %sign3A_430 : i1 to i32
    %sign3A_432 = arith.subi %sign3A_428, %sign3A_431 : i32
    %sign3A_433 = arith.constant 0 : i32
    %sign3A_434 = arith.cmpi sgt, %jit3A_424, %sign3A_433 : i32
    %sign3A_435 = arith.extui %sign3A_434 : i1 to i32
    %sign3A_436 = arith.constant 0 : i32
    %sign3A_437 = arith.cmpi slt, %jit3A_424, %sign3A_436 : i32
    %sign3A_438 = arith.extui %sign3A_437 : i1 to i32
    %sign3A_439 = arith.subi %sign3A_435, %sign3A_438 : i32
    %ne3A_440 = arith.cmpi ne, %sign3A_432, %sign3A_439 : i32
    %rem3A_441 = arith.remsi %add3A_383, %jit3A_424 : i32
    %ne3A_442 = arith.constant 0 : i32
    %ne3A_443 = arith.cmpi ne, %rem3A_441, %ne3A_442 : i32
    %and3A_444 = arith.andi %ne3A_440, %ne3A_443 : i1
    %sub3A_445 = arith.constant 1 : i32
    %sub3A_446 = arith.subi %div3A_425, %sub3A_445 : i32
    %select_n3A_447 = arith.select %and3A_444, %sub3A_446, %div3A_425 : i32
    %mul3A_448 = arith.constant 16 : i32
    %mul3A_449 = arith.muli %select_n3A_447, %mul3A_448 : i32
    %get3A_450 = arith.index_cast %mul3A_449 : i32 to index
    %get3A_451 = tpu.vector_load %arg8[%get3A_450] {strides = array<i32>} : memref<256xi32, #tpu.memory_space<vmem>>, vector<16xi32>,
    %jit3A_452 = arith.constant 16 : i32
    %div3A_453 = arith.divsi %add3A_383, %jit3A_452 : i32
    %sign3A_454 = arith.constant 0 : i32
    %sign3A_455 = arith.cmpi sgt, %add3A_383, %sign3A_454 : i32
    %sign3A_456 = arith.extui %sign3A_455 : i1 to i32
    %sign3A_457 = arith.constant 0 : i32
    %sign3A_458 = arith.cmpi slt, %add3A_383, %sign3A_457 : i32
    %sign3A_459 = arith.extui %sign3A_458 : i1 to i32
    %sign3A_460 = arith.subi %sign3A_456, %sign3A_459 : i32
    %sign3A_461 = arith.constant 0 : i32
    %sign3A_462 = arith.cmpi sgt, %jit3A_452, %sign3A_461 : i32
    %sign3A_463 = arith.extui %sign3A_462 : i1 to i32
    %sign3A_464 = arith.constant 0 : i32
    %sign3A_465 = arith.cmpi slt, %jit3A_452, %sign3A_464 : i32
    %sign3A_466 = arith.extui %sign3A_465 : i1 to i32
    %sign3A_467 = arith.subi %sign3A_463, %sign3A_466 : i32
    %ne3A_468 = arith.cmpi ne, %sign3A_460, %sign3A_467 : i32
    %rem3A_469 = arith.remsi %add3A_383, %jit3A_452 : i32
    %ne3A_470 = arith.constant 0 : i32
    %ne3A_471 = arith.cmpi ne, %rem3A_469, %ne3A_470 : i32
    %and3A_472 = arith.andi %ne3A_468, %ne3A_471 : i1
    %sub3A_473 = arith.constant 1 : i32
    %sub3A_474 = arith.subi %div3A_453, %sub3A_473 : i32
    %select_n3A_475 = arith.select %and3A_472, %sub3A_474, %div3A_453 : i32
    %mul3A_476 = arith.constant 16 : i32
    %mul3A_477 = arith.muli %select_n3A_475, %mul3A_476 : i32
    %get3A_478 = arith.index_cast %mul3A_477 : i32 to index
    %get3A_479 = tpu.vector_load %arg9[%get3A_478] {strides = array<i32>} : memref<256xi32, #tpu.memory_space<vmem>>, vector<16xi32>,
    %eq3A_480 = vector.broadcast %select_n3A_423 : i32 to vector<16xi32>
    %eq3A_481 = arith.cmpi eq, %iota3A, %eq3A_480 : vector<16xi32>
    %jit3A_482 = arith.constant -1 : i32
    %broadcast_in_dim3A_483 = vector.broadcast %jit3A_482 : i32 to vector<16xi32>
    %select_n3A_484 = arith.select %eq3A_481, %get3A_451, %broadcast_in_dim3A_483 : vector<16xi1>, vector<16xi32>
    %reduce_max3A_485 = arith.constant true
    %reduce_max3A_486 = vector.broadcast %reduce_max3A_485 : i1 to vector<16xi1>
    %reduce_max3A_487 = arith.constant -2147483648 : i32
    %reduce_max3A_488 = vector.broadcast %reduce_max3A_487 : i32 to vector<16xi32>
    %reduce_max3A_489 = arith.xori %select_n3A_484, %reduce_max3A_488 : vector<16xi32>
    %reduce_max3A_490 = tpu.scan <max>, %reduce_max3A_489 masked %reduce_max3A_486 : vector<16xi32>, vector<16xi1> -> vector<16xi32>
    %reduce_max3A_491 = arith.xori %reduce_max3A_490, %reduce_max3A_488 : vector<16xi32>
    %reduce_max3A_492 = vector.extract %reduce_max3A_491[15] : i32 from vector<16xi32>
    %eq3A_493 = vector.broadcast %select_n3A_423 : i32 to vector<16xi32>
    %eq3A_494 = arith.cmpi eq, %iota3A, %eq3A_493 : vector<16xi32>
    %jit3A_495 = arith.constant -1 : i32
    %broadcast_in_dim3A_496 = vector.broadcast %jit3A_495 : i32 to vector<16xi32>
    %select_n3A_497 = arith.select %eq3A_494, %get3A_479, %broadcast_in_dim3A_496 : vector<16xi1>, vector<16xi32>
    %reduce_max3A_498 = arith.constant true
    %reduce_max3A_499 = vector.broadcast %reduce_max3A_498 : i1 to vector<16xi1>
    %reduce_max3A_500 = arith.constant -2147483648 : i32
    %reduce_max3A_501 = vector.broadcast %reduce_max3A_500 : i32 to vector<16xi32>
    %reduce_max3A_502 = arith.xori %select_n3A_497, %reduce_max3A_501 : vector<16xi32>
    %reduce_max3A_503 = tpu.scan <max>, %reduce_max3A_502 masked %reduce_max3A_499 : vector<16xi32>, vector<16xi1> -> vector<16xi32>
    %reduce_max3A_504 = arith.xori %reduce_max3A_503, %reduce_max3A_501 : vector<16xi32>
    %reduce_max3A_505 = vector.extract %reduce_max3A_504[15] : i32 from vector<16xi32>
    %multiple_of3A_506 = tpu.assume_multiple %reduce_max3A_492, 8 : i32
    %multiple_of3A_507 = tpu.assume_multiple %reduce_max3A_505, 128 : i32
    %mul3A_508 = arith.constant 8 : i32
    %mul3A_509 = arith.muli %add3A_383, %mul3A_508 : i32
    %multiple_of3A_510 = tpu.assume_multiple %mul3A_509, 8 : i32
    "tpu.region"() ({
      %run_scoped3A = tpu.sem_alloc : memref<!tpu.dma_semaphore, #tpu.memory_space<semaphore_mem>>
      %dma_start3A = arith.constant 0 : i32
      %dma_start3A_1035 = tpu.memref_slice %arg2[%multiple_of3A_510, %dma_start3A] : memref<2048x128xf32, #tpu.memory_space<hbm>> -> memref<8x128xf32, #tpu.memory_space<hbm>>
      %dma_start3A_1036 = arith.constant 0 : i32
      %dma_start3A_1037 = tpu.memref_slice %arg2[%multiple_of3A_510, %dma_start3A_1036] : memref<2048x128xf32, #tpu.memory_space<hbm>> -> memref<8x128xf32, #tpu.memory_space<hbm>>
      tpu.enqueue_dma source(%dma_start3A_1037 : memref<8x128xf32, #tpu.memory_space<hbm>>) target(%arg7 : memref<8x128xf32, #tpu.memory_space<vmem>>) target_semaphore(%run_scoped3A : memref<!tpu.dma_semaphore, #tpu.memory_space<semaphore_mem>>)
      %dma_wait3A = arith.constant 0 : i32
      %dma_wait3A_1038 = tpu.memref_slice %arg2[%multiple_of3A_510, %dma_wait3A] : memref<2048x128xf32, #tpu.memory_space<hbm>> -> memref<8x128xf32, #tpu.memory_space<hbm>>
      %dma_wait3A_1039 = arith.constant 0 : i32
      %dma_wait3A_1040 = tpu.memref_slice %arg2[%multiple_of3A_510, %dma_wait3A_1039] : memref<2048x128xf32, #tpu.memory_space<hbm>> -> memref<8x128xf32, #tpu.memory_space<hbm>>
      tpu.wait_dma2 semaphore(%run_scoped3A : memref<!tpu.dma_semaphore, #tpu.memory_space<semaphore_mem>>) src(%dma_wait3A_1040 : memref<8x128xf32, #tpu.memory_space<hbm>>) dst(%arg7 : memref<8x128xf32, #tpu.memory_space<vmem>>)
      tpu.yield
    }) : () -> ()
    "tpu.region"() ({
      %run_scoped3A = tpu.sem_alloc : memref<!tpu.dma_semaphore, #tpu.memory_space<semaphore_mem>>
      %dma_start3A = tpu.memref_slice %arg5[%select_n3A_407, %multiple_of3A_506, %multiple_of3A_507] : memref<4x2048x8192xf32, #tpu.memory_space<hbm>> -> memref<1x8x128xf32, #tpu.memory_space<hbm>>
      %dma_start3A_1035 = tpu.memref_squeeze %dma_start3A : memref<1x8x128xf32, #tpu.memory_space<hbm>> -> memref<8x128xf32, #tpu.memory_space<hbm>>
      %dma_start3A_1036 = tpu.memref_slice %arg5[%select_n3A_407, %multiple_of3A_506, %multiple_of3A_507] : memref<4x2048x8192xf32, #tpu.memory_space<hbm>> -> memref<1x8x128xf32, #tpu.memory_space<hbm>>
      %dma_start3A_1037 = tpu.memref_squeeze %dma_start3A_1036 : memref<1x8x128xf32, #tpu.memory_space<hbm>> -> memref<8x128xf32, #tpu.memory_space<hbm>>
      tpu.enqueue_dma source(%arg7 : memref<8x128xf32, #tpu.memory_space<vmem>>) target(%dma_start3A_1037 : memref<8x128xf32, #tpu.memory_space<hbm>>) target_semaphore(%run_scoped3A : memref<!tpu.dma_semaphore, #tpu.memory_space<semaphore_mem>>)
      %dma_wait3A = tpu.memref_slice %arg5[%select_n3A_407, %multiple_of3A_506, %multiple_of3A_507] : memref<4x2048x8192xf32, #tpu.memory_space<hbm>> -> memref<1x8x128xf32, #tpu.memory_space<hbm>>
      %dma_wait3A_1038 = tpu.memref_squeeze %dma_wait3A : memref<1x8x128xf32, #tpu.memory_space<hbm>> -> memref<8x128xf32, #tpu.memory_space<hbm>>
      %dma_wait3A_1039 = tpu.memref_slice %arg5[%select_n3A_407, %multiple_of3A_506, %multiple_of3A_507] : memref<4x2048x8192xf32, #tpu.memory_space<hbm>> -> memref<1x8x128xf32, #tpu.memory_space<hbm>>
      %dma_wait3A_1040 = tpu.memref_squeeze %dma_wait3A_1039 : memref<1x8x128xf32, #tpu.memory_space<hbm>> -> memref<8x128xf32, #tpu.memory_space<hbm>>
      tpu.wait_dma2 semaphore(%run_scoped3A : memref<!tpu.dma_semaphore, #tpu.memory_space<semaphore_mem>>) src(%arg7 : memref<8x128xf32, #tpu.memory_space<vmem>>) dst(%dma_wait3A_1040 : memref<8x128xf32, #tpu.memory_space<hbm>>)
      tpu.yield
    }) : () -> ()
    %mul3A_511 = arith.constant 8 : i32
    %mul3A_512 = arith.muli %add3A, %mul3A_511 : i32
    %add3A_513 = arith.constant 4 : i32
    %add3A_514 = arith.addi %mul3A_512, %add3A_513 : i32
    %jit3A_515 = arith.constant 64 : i32
    %div3A_516 = arith.divsi %add3A_514, %jit3A_515 : i32
    %sign3A_517 = arith.constant 0 : i32
    %sign3A_518 = arith.cmpi sgt, %add3A_514, %sign3A_517 : i32
    %sign3A_519 = arith.extui %sign3A_518 : i1 to i32
    %sign3A_520 = arith.constant 0 : i32
    %sign3A_521 = arith.cmpi slt, %add3A_514, %sign3A_520 : i32
    %sign3A_522 = arith.extui %sign3A_521 : i1 to i32
    %sign3A_523 = arith.subi %sign3A_519, %sign3A_522 : i32
    %sign3A_524 = arith.constant 0 : i32
    %sign3A_525 = arith.cmpi sgt, %jit3A_515, %sign3A_524 : i32
    %sign3A_526 = arith.extui %sign3A_525 : i1 to i32
    %sign3A_527 = arith.constant 0 : i32
    %sign3A_528 = arith.cmpi slt, %jit3A_515, %sign3A_527 : i32
    %sign3A_529 = arith.extui %sign3A_528 : i1 to i32
    %sign3A_530 = arith.subi %sign3A_526, %sign3A_529 : i32
    %ne3A_531 = arith.cmpi ne, %sign3A_523, %sign3A_530 : i32
    %rem3A_532 = arith.remsi %add3A_514, %jit3A_515 : i32
    %ne3A_533 = arith.constant 0 : i32
    %ne3A_534 = arith.cmpi ne, %rem3A_532, %ne3A_533 : i32
    %and3A_535 = arith.andi %ne3A_531, %ne3A_534 : i1
    %sub3A_536 = arith.constant 1 : i32
    %sub3A_537 = arith.subi %div3A_516, %sub3A_536 : i32
    %select_n3A_538 = arith.select %and3A_535, %sub3A_537, %div3A_516 : i32
    %jit3A_539 = arith.constant 16 : i32
    %eq3A_540 = arith.constant 0 : i32
    %eq3A_541 = arith.cmpi eq, %jit3A_539, %eq3A_540 : i32
    %jit3A_542 = arith.constant 1 : i32
    %select_n3A_543 = arith.select %eq3A_541, %jit3A_542, %jit3A_539 : i32
    %rem3A_544 = arith.remsi %add3A_514, %select_n3A_543 : i32
    %ne3A_545 = arith.constant 0 : i32
    %ne3A_546 = arith.cmpi ne, %rem3A_544, %ne3A_545 : i32
    %lt3A_547 = arith.constant 0 : i32
    %lt3A_548 = arith.cmpi slt, %rem3A_544, %lt3A_547 : i32
    %lt3A_549 = arith.constant 0 : i32
    %lt3A_550 = arith.cmpi slt, %select_n3A_543, %lt3A_549 : i32
    %ne3A_551 = arith.xori %lt3A_548, %lt3A_550 : i1
    %and3A_552 = arith.andi %ne3A_551, %ne3A_546 : i1
    %add3A_553 = arith.addi %rem3A_544, %select_n3A_543 : i32
    %select_n3A_554 = arith.select %and3A_552, %add3A_553, %rem3A_544 : i32
    %jit3A_555 = arith.constant 16 : i32
    %div3A_556 = arith.divsi %add3A_514, %jit3A_555 : i32
    %sign3A_557 = arith.constant 0 : i32
    %sign3A_558 = arith.cmpi sgt, %add3A_514, %sign3A_557 : i32
    %sign3A_559 = arith.extui %sign3A_558 : i1 to i32
    %sign3A_560 = arith.constant 0 : i32
    %sign3A_561 = arith.cmpi slt, %add3A_514, %sign3A_560 : i32
    %sign3A_562 = arith.extui %sign3A_561 : i1 to i32
    %sign3A_563 = arith.subi %sign3A_559, %sign3A_562 : i32
    %sign3A_564 = arith.constant 0 : i32
    %sign3A_565 = arith.cmpi sgt, %jit3A_555, %sign3A_564 : i32
    %sign3A_566 = arith.extui %sign3A_565 : i1 to i32
    %sign3A_567 = arith.constant 0 : i32
    %sign3A_568 = arith.cmpi slt, %jit3A_555, %sign3A_567 : i32
    %sign3A_569 = arith.extui %sign3A_568 : i1 to i32
    %sign3A_570 = arith.subi %sign3A_566, %sign3A_569 : i32
    %ne3A_571 = arith.cmpi ne, %sign3A_563, %sign3A_570 : i32
    %rem3A_572 = arith.remsi %add3A_514, %jit3A_555 : i32
    %ne3A_573 = arith.constant 0 : i32
    %ne3A_574 = arith.cmpi ne, %rem3A_572, %ne3A_573 : i32
    %and3A_575 = arith.andi %ne3A_571, %ne3A_574 : i1
    %sub3A_576 = arith.constant 1 : i32
    %sub3A_577 = arith.subi %div3A_556, %sub3A_576 : i32
    %select_n3A_578 = arith.select %and3A_575, %sub3A_577, %div3A_556 : i32
    %mul3A_579 = arith.constant 16 : i32
    %mul3A_580 = arith.muli %select_n3A_578, %mul3A_579 : i32
    %get3A_581 = arith.index_cast %mul3A_580 : i32 to index
    %get3A_582 = tpu.vector_load %arg8[%get3A_581] {strides = array<i32>} : memref<256xi32, #tpu.memory_space<vmem>>, vector<16xi32>,
    %jit3A_583 = arith.constant 16 : i32
    %div3A_584 = arith.divsi %add3A_514, %jit3A_583 : i32
    %sign3A_585 = arith.constant 0 : i32
    %sign3A_586 = arith.cmpi sgt, %add3A_514, %sign3A_585 : i32
    %sign3A_587 = arith.extui %sign3A_586 : i1 to i32
    %sign3A_588 = arith.constant 0 : i32
    %sign3A_589 = arith.cmpi slt, %add3A_514, %sign3A_588 : i32
    %sign3A_590 = arith.extui %sign3A_589 : i1 to i32
    %sign3A_591 = arith.subi %sign3A_587, %sign3A_590 : i32
    %sign3A_592 = arith.constant 0 : i32
    %sign3A_593 = arith.cmpi sgt, %jit3A_583, %sign3A_592 : i32
    %sign3A_594 = arith.extui %sign3A_593 : i1 to i32
    %sign3A_595 = arith.constant 0 : i32
    %sign3A_596 = arith.cmpi slt, %jit3A_583, %sign3A_595 : i32
    %sign3A_597 = arith.extui %sign3A_596 : i1 to i32
    %sign3A_598 = arith.subi %sign3A_594, %sign3A_597 : i32
    %ne3A_599 = arith.cmpi ne, %sign3A_591, %sign3A_598 : i32
    %rem3A_600 = arith.remsi %add3A_514, %jit3A_583 : i32
    %ne3A_601 = arith.constant 0 : i32
    %ne3A_602 = arith.cmpi ne, %rem3A_600, %ne3A_601 : i32
    %and3A_603 = arith.andi %ne3A_599, %ne3A_602 : i1
    %sub3A_604 = arith.constant 1 : i32
    %sub3A_605 = arith.subi %div3A_584, %sub3A_604 : i32
    %select_n3A_606 = arith.select %and3A_603, %sub3A_605, %div3A_584 : i32
    %mul3A_607 = arith.constant 16 : i32
    %mul3A_608 = arith.muli %select_n3A_606, %mul3A_607 : i32
    %get3A_609 = arith.index_cast %mul3A_608 : i32 to index
    %get3A_610 = tpu.vector_load %arg9[%get3A_609] {strides = array<i32>} : memref<256xi32, #tpu.memory_space<vmem>>, vector<16xi32>,
    %eq3A_611 = vector.broadcast %select_n3A_554 : i32 to vector<16xi32>
    %eq3A_612 = arith.cmpi eq, %iota3A, %eq3A_611 : vector<16xi32>
    %jit3A_613 = arith.constant -1 : i32
    %broadcast_in_dim3A_614 = vector.broadcast %jit3A_613 : i32 to vector<16xi32>
    %select_n3A_615 = arith.select %eq3A_612, %get3A_582, %broadcast_in_dim3A_614 : vector<16xi1>, vector<16xi32>
    %reduce_max3A_616 = arith.constant true
    %reduce_max3A_617 = vector.broadcast %reduce_max3A_616 : i1 to vector<16xi1>
    %reduce_max3A_618 = arith.constant -2147483648 : i32
    %reduce_max3A_619 = vector.broadcast %reduce_max3A_618 : i32 to vector<16xi32>
    %reduce_max3A_620 = arith.xori %select_n3A_615, %reduce_max3A_619 : vector<16xi32>
    %reduce_max3A_621 = tpu.scan <max>, %reduce_max3A_620 masked %reduce_max3A_617 : vector<16xi32>, vector<16xi1> -> vector<16xi32>
    %reduce_max3A_622 = arith.xori %reduce_max3A_621, %reduce_max3A_619 : vector<16xi32>
    %reduce_max3A_623 = vector.extract %reduce_max3A_622[15] : i32 from vector<16xi32>
    %eq3A_624 = vector.broadcast %select_n3A_554 : i32 to vector<16xi32>
    %eq3A_625 = arith.cmpi eq, %iota3A, %eq3A_624 : vector<16xi32>
    %jit3A_626 = arith.constant -1 : i32
    %broadcast_in_dim3A_627 = vector.broadcast %jit3A_626 : i32 to vector<16xi32>
    %select_n3A_628 = arith.select %eq3A_625, %get3A_610, %broadcast_in_dim3A_627 : vector<16xi1>, vector<16xi32>
    %reduce_max3A_629 = arith.constant true
    %reduce_max3A_630 = vector.broadcast %reduce_max3A_629 : i1 to vector<16xi1>
    %reduce_max3A_631 = arith.constant -2147483648 : i32
    %reduce_max3A_632 = vector.broadcast %reduce_max3A_631 : i32 to vector<16xi32>
    %reduce_max3A_633 = arith.xori %select_n3A_628, %reduce_max3A_632 : vector<16xi32>
    %reduce_max3A_634 = tpu.scan <max>, %reduce_max3A_633 masked %reduce_max3A_630 : vector<16xi32>, vector<16xi1> -> vector<16xi32>
    %reduce_max3A_635 = arith.xori %reduce_max3A_634, %reduce_max3A_632 : vector<16xi32>
    %reduce_max3A_636 = vector.extract %reduce_max3A_635[15] : i32 from vector<16xi32>
    %multiple_of3A_637 = tpu.assume_multiple %reduce_max3A_623, 8 : i32
    %multiple_of3A_638 = tpu.assume_multiple %reduce_max3A_636, 128 : i32
    %mul3A_639 = arith.constant 8 : i32
    %mul3A_640 = arith.muli %add3A_514, %mul3A_639 : i32
    %multiple_of3A_641 = tpu.assume_multiple %mul3A_640, 8 : i32
    "tpu.region"() ({
      %run_scoped3A = tpu.sem_alloc : memref<!tpu.dma_semaphore, #tpu.memory_space<semaphore_mem>>
      %dma_start3A = arith.constant 0 : i32
      %dma_start3A_1035 = tpu.memref_slice %arg2[%multiple_of3A_641, %dma_start3A] : memref<2048x128xf32, #tpu.memory_space<hbm>> -> memref<8x128xf32, #tpu.memory_space<hbm>>
      %dma_start3A_1036 = arith.constant 0 : i32
      %dma_start3A_1037 = tpu.memref_slice %arg2[%multiple_of3A_641, %dma_start3A_1036] : memref<2048x128xf32, #tpu.memory_space<hbm>> -> memref<8x128xf32, #tpu.memory_space<hbm>>
      tpu.enqueue_dma source(%dma_start3A_1037 : memref<8x128xf32, #tpu.memory_space<hbm>>) target(%arg7 : memref<8x128xf32, #tpu.memory_space<vmem>>) target_semaphore(%run_scoped3A : memref<!tpu.dma_semaphore, #tpu.memory_space<semaphore_mem>>)
      %dma_wait3A = arith.constant 0 : i32
      %dma_wait3A_1038 = tpu.memref_slice %arg2[%multiple_of3A_641, %dma_wait3A] : memref<2048x128xf32, #tpu.memory_space<hbm>> -> memref<8x128xf32, #tpu.memory_space<hbm>>
      %dma_wait3A_1039 = arith.constant 0 : i32
      %dma_wait3A_1040 = tpu.memref_slice %arg2[%multiple_of3A_641, %dma_wait3A_1039] : memref<2048x128xf32, #tpu.memory_space<hbm>> -> memref<8x128xf32, #tpu.memory_space<hbm>>
      tpu.wait_dma2 semaphore(%run_scoped3A : memref<!tpu.dma_semaphore, #tpu.memory_space<semaphore_mem>>) src(%dma_wait3A_1040 : memref<8x128xf32, #tpu.memory_space<hbm>>) dst(%arg7 : memref<8x128xf32, #tpu.memory_space<vmem>>)
      tpu.yield
    }) : () -> ()
    "tpu.region"() ({
      %run_scoped3A = tpu.sem_alloc : memref<!tpu.dma_semaphore, #tpu.memory_space<semaphore_mem>>
      %dma_start3A = tpu.memref_slice %arg5[%select_n3A_538, %multiple_of3A_637, %multiple_of3A_638] : memref<4x2048x8192xf32, #tpu.memory_space<hbm>> -> memref<1x8x128xf32, #tpu.memory_space<hbm>>
      %dma_start3A_1035 = tpu.memref_squeeze %dma_start3A : memref<1x8x128xf32, #tpu.memory_space<hbm>> -> memref<8x128xf32, #tpu.memory_space<hbm>>
      %dma_start3A_1036 = tpu.memref_slice %arg5[%select_n3A_538, %multiple_of3A_637, %multiple_of3A_638] : memref<4x2048x8192xf32, #tpu.memory_space<hbm>> -> memref<1x8x128xf32, #tpu.memory_space<hbm>>
      %dma_start3A_1037 = tpu.memref_squeeze %dma_start3A_1036 : memref<1x8x128xf32, #tpu.memory_space<hbm>> -> memref<8x128xf32, #tpu.memory_space<hbm>>
      tpu.enqueue_dma source(%arg7 : memref<8x128xf32, #tpu.memory_space<vmem>>) target(%dma_start3A_1037 : memref<8x128xf32, #tpu.memory_space<hbm>>) target_semaphore(%run_scoped3A : memref<!tpu.dma_semaphore, #tpu.memory_space<semaphore_mem>>)
      %dma_wait3A = tpu.memref_slice %arg5[%select_n3A_538, %multiple_of3A_637, %multiple_of3A_638] : memref<4x2048x8192xf32, #tpu.memory_space<hbm>> -> memref<1x8x128xf32, #tpu.memory_space<hbm>>
      %dma_wait3A_1038 = tpu.memref_squeeze %dma_wait3A : memref<1x8x128xf32, #tpu.memory_space<hbm>> -> memref<8x128xf32, #tpu.memory_space<hbm>>
      %dma_wait3A_1039 = tpu.memref_slice %arg5[%select_n3A_538, %multiple_of3A_637, %multiple_of3A_638] : memref<4x2048x8192xf32, #tpu.memory_space<hbm>> -> memref<1x8x128xf32, #tpu.memory_space<hbm>>
      %dma_wait3A_1040 = tpu.memref_squeeze %dma_wait3A_1039 : memref<1x8x128xf32, #tpu.memory_space<hbm>> -> memref<8x128xf32, #tpu.memory_space<hbm>>
      tpu.wait_dma2 semaphore(%run_scoped3A : memref<!tpu.dma_semaphore, #tpu.memory_space<semaphore_mem>>) src(%arg7 : memref<8x128xf32, #tpu.memory_space<vmem>>) dst(%dma_wait3A_1040 : memref<8x128xf32, #tpu.memory_space<hbm>>)
      tpu.yield
    }) : () -> ()
    %mul3A_642 = arith.constant 8 : i32
    %mul3A_643 = arith.muli %add3A, %mul3A_642 : i32
    %add3A_644 = arith.constant 5 : i32
    %add3A_645 = arith.addi %mul3A_643, %add3A_644 : i32
    %jit3A_646 = arith.constant 64 : i32
    %div3A_647 = arith.divsi %add3A_645, %jit3A_646 : i32
    %sign3A_648 = arith.constant 0 : i32
    %sign3A_649 = arith.cmpi sgt, %add3A_645, %sign3A_648 : i32
    %sign3A_650 = arith.extui %sign3A_649 : i1 to i32
    %sign3A_651 = arith.constant 0 : i32
    %sign3A_652 = arith.cmpi slt, %add3A_645, %sign3A_651 : i32
    %sign3A_653 = arith.extui %sign3A_652 : i1 to i32
    %sign3A_654 = arith.subi %sign3A_650, %sign3A_653 : i32
    %sign3A_655 = arith.constant 0 : i32
    %sign3A_656 = arith.cmpi sgt, %jit3A_646, %sign3A_655 : i32
    %sign3A_657 = arith.extui %sign3A_656 : i1 to i32
    %sign3A_658 = arith.constant 0 : i32
    %sign3A_659 = arith.cmpi slt, %jit3A_646, %sign3A_658 : i32
    %sign3A_660 = arith.extui %sign3A_659 : i1 to i32
    %sign3A_661 = arith.subi %sign3A_657, %sign3A_660 : i32
    %ne3A_662 = arith.cmpi ne, %sign3A_654, %sign3A_661 : i32
    %rem3A_663 = arith.remsi %add3A_645, %jit3A_646 : i32
    %ne3A_664 = arith.constant 0 : i32
    %ne3A_665 = arith.cmpi ne, %rem3A_663, %ne3A_664 : i32
    %and3A_666 = arith.andi %ne3A_662, %ne3A_665 : i1
    %sub3A_667 = arith.constant 1 : i32
    %sub3A_668 = arith.subi %div3A_647, %sub3A_667 : i32
    %select_n3A_669 = arith.select %and3A_666, %sub3A_668, %div3A_647 : i32
    %jit3A_670 = arith.constant 16 : i32
    %eq3A_671 = arith.constant 0 : i32
    %eq3A_672 = arith.cmpi eq, %jit3A_670, %eq3A_671 : i32
    %jit3A_673 = arith.constant 1 : i32
    %select_n3A_674 = arith.select %eq3A_672, %jit3A_673, %jit3A_670 : i32
    %rem3A_675 = arith.remsi %add3A_645, %select_n3A_674 : i32
    %ne3A_676 = arith.constant 0 : i32
    %ne3A_677 = arith.cmpi ne, %rem3A_675, %ne3A_676 : i32
    %lt3A_678 = arith.constant 0 : i32
    %lt3A_679 = arith.cmpi slt, %rem3A_675, %lt3A_678 : i32
    %lt3A_680 = arith.constant 0 : i32
    %lt3A_681 = arith.cmpi slt, %select_n3A_674, %lt3A_680 : i32
    %ne3A_682 = arith.xori %lt3A_679, %lt3A_681 : i1
    %and3A_683 = arith.andi %ne3A_682, %ne3A_677 : i1
    %add3A_684 = arith.addi %rem3A_675, %select_n3A_674 : i32
    %select_n3A_685 = arith.select %and3A_683, %add3A_684, %rem3A_675 : i32
    %jit3A_686 = arith.constant 16 : i32
    %div3A_687 = arith.divsi %add3A_645, %jit3A_686 : i32
    %sign3A_688 = arith.constant 0 : i32
    %sign3A_689 = arith.cmpi sgt, %add3A_645, %sign3A_688 : i32
    %sign3A_690 = arith.extui %sign3A_689 : i1 to i32
    %sign3A_691 = arith.constant 0 : i32
    %sign3A_692 = arith.cmpi slt, %add3A_645, %sign3A_691 : i32
    %sign3A_693 = arith.extui %sign3A_692 : i1 to i32
    %sign3A_694 = arith.subi %sign3A_690, %sign3A_693 : i32
    %sign3A_695 = arith.constant 0 : i32
    %sign3A_696 = arith.cmpi sgt, %jit3A_686, %sign3A_695 : i32
    %sign3A_697 = arith.extui %sign3A_696 : i1 to i32
    %sign3A_698 = arith.constant 0 : i32
    %sign3A_699 = arith.cmpi slt, %jit3A_686, %sign3A_698 : i32
    %sign3A_700 = arith.extui %sign3A_699 : i1 to i32
    %sign3A_701 = arith.subi %sign3A_697, %sign3A_700 : i32
    %ne3A_702 = arith.cmpi ne, %sign3A_694, %sign3A_701 : i32
    %rem3A_703 = arith.remsi %add3A_645, %jit3A_686 : i32
    %ne3A_704 = arith.constant 0 : i32
    %ne3A_705 = arith.cmpi ne, %rem3A_703, %ne3A_704 : i32
    %and3A_706 = arith.andi %ne3A_702, %ne3A_705 : i1
    %sub3A_707 = arith.constant 1 : i32
    %sub3A_708 = arith.subi %div3A_687, %sub3A_707 : i32
    %select_n3A_709 = arith.select %and3A_706, %sub3A_708, %div3A_687 : i32
    %mul3A_710 = arith.constant 16 : i32
    %mul3A_711 = arith.muli %select_n3A_709, %mul3A_710 : i32
    %get3A_712 = arith.index_cast %mul3A_711 : i32 to index
    %get3A_713 = tpu.vector_load %arg8[%get3A_712] {strides = array<i32>} : memref<256xi32, #tpu.memory_space<vmem>>, vector<16xi32>,
    %jit3A_714 = arith.constant 16 : i32
    %div3A_715 = arith.divsi %add3A_645, %jit3A_714 : i32
    %sign3A_716 = arith.constant 0 : i32
    %sign3A_717 = arith.cmpi sgt, %add3A_645, %sign3A_716 : i32
    %sign3A_718 = arith.extui %sign3A_717 : i1 to i32
    %sign3A_719 = arith.constant 0 : i32
    %sign3A_720 = arith.cmpi slt, %add3A_645, %sign3A_719 : i32
    %sign3A_721 = arith.extui %sign3A_720 : i1 to i32
    %sign3A_722 = arith.subi %sign3A_718, %sign3A_721 : i32
    %sign3A_723 = arith.constant 0 : i32
    %sign3A_724 = arith.cmpi sgt, %jit3A_714, %sign3A_723 : i32
    %sign3A_725 = arith.extui %sign3A_724 : i1 to i32
    %sign3A_726 = arith.constant 0 : i32
    %sign3A_727 = arith.cmpi slt, %jit3A_714, %sign3A_726 : i32
    %sign3A_728 = arith.extui %sign3A_727 : i1 to i32
    %sign3A_729 = arith.subi %sign3A_725, %sign3A_728 : i32
    %ne3A_730 = arith.cmpi ne, %sign3A_722, %sign3A_729 : i32
    %rem3A_731 = arith.remsi %add3A_645, %jit3A_714 : i32
    %ne3A_732 = arith.constant 0 : i32
    %ne3A_733 = arith.cmpi ne, %rem3A_731, %ne3A_732 : i32
    %and3A_734 = arith.andi %ne3A_730, %ne3A_733 : i1
    %sub3A_735 = arith.constant 1 : i32
    %sub3A_736 = arith.subi %div3A_715, %sub3A_735 : i32
    %select_n3A_737 = arith.select %and3A_734, %sub3A_736, %div3A_715 : i32
    %mul3A_738 = arith.constant 16 : i32
    %mul3A_739 = arith.muli %select_n3A_737, %mul3A_738 : i32
    %get3A_740 = arith.index_cast %mul3A_739 : i32 to index
    %get3A_741 = tpu.vector_load %arg9[%get3A_740] {strides = array<i32>} : memref<256xi32, #tpu.memory_space<vmem>>, vector<16xi32>,
    %eq3A_742 = vector.broadcast %select_n3A_685 : i32 to vector<16xi32>
    %eq3A_743 = arith.cmpi eq, %iota3A, %eq3A_742 : vector<16xi32>
    %jit3A_744 = arith.constant -1 : i32
    %broadcast_in_dim3A_745 = vector.broadcast %jit3A_744 : i32 to vector<16xi32>
    %select_n3A_746 = arith.select %eq3A_743, %get3A_713, %broadcast_in_dim3A_745 : vector<16xi1>, vector<16xi32>
    %reduce_max3A_747 = arith.constant true
    %reduce_max3A_748 = vector.broadcast %reduce_max3A_747 : i1 to vector<16xi1>
    %reduce_max3A_749 = arith.constant -2147483648 : i32
    %reduce_max3A_750 = vector.broadcast %reduce_max3A_749 : i32 to vector<16xi32>
    %reduce_max3A_751 = arith.xori %select_n3A_746, %reduce_max3A_750 : vector<16xi32>
    %reduce_max3A_752 = tpu.scan <max>, %reduce_max3A_751 masked %reduce_max3A_748 : vector<16xi32>, vector<16xi1> -> vector<16xi32>
    %reduce_max3A_753 = arith.xori %reduce_max3A_752, %reduce_max3A_750 : vector<16xi32>
    %reduce_max3A_754 = vector.extract %reduce_max3A_753[15] : i32 from vector<16xi32>
    %eq3A_755 = vector.broadcast %select_n3A_685 : i32 to vector<16xi32>
    %eq3A_756 = arith.cmpi eq, %iota3A, %eq3A_755 : vector<16xi32>
    %jit3A_757 = arith.constant -1 : i32
    %broadcast_in_dim3A_758 = vector.broadcast %jit3A_757 : i32 to vector<16xi32>
    %select_n3A_759 = arith.select %eq3A_756, %get3A_741, %broadcast_in_dim3A_758 : vector<16xi1>, vector<16xi32>
    %reduce_max3A_760 = arith.constant true
    %reduce_max3A_761 = vector.broadcast %reduce_max3A_760 : i1 to vector<16xi1>
    %reduce_max3A_762 = arith.constant -2147483648 : i32
    %reduce_max3A_763 = vector.broadcast %reduce_max3A_762 : i32 to vector<16xi32>
    %reduce_max3A_764 = arith.xori %select_n3A_759, %reduce_max3A_763 : vector<16xi32>
    %reduce_max3A_765 = tpu.scan <max>, %reduce_max3A_764 masked %reduce_max3A_761 : vector<16xi32>, vector<16xi1> -> vector<16xi32>
    %reduce_max3A_766 = arith.xori %reduce_max3A_765, %reduce_max3A_763 : vector<16xi32>
    %reduce_max3A_767 = vector.extract %reduce_max3A_766[15] : i32 from vector<16xi32>
    %multiple_of3A_768 = tpu.assume_multiple %reduce_max3A_754, 8 : i32
    %multiple_of3A_769 = tpu.assume_multiple %reduce_max3A_767, 128 : i32
    %mul3A_770 = arith.constant 8 : i32
    %mul3A_771 = arith.muli %add3A_645, %mul3A_770 : i32
    %multiple_of3A_772 = tpu.assume_multiple %mul3A_771, 8 : i32
    "tpu.region"() ({
      %run_scoped3A = tpu.sem_alloc : memref<!tpu.dma_semaphore, #tpu.memory_space<semaphore_mem>>
      %dma_start3A = arith.constant 0 : i32
      %dma_start3A_1035 = tpu.memref_slice %arg2[%multiple_of3A_772, %dma_start3A] : memref<2048x128xf32, #tpu.memory_space<hbm>> -> memref<8x128xf32, #tpu.memory_space<hbm>>
      %dma_start3A_1036 = arith.constant 0 : i32
      %dma_start3A_1037 = tpu.memref_slice %arg2[%multiple_of3A_772, %dma_start3A_1036] : memref<2048x128xf32, #tpu.memory_space<hbm>> -> memref<8x128xf32, #tpu.memory_space<hbm>>
      tpu.enqueue_dma source(%dma_start3A_1037 : memref<8x128xf32, #tpu.memory_space<hbm>>) target(%arg7 : memref<8x128xf32, #tpu.memory_space<vmem>>) target_semaphore(%run_scoped3A : memref<!tpu.dma_semaphore, #tpu.memory_space<semaphore_mem>>)
      %dma_wait3A = arith.constant 0 : i32
      %dma_wait3A_1038 = tpu.memref_slice %arg2[%multiple_of3A_772, %dma_wait3A] : memref<2048x128xf32, #tpu.memory_space<hbm>> -> memref<8x128xf32, #tpu.memory_space<hbm>>
      %dma_wait3A_1039 = arith.constant 0 : i32
      %dma_wait3A_1040 = tpu.memref_slice %arg2[%multiple_of3A_772, %dma_wait3A_1039] : memref<2048x128xf32, #tpu.memory_space<hbm>> -> memref<8x128xf32, #tpu.memory_space<hbm>>
      tpu.wait_dma2 semaphore(%run_scoped3A : memref<!tpu.dma_semaphore, #tpu.memory_space<semaphore_mem>>) src(%dma_wait3A_1040 : memref<8x128xf32, #tpu.memory_space<hbm>>) dst(%arg7 : memref<8x128xf32, #tpu.memory_space<vmem>>)
      tpu.yield
    }) : () -> ()
    "tpu.region"() ({
      %run_scoped3A = tpu.sem_alloc : memref<!tpu.dma_semaphore, #tpu.memory_space<semaphore_mem>>
      %dma_start3A = tpu.memref_slice %arg5[%select_n3A_669, %multiple_of3A_768, %multiple_of3A_769] : memref<4x2048x8192xf32, #tpu.memory_space<hbm>> -> memref<1x8x128xf32, #tpu.memory_space<hbm>>
      %dma_start3A_1035 = tpu.memref_squeeze %dma_start3A : memref<1x8x128xf32, #tpu.memory_space<hbm>> -> memref<8x128xf32, #tpu.memory_space<hbm>>
      %dma_start3A_1036 = tpu.memref_slice %arg5[%select_n3A_669, %multiple_of3A_768, %multiple_of3A_769] : memref<4x2048x8192xf32, #tpu.memory_space<hbm>> -> memref<1x8x128xf32, #tpu.memory_space<hbm>>
      %dma_start3A_1037 = tpu.memref_squeeze %dma_start3A_1036 : memref<1x8x128xf32, #tpu.memory_space<hbm>> -> memref<8x128xf32, #tpu.memory_space<hbm>>
      tpu.enqueue_dma source(%arg7 : memref<8x128xf32, #tpu.memory_space<vmem>>) target(%dma_start3A_1037 : memref<8x128xf32, #tpu.memory_space<hbm>>) target_semaphore(%run_scoped3A : memref<!tpu.dma_semaphore, #tpu.memory_space<semaphore_mem>>)
      %dma_wait3A = tpu.memref_slice %arg5[%select_n3A_669, %multiple_of3A_768, %multiple_of3A_769] : memref<4x2048x8192xf32, #tpu.memory_space<hbm>> -> memref<1x8x128xf32, #tpu.memory_space<hbm>>
      %dma_wait3A_1038 = tpu.memref_squeeze %dma_wait3A : memref<1x8x128xf32, #tpu.memory_space<hbm>> -> memref<8x128xf32, #tpu.memory_space<hbm>>
      %dma_wait3A_1039 = tpu.memref_slice %arg5[%select_n3A_669, %multiple_of3A_768, %multiple_of3A_769] : memref<4x2048x8192xf32, #tpu.memory_space<hbm>> -> memref<1x8x128xf32, #tpu.memory_space<hbm>>
      %dma_wait3A_1040 = tpu.memref_squeeze %dma_wait3A_1039 : memref<1x8x128xf32, #tpu.memory_space<hbm>> -> memref<8x128xf32, #tpu.memory_space<hbm>>
      tpu.wait_dma2 semaphore(%run_scoped3A : memref<!tpu.dma_semaphore, #tpu.memory_space<semaphore_mem>>) src(%arg7 : memref<8x128xf32, #tpu.memory_space<vmem>>) dst(%dma_wait3A_1040 : memref<8x128xf32, #tpu.memory_space<hbm>>)
      tpu.yield
    }) : () -> ()
    %mul3A_773 = arith.constant 8 : i32
    %mul3A_774 = arith.muli %add3A, %mul3A_773 : i32
    %add3A_775 = arith.constant 6 : i32
    %add3A_776 = arith.addi %mul3A_774, %add3A_775 : i32
    %jit3A_777 = arith.constant 64 : i32
    %div3A_778 = arith.divsi %add3A_776, %jit3A_777 : i32
    %sign3A_779 = arith.constant 0 : i32
    %sign3A_780 = arith.cmpi sgt, %add3A_776, %sign3A_779 : i32
    %sign3A_781 = arith.extui %sign3A_780 : i1 to i32
    %sign3A_782 = arith.constant 0 : i32
    %sign3A_783 = arith.cmpi slt, %add3A_776, %sign3A_782 : i32
    %sign3A_784 = arith.extui %sign3A_783 : i1 to i32
    %sign3A_785 = arith.subi %sign3A_781, %sign3A_784 : i32
    %sign3A_786 = arith.constant 0 : i32
    %sign3A_787 = arith.cmpi sgt, %jit3A_777, %sign3A_786 : i32
    %sign3A_788 = arith.extui %sign3A_787 : i1 to i32
    %sign3A_789 = arith.constant 0 : i32
    %sign3A_790 = arith.cmpi slt, %jit3A_777, %sign3A_789 : i32
    %sign3A_791 = arith.extui %sign3A_790 : i1 to i32
    %sign3A_792 = arith.subi %sign3A_788, %sign3A_791 : i32
    %ne3A_793 = arith.cmpi ne, %sign3A_785, %sign3A_792 : i32
    %rem3A_794 = arith.remsi %add3A_776, %jit3A_777 : i32
    %ne3A_795 = arith.constant 0 : i32
    %ne3A_796 = arith.cmpi ne, %rem3A_794, %ne3A_795 : i32
    %and3A_797 = arith.andi %ne3A_793, %ne3A_796 : i1
    %sub3A_798 = arith.constant 1 : i32
    %sub3A_799 = arith.subi %div3A_778, %sub3A_798 : i32
    %select_n3A_800 = arith.select %and3A_797, %sub3A_799, %div3A_778 : i32
    %jit3A_801 = arith.constant 16 : i32
    %eq3A_802 = arith.constant 0 : i32
    %eq3A_803 = arith.cmpi eq, %jit3A_801, %eq3A_802 : i32
    %jit3A_804 = arith.constant 1 : i32
    %select_n3A_805 = arith.select %eq3A_803, %jit3A_804, %jit3A_801 : i32
    %rem3A_806 = arith.remsi %add3A_776, %select_n3A_805 : i32
    %ne3A_807 = arith.constant 0 : i32
    %ne3A_808 = arith.cmpi ne, %rem3A_806, %ne3A_807 : i32
    %lt3A_809 = arith.constant 0 : i32
    %lt3A_810 = arith.cmpi slt, %rem3A_806, %lt3A_809 : i32
    %lt3A_811 = arith.constant 0 : i32
    %lt3A_812 = arith.cmpi slt, %select_n3A_805, %lt3A_811 : i32
    %ne3A_813 = arith.xori %lt3A_810, %lt3A_812 : i1
    %and3A_814 = arith.andi %ne3A_813, %ne3A_808 : i1
    %add3A_815 = arith.addi %rem3A_806, %select_n3A_805 : i32
    %select_n3A_816 = arith.select %and3A_814, %add3A_815, %rem3A_806 : i32
    %jit3A_817 = arith.constant 16 : i32
    %div3A_818 = arith.divsi %add3A_776, %jit3A_817 : i32
    %sign3A_819 = arith.constant 0 : i32
    %sign3A_820 = arith.cmpi sgt, %add3A_776, %sign3A_819 : i32
    %sign3A_821 = arith.extui %sign3A_820 : i1 to i32
    %sign3A_822 = arith.constant 0 : i32
    %sign3A_823 = arith.cmpi slt, %add3A_776, %sign3A_822 : i32
    %sign3A_824 = arith.extui %sign3A_823 : i1 to i32
    %sign3A_825 = arith.subi %sign3A_821, %sign3A_824 : i32
    %sign3A_826 = arith.constant 0 : i32
    %sign3A_827 = arith.cmpi sgt, %jit3A_817, %sign3A_826 : i32
    %sign3A_828 = arith.extui %sign3A_827 : i1 to i32
    %sign3A_829 = arith.constant 0 : i32
    %sign3A_830 = arith.cmpi slt, %jit3A_817, %sign3A_829 : i32
    %sign3A_831 = arith.extui %sign3A_830 : i1 to i32
    %sign3A_832 = arith.subi %sign3A_828, %sign3A_831 : i32
    %ne3A_833 = arith.cmpi ne, %sign3A_825, %sign3A_832 : i32
    %rem3A_834 = arith.remsi %add3A_776, %jit3A_817 : i32
    %ne3A_835 = arith.constant 0 : i32
    %ne3A_836 = arith.cmpi ne, %rem3A_834, %ne3A_835 : i32
    %and3A_837 = arith.andi %ne3A_833, %ne3A_836 : i1
    %sub3A_838 = arith.constant 1 : i32
    %sub3A_839 = arith.subi %div3A_818, %sub3A_838 : i32
    %select_n3A_840 = arith.select %and3A_837, %sub3A_839, %div3A_818 : i32
    %mul3A_841 = arith.constant 16 : i32
    %mul3A_842 = arith.muli %select_n3A_840, %mul3A_841 : i32
    %get3A_843 = arith.index_cast %mul3A_842 : i32 to index
    %get3A_844 = tpu.vector_load %arg8[%get3A_843] {strides = array<i32>} : memref<256xi32, #tpu.memory_space<vmem>>, vector<16xi32>,
    %jit3A_845 = arith.constant 16 : i32
    %div3A_846 = arith.divsi %add3A_776, %jit3A_845 : i32
    %sign3A_847 = arith.constant 0 : i32
    %sign3A_848 = arith.cmpi sgt, %add3A_776, %sign3A_847 : i32
    %sign3A_849 = arith.extui %sign3A_848 : i1 to i32
    %sign3A_850 = arith.constant 0 : i32
    %sign3A_851 = arith.cmpi slt, %add3A_776, %sign3A_850 : i32
    %sign3A_852 = arith.extui %sign3A_851 : i1 to i32
    %sign3A_853 = arith.subi %sign3A_849, %sign3A_852 : i32
    %sign3A_854 = arith.constant 0 : i32
    %sign3A_855 = arith.cmpi sgt, %jit3A_845, %sign3A_854 : i32
    %sign3A_856 = arith.extui %sign3A_855 : i1 to i32
    %sign3A_857 = arith.constant 0 : i32
    %sign3A_858 = arith.cmpi slt, %jit3A_845, %sign3A_857 : i32
    %sign3A_859 = arith.extui %sign3A_858 : i1 to i32
    %sign3A_860 = arith.subi %sign3A_856, %sign3A_859 : i32
    %ne3A_861 = arith.cmpi ne, %sign3A_853, %sign3A_860 : i32
    %rem3A_862 = arith.remsi %add3A_776, %jit3A_845 : i32
    %ne3A_863 = arith.constant 0 : i32
    %ne3A_864 = arith.cmpi ne, %rem3A_862, %ne3A_863 : i32
    %and3A_865 = arith.andi %ne3A_861, %ne3A_864 : i1
    %sub3A_866 = arith.constant 1 : i32
    %sub3A_867 = arith.subi %div3A_846, %sub3A_866 : i32
    %select_n3A_868 = arith.select %and3A_865, %sub3A_867, %div3A_846 : i32
    %mul3A_869 = arith.constant 16 : i32
    %mul3A_870 = arith.muli %select_n3A_868, %mul3A_869 : i32
    %get3A_871 = arith.index_cast %mul3A_870 : i32 to index
    %get3A_872 = tpu.vector_load %arg9[%get3A_871] {strides = array<i32>} : memref<256xi32, #tpu.memory_space<vmem>>, vector<16xi32>,
    %eq3A_873 = vector.broadcast %select_n3A_816 : i32 to vector<16xi32>
    %eq3A_874 = arith.cmpi eq, %iota3A, %eq3A_873 : vector<16xi32>
    %jit3A_875 = arith.constant -1 : i32
    %broadcast_in_dim3A_876 = vector.broadcast %jit3A_875 : i32 to vector<16xi32>
    %select_n3A_877 = arith.select %eq3A_874, %get3A_844, %broadcast_in_dim3A_876 : vector<16xi1>, vector<16xi32>
    %reduce_max3A_878 = arith.constant true
    %reduce_max3A_879 = vector.broadcast %reduce_max3A_878 : i1 to vector<16xi1>
    %reduce_max3A_880 = arith.constant -2147483648 : i32
    %reduce_max3A_881 = vector.broadcast %reduce_max3A_880 : i32 to vector<16xi32>
    %reduce_max3A_882 = arith.xori %select_n3A_877, %reduce_max3A_881 : vector<16xi32>
    %reduce_max3A_883 = tpu.scan <max>, %reduce_max3A_882 masked %reduce_max3A_879 : vector<16xi32>, vector<16xi1> -> vector<16xi32>
    %reduce_max3A_884 = arith.xori %reduce_max3A_883, %reduce_max3A_881 : vector<16xi32>
    %reduce_max3A_885 = vector.extract %reduce_max3A_884[15] : i32 from vector<16xi32>
    %eq3A_886 = vector.broadcast %select_n3A_816 : i32 to vector<16xi32>
    %eq3A_887 = arith.cmpi eq, %iota3A, %eq3A_886 : vector<16xi32>
    %jit3A_888 = arith.constant -1 : i32
    %broadcast_in_dim3A_889 = vector.broadcast %jit3A_888 : i32 to vector<16xi32>
    %select_n3A_890 = arith.select %eq3A_887, %get3A_872, %broadcast_in_dim3A_889 : vector<16xi1>, vector<16xi32>
    %reduce_max3A_891 = arith.constant true
    %reduce_max3A_892 = vector.broadcast %reduce_max3A_891 : i1 to vector<16xi1>
    %reduce_max3A_893 = arith.constant -2147483648 : i32
    %reduce_max3A_894 = vector.broadcast %reduce_max3A_893 : i32 to vector<16xi32>
    %reduce_max3A_895 = arith.xori %select_n3A_890, %reduce_max3A_894 : vector<16xi32>
    %reduce_max3A_896 = tpu.scan <max>, %reduce_max3A_895 masked %reduce_max3A_892 : vector<16xi32>, vector<16xi1> -> vector<16xi32>
    %reduce_max3A_897 = arith.xori %reduce_max3A_896, %reduce_max3A_894 : vector<16xi32>
    %reduce_max3A_898 = vector.extract %reduce_max3A_897[15] : i32 from vector<16xi32>
    %multiple_of3A_899 = tpu.assume_multiple %reduce_max3A_885, 8 : i32
    %multiple_of3A_900 = tpu.assume_multiple %reduce_max3A_898, 128 : i32
    %mul3A_901 = arith.constant 8 : i32
    %mul3A_902 = arith.muli %add3A_776, %mul3A_901 : i32
    %multiple_of3A_903 = tpu.assume_multiple %mul3A_902, 8 : i32
    "tpu.region"() ({
      %run_scoped3A = tpu.sem_alloc : memref<!tpu.dma_semaphore, #tpu.memory_space<semaphore_mem>>
      %dma_start3A = arith.constant 0 : i32
      %dma_start3A_1035 = tpu.memref_slice %arg2[%multiple_of3A_903, %dma_start3A] : memref<2048x128xf32, #tpu.memory_space<hbm>> -> memref<8x128xf32, #tpu.memory_space<hbm>>
      %dma_start3A_1036 = arith.constant 0 : i32
      %dma_start3A_1037 = tpu.memref_slice %arg2[%multiple_of3A_903, %dma_start3A_1036] : memref<2048x128xf32, #tpu.memory_space<hbm>> -> memref<8x128xf32, #tpu.memory_space<hbm>>
      tpu.enqueue_dma source(%dma_start3A_1037 : memref<8x128xf32, #tpu.memory_space<hbm>>) target(%arg7 : memref<8x128xf32, #tpu.memory_space<vmem>>) target_semaphore(%run_scoped3A : memref<!tpu.dma_semaphore, #tpu.memory_space<semaphore_mem>>)
      %dma_wait3A = arith.constant 0 : i32
      %dma_wait3A_1038 = tpu.memref_slice %arg2[%multiple_of3A_903, %dma_wait3A] : memref<2048x128xf32, #tpu.memory_space<hbm>> -> memref<8x128xf32, #tpu.memory_space<hbm>>
      %dma_wait3A_1039 = arith.constant 0 : i32
      %dma_wait3A_1040 = tpu.memref_slice %arg2[%multiple_of3A_903, %dma_wait3A_1039] : memref<2048x128xf32, #tpu.memory_space<hbm>> -> memref<8x128xf32, #tpu.memory_space<hbm>>
      tpu.wait_dma2 semaphore(%run_scoped3A : memref<!tpu.dma_semaphore, #tpu.memory_space<semaphore_mem>>) src(%dma_wait3A_1040 : memref<8x128xf32, #tpu.memory_space<hbm>>) dst(%arg7 : memref<8x128xf32, #tpu.memory_space<vmem>>)
      tpu.yield
    }) : () -> ()
    "tpu.region"() ({
      %run_scoped3A = tpu.sem_alloc : memref<!tpu.dma_semaphore, #tpu.memory_space<semaphore_mem>>
      %dma_start3A = tpu.memref_slice %arg5[%select_n3A_800, %multiple_of3A_899, %multiple_of3A_900] : memref<4x2048x8192xf32, #tpu.memory_space<hbm>> -> memref<1x8x128xf32, #tpu.memory_space<hbm>>
      %dma_start3A_1035 = tpu.memref_squeeze %dma_start3A : memref<1x8x128xf32, #tpu.memory_space<hbm>> -> memref<8x128xf32, #tpu.memory_space<hbm>>
      %dma_start3A_1036 = tpu.memref_slice %arg5[%select_n3A_800, %multiple_of3A_899, %multiple_of3A_900] : memref<4x2048x8192xf32, #tpu.memory_space<hbm>> -> memref<1x8x128xf32, #tpu.memory_space<hbm>>
      %dma_start3A_1037 = tpu.memref_squeeze %dma_start3A_1036 : memref<1x8x128xf32, #tpu.memory_space<hbm>> -> memref<8x128xf32, #tpu.memory_space<hbm>>
      tpu.enqueue_dma source(%arg7 : memref<8x128xf32, #tpu.memory_space<vmem>>) target(%dma_start3A_1037 : memref<8x128xf32, #tpu.memory_space<hbm>>) target_semaphore(%run_scoped3A : memref<!tpu.dma_semaphore, #tpu.memory_space<semaphore_mem>>)
      %dma_wait3A = tpu.memref_slice %arg5[%select_n3A_800, %multiple_of3A_899, %multiple_of3A_900] : memref<4x2048x8192xf32, #tpu.memory_space<hbm>> -> memref<1x8x128xf32, #tpu.memory_space<hbm>>
      %dma_wait3A_1038 = tpu.memref_squeeze %dma_wait3A : memref<1x8x128xf32, #tpu.memory_space<hbm>> -> memref<8x128xf32, #tpu.memory_space<hbm>>
      %dma_wait3A_1039 = tpu.memref_slice %arg5[%select_n3A_800, %multiple_of3A_899, %multiple_of3A_900] : memref<4x2048x8192xf32, #tpu.memory_space<hbm>> -> memref<1x8x128xf32, #tpu.memory_space<hbm>>
      %dma_wait3A_1040 = tpu.memref_squeeze %dma_wait3A_1039 : memref<1x8x128xf32, #tpu.memory_space<hbm>> -> memref<8x128xf32, #tpu.memory_space<hbm>>
      tpu.wait_dma2 semaphore(%run_scoped3A : memref<!tpu.dma_semaphore, #tpu.memory_space<semaphore_mem>>) src(%arg7 : memref<8x128xf32, #tpu.memory_space<vmem>>) dst(%dma_wait3A_1040 : memref<8x128xf32, #tpu.memory_space<hbm>>)
      tpu.yield
    }) : () -> ()
    %mul3A_904 = arith.constant 8 : i32
    %mul3A_905 = arith.muli %add3A, %mul3A_904 : i32
    %add3A_906 = arith.constant 7 : i32
    %add3A_907 = arith.addi %mul3A_905, %add3A_906 : i32
    %jit3A_908 = arith.constant 64 : i32
    %div3A_909 = arith.divsi %add3A_907, %jit3A_908 : i32
    %sign3A_910 = arith.constant 0 : i32
    %sign3A_911 = arith.cmpi sgt, %add3A_907, %sign3A_910 : i32
    %sign3A_912 = arith.extui %sign3A_911 : i1 to i32
    %sign3A_913 = arith.constant 0 : i32
    %sign3A_914 = arith.cmpi slt, %add3A_907, %sign3A_913 : i32
    %sign3A_915 = arith.extui %sign3A_914 : i1 to i32
    %sign3A_916 = arith.subi %sign3A_912, %sign3A_915 : i32
    %sign3A_917 = arith.constant 0 : i32
    %sign3A_918 = arith.cmpi sgt, %jit3A_908, %sign3A_917 : i32
    %sign3A_919 = arith.extui %sign3A_918 : i1 to i32
    %sign3A_920 = arith.constant 0 : i32
    %sign3A_921 = arith.cmpi slt, %jit3A_908, %sign3A_920 : i32
    %sign3A_922 = arith.extui %sign3A_921 : i1 to i32
    %sign3A_923 = arith.subi %sign3A_919, %sign3A_922 : i32
    %ne3A_924 = arith.cmpi ne, %sign3A_916, %sign3A_923 : i32
    %rem3A_925 = arith.remsi %add3A_907, %jit3A_908 : i32
    %ne3A_926 = arith.constant 0 : i32
    %ne3A_927 = arith.cmpi ne, %rem3A_925, %ne3A_926 : i32
    %and3A_928 = arith.andi %ne3A_924, %ne3A_927 : i1
    %sub3A_929 = arith.constant 1 : i32
    %sub3A_930 = arith.subi %div3A_909, %sub3A_929 : i32
    %select_n3A_931 = arith.select %and3A_928, %sub3A_930, %div3A_909 : i32
    %jit3A_932 = arith.constant 16 : i32
    %eq3A_933 = arith.constant 0 : i32
    %eq3A_934 = arith.cmpi eq, %jit3A_932, %eq3A_933 : i32
    %jit3A_935 = arith.constant 1 : i32
    %select_n3A_936 = arith.select %eq3A_934, %jit3A_935, %jit3A_932 : i32
    %rem3A_937 = arith.remsi %add3A_907, %select_n3A_936 : i32
    %ne3A_938 = arith.constant 0 : i32
    %ne3A_939 = arith.cmpi ne, %rem3A_937, %ne3A_938 : i32
    %lt3A_940 = arith.constant 0 : i32
    %lt3A_941 = arith.cmpi slt, %rem3A_937, %lt3A_940 : i32
    %lt3A_942 = arith.constant 0 : i32
    %lt3A_943 = arith.cmpi slt, %select_n3A_936, %lt3A_942 : i32
    %ne3A_944 = arith.xori %lt3A_941, %lt3A_943 : i1
    %and3A_945 = arith.andi %ne3A_944, %ne3A_939 : i1
    %add3A_946 = arith.addi %rem3A_937, %select_n3A_936 : i32
    %select_n3A_947 = arith.select %and3A_945, %add3A_946, %rem3A_937 : i32
    %jit3A_948 = arith.constant 16 : i32
    %div3A_949 = arith.divsi %add3A_907, %jit3A_948 : i32
    %sign3A_950 = arith.constant 0 : i32
    %sign3A_951 = arith.cmpi sgt, %add3A_907, %sign3A_950 : i32
    %sign3A_952 = arith.extui %sign3A_951 : i1 to i32
    %sign3A_953 = arith.constant 0 : i32
    %sign3A_954 = arith.cmpi slt, %add3A_907, %sign3A_953 : i32
    %sign3A_955 = arith.extui %sign3A_954 : i1 to i32
    %sign3A_956 = arith.subi %sign3A_952, %sign3A_955 : i32
    %sign3A_957 = arith.constant 0 : i32
    %sign3A_958 = arith.cmpi sgt, %jit3A_948, %sign3A_957 : i32
    %sign3A_959 = arith.extui %sign3A_958 : i1 to i32
    %sign3A_960 = arith.constant 0 : i32
    %sign3A_961 = arith.cmpi slt, %jit3A_948, %sign3A_960 : i32
    %sign3A_962 = arith.extui %sign3A_961 : i1 to i32
    %sign3A_963 = arith.subi %sign3A_959, %sign3A_962 : i32
    %ne3A_964 = arith.cmpi ne, %sign3A_956, %sign3A_963 : i32
    %rem3A_965 = arith.remsi %add3A_907, %jit3A_948 : i32
    %ne3A_966 = arith.constant 0 : i32
    %ne3A_967 = arith.cmpi ne, %rem3A_965, %ne3A_966 : i32
    %and3A_968 = arith.andi %ne3A_964, %ne3A_967 : i1
    %sub3A_969 = arith.constant 1 : i32
    %sub3A_970 = arith.subi %div3A_949, %sub3A_969 : i32
    %select_n3A_971 = arith.select %and3A_968, %sub3A_970, %div3A_949 : i32
    %mul3A_972 = arith.constant 16 : i32
    %mul3A_973 = arith.muli %select_n3A_971, %mul3A_972 : i32
    %get3A_974 = arith.index_cast %mul3A_973 : i32 to index
    %get3A_975 = tpu.vector_load %arg8[%get3A_974] {strides = array<i32>} : memref<256xi32, #tpu.memory_space<vmem>>, vector<16xi32>,
    %jit3A_976 = arith.constant 16 : i32
    %div3A_977 = arith.divsi %add3A_907, %jit3A_976 : i32
    %sign3A_978 = arith.constant 0 : i32
    %sign3A_979 = arith.cmpi sgt, %add3A_907, %sign3A_978 : i32
    %sign3A_980 = arith.extui %sign3A_979 : i1 to i32
    %sign3A_981 = arith.constant 0 : i32
    %sign3A_982 = arith.cmpi slt, %add3A_907, %sign3A_981 : i32
    %sign3A_983 = arith.extui %sign3A_982 : i1 to i32
    %sign3A_984 = arith.subi %sign3A_980, %sign3A_983 : i32
    %sign3A_985 = arith.constant 0 : i32
    %sign3A_986 = arith.cmpi sgt, %jit3A_976, %sign3A_985 : i32
    %sign3A_987 = arith.extui %sign3A_986 : i1 to i32
    %sign3A_988 = arith.constant 0 : i32
    %sign3A_989 = arith.cmpi slt, %jit3A_976, %sign3A_988 : i32
    %sign3A_990 = arith.extui %sign3A_989 : i1 to i32
    %sign3A_991 = arith.subi %sign3A_987, %sign3A_990 : i32
    %ne3A_992 = arith.cmpi ne, %sign3A_984, %sign3A_991 : i32
    %rem3A_993 = arith.remsi %add3A_907, %jit3A_976 : i32
    %ne3A_994 = arith.constant 0 : i32
    %ne3A_995 = arith.cmpi ne, %rem3A_993, %ne3A_994 : i32
    %and3A_996 = arith.andi %ne3A_992, %ne3A_995 : i1
    %sub3A_997 = arith.constant 1 : i32
    %sub3A_998 = arith.subi %div3A_977, %sub3A_997 : i32
    %select_n3A_999 = arith.select %and3A_996, %sub3A_998, %div3A_977 : i32
    %mul3A_1000 = arith.constant 16 : i32
    %mul3A_1001 = arith.muli %select_n3A_999, %mul3A_1000 : i32
    %get3A_1002 = arith.index_cast %mul3A_1001 : i32 to index
    %get3A_1003 = tpu.vector_load %arg9[%get3A_1002] {strides = array<i32>} : memref<256xi32, #tpu.memory_space<vmem>>, vector<16xi32>,
    %eq3A_1004 = vector.broadcast %select_n3A_947 : i32 to vector<16xi32>
    %eq3A_1005 = arith.cmpi eq, %iota3A, %eq3A_1004 : vector<16xi32>
    %jit3A_1006 = arith.constant -1 : i32
    %broadcast_in_dim3A_1007 = vector.broadcast %jit3A_1006 : i32 to vector<16xi32>
    %select_n3A_1008 = arith.select %eq3A_1005, %get3A_975, %broadcast_in_dim3A_1007 : vector<16xi1>, vector<16xi32>
    %reduce_max3A_1009 = arith.constant true
    %reduce_max3A_1010 = vector.broadcast %reduce_max3A_1009 : i1 to vector<16xi1>
    %reduce_max3A_1011 = arith.constant -2147483648 : i32
    %reduce_max3A_1012 = vector.broadcast %reduce_max3A_1011 : i32 to vector<16xi32>
    %reduce_max3A_1013 = arith.xori %select_n3A_1008, %reduce_max3A_1012 : vector<16xi32>
    %reduce_max3A_1014 = tpu.scan <max>, %reduce_max3A_1013 masked %reduce_max3A_1010 : vector<16xi32>, vector<16xi1> -> vector<16xi32>
    %reduce_max3A_1015 = arith.xori %reduce_max3A_1014, %reduce_max3A_1012 : vector<16xi32>
    %reduce_max3A_1016 = vector.extract %reduce_max3A_1015[15] : i32 from vector<16xi32>
    %eq3A_1017 = vector.broadcast %select_n3A_947 : i32 to vector<16xi32>
    %eq3A_1018 = arith.cmpi eq, %iota3A, %eq3A_1017 : vector<16xi32>
    %jit3A_1019 = arith.constant -1 : i32
    %broadcast_in_dim3A_1020 = vector.broadcast %jit3A_1019 : i32 to vector<16xi32>
    %select_n3A_1021 = arith.select %eq3A_1018, %get3A_1003, %broadcast_in_dim3A_1020 : vector<16xi1>, vector<16xi32>
    %reduce_max3A_1022 = arith.constant true
    %reduce_max3A_1023 = vector.broadcast %reduce_max3A_1022 : i1 to vector<16xi1>
    %reduce_max3A_1024 = arith.constant -2147483648 : i32
    %reduce_max3A_1025 = vector.broadcast %reduce_max3A_1024 : i32 to vector<16xi32>
    %reduce_max3A_1026 = arith.xori %select_n3A_1021, %reduce_max3A_1025 : vector<16xi32>
    %reduce_max3A_1027 = tpu.scan <max>, %reduce_max3A_1026 masked %reduce_max3A_1023 : vector<16xi32>, vector<16xi1> -> vector<16xi32>
    %reduce_max3A_1028 = arith.xori %reduce_max3A_1027, %reduce_max3A_1025 : vector<16xi32>
    %reduce_max3A_1029 = vector.extract %reduce_max3A_1028[15] : i32 from vector<16xi32>
    %multiple_of3A_1030 = tpu.assume_multiple %reduce_max3A_1016, 8 : i32
    %multiple_of3A_1031 = tpu.assume_multiple %reduce_max3A_1029, 128 : i32
    %mul3A_1032 = arith.constant 8 : i32
    %mul3A_1033 = arith.muli %add3A_907, %mul3A_1032 : i32
    %multiple_of3A_1034 = tpu.assume_multiple %mul3A_1033, 8 : i32
    "tpu.region"() ({
      %run_scoped3A = tpu.sem_alloc : memref<!tpu.dma_semaphore, #tpu.memory_space<semaphore_mem>>
      %dma_start3A = arith.constant 0 : i32
      %dma_start3A_1035 = tpu.memref_slice %arg2[%multiple_of3A_1034, %dma_start3A] : memref<2048x128xf32, #tpu.memory_space<hbm>> -> memref<8x128xf32, #tpu.memory_space<hbm>>
      %dma_start3A_1036 = arith.constant 0 : i32
      %dma_start3A_1037 = tpu.memref_slice %arg2[%multiple_of3A_1034, %dma_start3A_1036] : memref<2048x128xf32, #tpu.memory_space<hbm>> -> memref<8x128xf32, #tpu.memory_space<hbm>>
      tpu.enqueue_dma source(%dma_start3A_1037 : memref<8x128xf32, #tpu.memory_space<hbm>>) target(%arg7 : memref<8x128xf32, #tpu.memory_space<vmem>>) target_semaphore(%run_scoped3A : memref<!tpu.dma_semaphore, #tpu.memory_space<semaphore_mem>>)
      %dma_wait3A = arith.constant 0 : i32
      %dma_wait3A_1038 = tpu.memref_slice %arg2[%multiple_of3A_1034, %dma_wait3A] : memref<2048x128xf32, #tpu.memory_space<hbm>> -> memref<8x128xf32, #tpu.memory_space<hbm>>
      %dma_wait3A_1039 = arith.constant 0 : i32
      %dma_wait3A_1040 = tpu.memref_slice %arg2[%multiple_of3A_1034, %dma_wait3A_1039] : memref<2048x128xf32, #tpu.memory_space<hbm>> -> memref<8x128xf32, #tpu.memory_space<hbm>>
      tpu.wait_dma2 semaphore(%run_scoped3A : memref<!tpu.dma_semaphore, #tpu.memory_space<semaphore_mem>>) src(%dma_wait3A_1040 : memref<8x128xf32, #tpu.memory_space<hbm>>) dst(%arg7 : memref<8x128xf32, #tpu.memory_space<vmem>>)
      tpu.yield
    }) : () -> ()
    "tpu.region"() ({
      %run_scoped3A = tpu.sem_alloc : memref<!tpu.dma_semaphore, #tpu.memory_space<semaphore_mem>>
      %dma_start3A = tpu.memref_slice %arg5[%select_n3A_931, %multiple_of3A_1030, %multiple_of3A_1031] : memref<4x2048x8192xf32, #tpu.memory_space<hbm>> -> memref<1x8x128xf32, #tpu.memory_space<hbm>>
      %dma_start3A_1035 = tpu.memref_squeeze %dma_start3A : memref<1x8x128xf32, #tpu.memory_space<hbm>> -> memref<8x128xf32, #tpu.memory_space<hbm>>
      %dma_start3A_1036 = tpu.memref_slice %arg5[%select_n3A_931, %multiple_of3A_1030, %multiple_of3A_1031] : memref<4x2048x8192xf32, #tpu.memory_space<hbm>> -> memref<1x8x128xf32, #tpu.memory_space<hbm>>
      %dma_start3A_1037 = tpu.memref_squeeze %dma_start3A_1036 : memref<1x8x128xf32, #tpu.memory_space<hbm>> -> memref<8x128xf32, #tpu.memory_space<hbm>>
      tpu.enqueue_dma source(%arg7 : memref<8x128xf32, #tpu.memory_space<vmem>>) target(%dma_start3A_1037 : memref<8x128xf32, #tpu.memory_space<hbm>>) target_semaphore(%run_scoped3A : memref<!tpu.dma_semaphore, #tpu.memory_space<semaphore_mem>>)
      %dma_wait3A = tpu.memref_slice %arg5[%select_n3A_931, %multiple_of3A_1030, %multiple_of3A_1031] : memref<4x2048x8192xf32, #tpu.memory_space<hbm>> -> memref<1x8x128xf32, #tpu.memory_space<hbm>>
      %dma_wait3A_1038 = tpu.memref_squeeze %dma_wait3A : memref<1x8x128xf32, #tpu.memory_space<hbm>> -> memref<8x128xf32, #tpu.memory_space<hbm>>
      %dma_wait3A_1039 = tpu.memref_slice %arg5[%select_n3A_931, %multiple_of3A_1030, %multiple_of3A_1031] : memref<4x2048x8192xf32, #tpu.memory_space<hbm>> -> memref<1x8x128xf32, #tpu.memory_space<hbm>>
      %dma_wait3A_1040 = tpu.memref_squeeze %dma_wait3A_1039 : memref<1x8x128xf32, #tpu.memory_space<hbm>> -> memref<8x128xf32, #tpu.memory_space<hbm>>
      tpu.wait_dma2 semaphore(%run_scoped3A : memref<!tpu.dma_semaphore, #tpu.memory_space<semaphore_mem>>) src(%arg7 : memref<8x128xf32, #tpu.memory_space<vmem>>) dst(%dma_wait3A_1040 : memref<8x128xf32, #tpu.memory_space<hbm>>)
      tpu.yield
    }) : () -> ()
    return
  }
}

#map = affine_map<(d0, d1) -> (0, 0, 0)>
module attributes {stable_mosaic.version = 14 : i64} {
  func.func @_fill_body(%arg0: i32, %arg1: i32, %arg2: memref<4x2048x8192xf32, #tpu.memory_space<hbm>>, %arg3: memref<8x8192xf32, #tpu.memory_space<vmem>>) attributes {dimension_semantics = [#tpu.dimension_semantics<core_parallel>, #tpu.dimension_semantics<subcore_parallel>], iteration_bounds = array<i64: 2, 16>, scalar_prefetch = 0 : i64, scratch_operands = 1 : i64, tpu.core_type = #tpu.core_type<sc_vector_subcore>, window_params = [{transform_indices = #map}]} {
    %mul3A = arith.constant 2 : i32
    %mul3A_0 = arith.muli %arg1, %mul3A : i32
    %add3A = arith.addi %mul3A_0, %arg0 : i32
    %broadcast_in_dim3A = arith.constant 0.000000e+00 : f32
    %broadcast_in_dim3A_1 = vector.broadcast %broadcast_in_dim3A : f32 to vector<16xf32>
    %scan3A = arith.constant 0 : i32
    %scan3A_2 = arith.constant 0 : i32
    %scan3A_3 = arith.constant 4096 : i32
    %scan3A_4 = arith.addi %scan3A_2, %scan3A_3 : i32
    %scan3A_5 = arith.constant 1 : i32
    scf.for %scan3A_165 = %scan3A_2 to %scan3A_4 step %scan3A_5  : i32 {
      %jit3A_166 = arith.constant 512 : i32
      %div3A_167 = arith.divsi %scan3A_165, %jit3A_166 : i32
      %sign3A_168 = arith.constant 0 : i32
      %sign3A_169 = arith.cmpi sgt, %scan3A_165, %sign3A_168 : i32
      %sign3A_170 = arith.extui %sign3A_169 : i1 to i32
      %sign3A_171 = arith.constant 0 : i32
      %sign3A_172 = arith.cmpi slt, %scan3A_165, %sign3A_171 : i32
      %sign3A_173 = arith.extui %sign3A_172 : i1 to i32
      %sign3A_174 = arith.subi %sign3A_170, %sign3A_173 : i32
      %sign3A_175 = arith.constant 0 : i32
      %sign3A_176 = arith.cmpi sgt, %jit3A_166, %sign3A_175 : i32
      %sign3A_177 = arith.extui %sign3A_176 : i1 to i32
      %sign3A_178 = arith.constant 0 : i32
      %sign3A_179 = arith.cmpi slt, %jit3A_166, %sign3A_178 : i32
      %sign3A_180 = arith.extui %sign3A_179 : i1 to i32
      %sign3A_181 = arith.subi %sign3A_177, %sign3A_180 : i32
      %ne3A_182 = arith.cmpi ne, %sign3A_174, %sign3A_181 : i32
      %rem3A_183 = arith.remsi %scan3A_165, %jit3A_166 : i32
      %ne3A_184 = arith.constant 0 : i32
      %ne3A_185 = arith.cmpi ne, %rem3A_183, %ne3A_184 : i32
      %and3A_186 = arith.andi %ne3A_182, %ne3A_185 : i1
      %sub3A_187 = arith.constant 1 : i32
      %sub3A_188 = arith.subi %div3A_167, %sub3A_187 : i32
      %select_n3A_189 = arith.select %and3A_186, %sub3A_188, %div3A_167 : i32
      %jit3A_190 = arith.constant 512 : i32
      %eq3A_191 = arith.constant 0 : i32
      %eq3A_192 = arith.cmpi eq, %jit3A_190, %eq3A_191 : i32
      %jit3A_193 = arith.constant 1 : i32
      %select_n3A_194 = arith.select %eq3A_192, %jit3A_193, %jit3A_190 : i32
      %rem3A_195 = arith.remsi %scan3A_165, %select_n3A_194 : i32
      %ne3A_196 = arith.constant 0 : i32
      %ne3A_197 = arith.cmpi ne, %rem3A_195, %ne3A_196 : i32
      %lt3A_198 = arith.constant 0 : i32
      %lt3A_199 = arith.cmpi slt, %rem3A_195, %lt3A_198 : i32
      %lt3A_200 = arith.constant 0 : i32
      %lt3A_201 = arith.cmpi slt, %select_n3A_194, %lt3A_200 : i32
      %ne3A_202 = arith.xori %lt3A_199, %lt3A_201 : i1
      %and3A_203 = arith.andi %ne3A_202, %ne3A_197 : i1
      %add3A_204 = arith.addi %rem3A_195, %select_n3A_194 : i32
      %select_n3A_205 = arith.select %and3A_203, %add3A_204, %rem3A_195 : i32
      %mul3A_206 = arith.constant 16 : i32
      %mul3A_207 = arith.muli %select_n3A_205, %mul3A_206 : i32
      %swap3A = arith.index_cast %select_n3A_189 : i32 to index
      %swap3A_208 = arith.index_cast %mul3A_207 : i32 to index
      %swap3A_209 = tpu.vector_load %arg3[%swap3A, %swap3A_208] {strides = array<i32>} : memref<8x8192xf32, #tpu.memory_space<vmem>>, vector<1x16xf32>,
      %swap3A_210 = vector.shape_cast %swap3A_209 : vector<1x16xf32> to vector<16xf32>
      %swap3A_211 = vector.shape_cast %broadcast_in_dim3A_1 : vector<16xf32> to vector<1x16xf32>
      tpu.vector_store %arg3[%swap3A, %swap3A_208], %swap3A_211 {strides = array<i32>} : memref<8x8192xf32, #tpu.memory_space<vmem>>, vector<1x16xf32>,
    }
    %scan3A_6 = arith.constant 4096 : i32
    %jit3A = arith.constant 8 : i32
    %div3A = arith.divsi %add3A, %jit3A : i32
    %sign3A = arith.constant 0 : i32
    %sign3A_7 = arith.cmpi sgt, %add3A, %sign3A : i32
    %sign3A_8 = arith.extui %sign3A_7 : i1 to i32
    %sign3A_9 = arith.constant 0 : i32
    %sign3A_10 = arith.cmpi slt, %add3A, %sign3A_9 : i32
    %sign3A_11 = arith.extui %sign3A_10 : i1 to i32
    %sign3A_12 = arith.subi %sign3A_8, %sign3A_11 : i32
    %sign3A_13 = arith.constant 0 : i32
    %sign3A_14 = arith.cmpi sgt, %jit3A, %sign3A_13 : i32
    %sign3A_15 = arith.extui %sign3A_14 : i1 to i32
    %sign3A_16 = arith.constant 0 : i32
    %sign3A_17 = arith.cmpi slt, %jit3A, %sign3A_16 : i32
    %sign3A_18 = arith.extui %sign3A_17 : i1 to i32
    %sign3A_19 = arith.subi %sign3A_15, %sign3A_18 : i32
    %ne3A = arith.cmpi ne, %sign3A_12, %sign3A_19 : i32
    %rem3A = arith.remsi %add3A, %jit3A : i32
    %ne3A_20 = arith.constant 0 : i32
    %ne3A_21 = arith.cmpi ne, %rem3A, %ne3A_20 : i32
    %and3A = arith.andi %ne3A, %ne3A_21 : i1
    %sub3A = arith.constant 1 : i32
    %sub3A_22 = arith.subi %div3A, %sub3A : i32
    %select_n3A = arith.select %and3A, %sub3A_22, %div3A : i32
    %jit3A_23 = arith.constant 8 : i32
    %eq3A = arith.constant 0 : i32
    %eq3A_24 = arith.cmpi eq, %jit3A_23, %eq3A : i32
    %jit3A_25 = arith.constant 1 : i32
    %select_n3A_26 = arith.select %eq3A_24, %jit3A_25, %jit3A_23 : i32
    %rem3A_27 = arith.remsi %add3A, %select_n3A_26 : i32
    %ne3A_28 = arith.constant 0 : i32
    %ne3A_29 = arith.cmpi ne, %rem3A_27, %ne3A_28 : i32
    %lt3A = arith.constant 0 : i32
    %lt3A_30 = arith.cmpi slt, %rem3A_27, %lt3A : i32
    %lt3A_31 = arith.constant 0 : i32
    %lt3A_32 = arith.cmpi slt, %select_n3A_26, %lt3A_31 : i32
    %ne3A_33 = arith.xori %lt3A_30, %lt3A_32 : i1
    %and3A_34 = arith.andi %ne3A_33, %ne3A_29 : i1
    %add3A_35 = arith.addi %rem3A_27, %select_n3A_26 : i32
    %select_n3A_36 = arith.select %and3A_34, %add3A_35, %rem3A_27 : i32
    %mul3A_37 = arith.constant 256 : i32
    %mul3A_38 = arith.muli %select_n3A_36, %mul3A_37 : i32
    %add3A_39 = arith.constant 0 : i32
    %add3A_40 = arith.addi %mul3A_38, %add3A_39 : i32
    "tpu.region"() ({
      %run_scoped3A = tpu.sem_alloc : memref<!tpu.dma_semaphore, #tpu.memory_space<semaphore_mem>>
      %dma_start3A = arith.constant 0 : i32
      %dma_start3A_165 = tpu.memref_slice %arg2[%select_n3A, %add3A_40, %dma_start3A] : memref<4x2048x8192xf32, #tpu.memory_space<hbm>> -> memref<1x8x8192xf32, #tpu.memory_space<hbm>>
      %dma_start3A_166 = tpu.memref_squeeze %dma_start3A_165 : memref<1x8x8192xf32, #tpu.memory_space<hbm>> -> memref<8x8192xf32, #tpu.memory_space<hbm>>
      %dma_start3A_167 = arith.constant 0 : i32
      %dma_start3A_168 = tpu.memref_slice %arg2[%select_n3A, %add3A_40, %dma_start3A_167] : memref<4x2048x8192xf32, #tpu.memory_space<hbm>> -> memref<1x8x8192xf32, #tpu.memory_space<hbm>>
      %dma_start3A_169 = tpu.memref_squeeze %dma_start3A_168 : memref<1x8x8192xf32, #tpu.memory_space<hbm>> -> memref<8x8192xf32, #tpu.memory_space<hbm>>
      tpu.enqueue_dma source(%arg3 : memref<8x8192xf32, #tpu.memory_space<vmem>>) target(%dma_start3A_169 : memref<8x8192xf32, #tpu.memory_space<hbm>>) target_semaphore(%run_scoped3A : memref<!tpu.dma_semaphore, #tpu.memory_space<semaphore_mem>>)
      %dma_wait3A = arith.constant 0 : i32
      %dma_wait3A_170 = tpu.memref_slice %arg2[%select_n3A, %add3A_40, %dma_wait3A] : memref<4x2048x8192xf32, #tpu.memory_space<hbm>> -> memref<1x8x8192xf32, #tpu.memory_space<hbm>>
      %dma_wait3A_171 = tpu.memref_squeeze %dma_wait3A_170 : memref<1x8x8192xf32, #tpu.memory_space<hbm>> -> memref<8x8192xf32, #tpu.memory_space<hbm>>
      %dma_wait3A_172 = arith.constant 0 : i32
      %dma_wait3A_173 = tpu.memref_slice %arg2[%select_n3A, %add3A_40, %dma_wait3A_172] : memref<4x2048x8192xf32, #tpu.memory_space<hbm>> -> memref<1x8x8192xf32, #tpu.memory_space<hbm>>
      %dma_wait3A_174 = tpu.memref_squeeze %dma_wait3A_173 : memref<1x8x8192xf32, #tpu.memory_space<hbm>> -> memref<8x8192xf32, #tpu.memory_space<hbm>>
      tpu.wait_dma2 semaphore(%run_scoped3A : memref<!tpu.dma_semaphore, #tpu.memory_space<semaphore_mem>>) src(%arg3 : memref<8x8192xf32, #tpu.memory_space<vmem>>) dst(%dma_wait3A_174 : memref<8x8192xf32, #tpu.memory_space<hbm>>)
      tpu.yield
    }) : () -> ()
    %mul3A_41 = arith.constant 256 : i32
    %mul3A_42 = arith.muli %select_n3A_36, %mul3A_41 : i32
    %add3A_43 = arith.constant 8 : i32
    %add3A_44 = arith.addi %mul3A_42, %add3A_43 : i32
    "tpu.region"() ({
      %run_scoped3A = tpu.sem_alloc : memref<!tpu.dma_semaphore, #tpu.memory_space<semaphore_mem>>
      %dma_start3A = arith.constant 0 : i32
      %dma_start3A_165 = tpu.memref_slice %arg2[%select_n3A, %add3A_44, %dma_start3A] : memref<4x2048x8192xf32, #tpu.memory_space<hbm>> -> memref<1x8x8192xf32, #tpu.memory_space<hbm>>
      %dma_start3A_166 = tpu.memref_squeeze %dma_start3A_165 : memref<1x8x8192xf32, #tpu.memory_space<hbm>> -> memref<8x8192xf32, #tpu.memory_space<hbm>>
      %dma_start3A_167 = arith.constant 0 : i32
      %dma_start3A_168 = tpu.memref_slice %arg2[%select_n3A, %add3A_44, %dma_start3A_167] : memref<4x2048x8192xf32, #tpu.memory_space<hbm>> -> memref<1x8x8192xf32, #tpu.memory_space<hbm>>
      %dma_start3A_169 = tpu.memref_squeeze %dma_start3A_168 : memref<1x8x8192xf32, #tpu.memory_space<hbm>> -> memref<8x8192xf32, #tpu.memory_space<hbm>>
      tpu.enqueue_dma source(%arg3 : memref<8x8192xf32, #tpu.memory_space<vmem>>) target(%dma_start3A_169 : memref<8x8192xf32, #tpu.memory_space<hbm>>) target_semaphore(%run_scoped3A : memref<!tpu.dma_semaphore, #tpu.memory_space<semaphore_mem>>)
      %dma_wait3A = arith.constant 0 : i32
      %dma_wait3A_170 = tpu.memref_slice %arg2[%select_n3A, %add3A_44, %dma_wait3A] : memref<4x2048x8192xf32, #tpu.memory_space<hbm>> -> memref<1x8x8192xf32, #tpu.memory_space<hbm>>
      %dma_wait3A_171 = tpu.memref_squeeze %dma_wait3A_170 : memref<1x8x8192xf32, #tpu.memory_space<hbm>> -> memref<8x8192xf32, #tpu.memory_space<hbm>>
      %dma_wait3A_172 = arith.constant 0 : i32
      %dma_wait3A_173 = tpu.memref_slice %arg2[%select_n3A, %add3A_44, %dma_wait3A_172] : memref<4x2048x8192xf32, #tpu.memory_space<hbm>> -> memref<1x8x8192xf32, #tpu.memory_space<hbm>>
      %dma_wait3A_174 = tpu.memref_squeeze %dma_wait3A_173 : memref<1x8x8192xf32, #tpu.memory_space<hbm>> -> memref<8x8192xf32, #tpu.memory_space<hbm>>
      tpu.wait_dma2 semaphore(%run_scoped3A : memref<!tpu.dma_semaphore, #tpu.memory_space<semaphore_mem>>) src(%arg3 : memref<8x8192xf32, #tpu.memory_space<vmem>>) dst(%dma_wait3A_174 : memref<8x8192xf32, #tpu.memory_space<hbm>>)
      tpu.yield
    }) : () -> ()
    %mul3A_45 = arith.constant 256 : i32
    %mul3A_46 = arith.muli %select_n3A_36, %mul3A_45 : i32
    %add3A_47 = arith.constant 16 : i32
    %add3A_48 = arith.addi %mul3A_46, %add3A_47 : i32
    "tpu.region"() ({
      %run_scoped3A = tpu.sem_alloc : memref<!tpu.dma_semaphore, #tpu.memory_space<semaphore_mem>>
      %dma_start3A = arith.constant 0 : i32
      %dma_start3A_165 = tpu.memref_slice %arg2[%select_n3A, %add3A_48, %dma_start3A] : memref<4x2048x8192xf32, #tpu.memory_space<hbm>> -> memref<1x8x8192xf32, #tpu.memory_space<hbm>>
      %dma_start3A_166 = tpu.memref_squeeze %dma_start3A_165 : memref<1x8x8192xf32, #tpu.memory_space<hbm>> -> memref<8x8192xf32, #tpu.memory_space<hbm>>
      %dma_start3A_167 = arith.constant 0 : i32
      %dma_start3A_168 = tpu.memref_slice %arg2[%select_n3A, %add3A_48, %dma_start3A_167] : memref<4x2048x8192xf32, #tpu.memory_space<hbm>> -> memref<1x8x8192xf32, #tpu.memory_space<hbm>>
      %dma_start3A_169 = tpu.memref_squeeze %dma_start3A_168 : memref<1x8x8192xf32, #tpu.memory_space<hbm>> -> memref<8x8192xf32, #tpu.memory_space<hbm>>
      tpu.enqueue_dma source(%arg3 : memref<8x8192xf32, #tpu.memory_space<vmem>>) target(%dma_start3A_169 : memref<8x8192xf32, #tpu.memory_space<hbm>>) target_semaphore(%run_scoped3A : memref<!tpu.dma_semaphore, #tpu.memory_space<semaphore_mem>>)
      %dma_wait3A = arith.constant 0 : i32
      %dma_wait3A_170 = tpu.memref_slice %arg2[%select_n3A, %add3A_48, %dma_wait3A] : memref<4x2048x8192xf32, #tpu.memory_space<hbm>> -> memref<1x8x8192xf32, #tpu.memory_space<hbm>>
      %dma_wait3A_171 = tpu.memref_squeeze %dma_wait3A_170 : memref<1x8x8192xf32, #tpu.memory_space<hbm>> -> memref<8x8192xf32, #tpu.memory_space<hbm>>
      %dma_wait3A_172 = arith.constant 0 : i32
      %dma_wait3A_173 = tpu.memref_slice %arg2[%select_n3A, %add3A_48, %dma_wait3A_172] : memref<4x2048x8192xf32, #tpu.memory_space<hbm>> -> memref<1x8x8192xf32, #tpu.memory_space<hbm>>
      %dma_wait3A_174 = tpu.memref_squeeze %dma_wait3A_173 : memref<1x8x8192xf32, #tpu.memory_space<hbm>> -> memref<8x8192xf32, #tpu.memory_space<hbm>>
      tpu.wait_dma2 semaphore(%run_scoped3A : memref<!tpu.dma_semaphore, #tpu.memory_space<semaphore_mem>>) src(%arg3 : memref<8x8192xf32, #tpu.memory_space<vmem>>) dst(%dma_wait3A_174 : memref<8x8192xf32, #tpu.memory_space<hbm>>)
      tpu.yield
    }) : () -> ()
    %mul3A_49 = arith.constant 256 : i32
    %mul3A_50 = arith.muli %select_n3A_36, %mul3A_49 : i32
    %add3A_51 = arith.constant 24 : i32
    %add3A_52 = arith.addi %mul3A_50, %add3A_51 : i32
    "tpu.region"() ({
      %run_scoped3A = tpu.sem_alloc : memref<!tpu.dma_semaphore, #tpu.memory_space<semaphore_mem>>
      %dma_start3A = arith.constant 0 : i32
      %dma_start3A_165 = tpu.memref_slice %arg2[%select_n3A, %add3A_52, %dma_start3A] : memref<4x2048x8192xf32, #tpu.memory_space<hbm>> -> memref<1x8x8192xf32, #tpu.memory_space<hbm>>
      %dma_start3A_166 = tpu.memref_squeeze %dma_start3A_165 : memref<1x8x8192xf32, #tpu.memory_space<hbm>> -> memref<8x8192xf32, #tpu.memory_space<hbm>>
      %dma_start3A_167 = arith.constant 0 : i32
      %dma_start3A_168 = tpu.memref_slice %arg2[%select_n3A, %add3A_52, %dma_start3A_167] : memref<4x2048x8192xf32, #tpu.memory_space<hbm>> -> memref<1x8x8192xf32, #tpu.memory_space<hbm>>
      %dma_start3A_169 = tpu.memref_squeeze %dma_start3A_168 : memref<1x8x8192xf32, #tpu.memory_space<hbm>> -> memref<8x8192xf32, #tpu.memory_space<hbm>>
      tpu.enqueue_dma source(%arg3 : memref<8x8192xf32, #tpu.memory_space<vmem>>) target(%dma_start3A_169 : memref<8x8192xf32, #tpu.memory_space<hbm>>) target_semaphore(%run_scoped3A : memref<!tpu.dma_semaphore, #tpu.memory_space<semaphore_mem>>)
      %dma_wait3A = arith.constant 0 : i32
      %dma_wait3A_170 = tpu.memref_slice %arg2[%select_n3A, %add3A_52, %dma_wait3A] : memref<4x2048x8192xf32, #tpu.memory_space<hbm>> -> memref<1x8x8192xf32, #tpu.memory_space<hbm>>
      %dma_wait3A_171 = tpu.memref_squeeze %dma_wait3A_170 : memref<1x8x8192xf32, #tpu.memory_space<hbm>> -> memref<8x8192xf32, #tpu.memory_space<hbm>>
      %dma_wait3A_172 = arith.constant 0 : i32
      %dma_wait3A_173 = tpu.memref_slice %arg2[%select_n3A, %add3A_52, %dma_wait3A_172] : memref<4x2048x8192xf32, #tpu.memory_space<hbm>> -> memref<1x8x8192xf32, #tpu.memory_space<hbm>>
      %dma_wait3A_174 = tpu.memref_squeeze %dma_wait3A_173 : memref<1x8x8192xf32, #tpu.memory_space<hbm>> -> memref<8x8192xf32, #tpu.memory_space<hbm>>
      tpu.wait_dma2 semaphore(%run_scoped3A : memref<!tpu.dma_semaphore, #tpu.memory_space<semaphore_mem>>) src(%arg3 : memref<8x8192xf32, #tpu.memory_space<vmem>>) dst(%dma_wait3A_174 : memref<8x8192xf32, #tpu.memory_space<hbm>>)
      tpu.yield
    }) : () -> ()
    %mul3A_53 = arith.constant 256 : i32
    %mul3A_54 = arith.muli %select_n3A_36, %mul3A_53 : i32
    %add3A_55 = arith.constant 32 : i32
    %add3A_56 = arith.addi %mul3A_54, %add3A_55 : i32
    "tpu.region"() ({
      %run_scoped3A = tpu.sem_alloc : memref<!tpu.dma_semaphore, #tpu.memory_space<semaphore_mem>>
      %dma_start3A = arith.constant 0 : i32
      %dma_start3A_165 = tpu.memref_slice %arg2[%select_n3A, %add3A_56, %dma_start3A] : memref<4x2048x8192xf32, #tpu.memory_space<hbm>> -> memref<1x8x8192xf32, #tpu.memory_space<hbm>>
      %dma_start3A_166 = tpu.memref_squeeze %dma_start3A_165 : memref<1x8x8192xf32, #tpu.memory_space<hbm>> -> memref<8x8192xf32, #tpu.memory_space<hbm>>
      %dma_start3A_167 = arith.constant 0 : i32
      %dma_start3A_168 = tpu.memref_slice %arg2[%select_n3A, %add3A_56, %dma_start3A_167] : memref<4x2048x8192xf32, #tpu.memory_space<hbm>> -> memref<1x8x8192xf32, #tpu.memory_space<hbm>>
      %dma_start3A_169 = tpu.memref_squeeze %dma_start3A_168 : memref<1x8x8192xf32, #tpu.memory_space<hbm>> -> memref<8x8192xf32, #tpu.memory_space<hbm>>
      tpu.enqueue_dma source(%arg3 : memref<8x8192xf32, #tpu.memory_space<vmem>>) target(%dma_start3A_169 : memref<8x8192xf32, #tpu.memory_space<hbm>>) target_semaphore(%run_scoped3A : memref<!tpu.dma_semaphore, #tpu.memory_space<semaphore_mem>>)
      %dma_wait3A = arith.constant 0 : i32
      %dma_wait3A_170 = tpu.memref_slice %arg2[%select_n3A, %add3A_56, %dma_wait3A] : memref<4x2048x8192xf32, #tpu.memory_space<hbm>> -> memref<1x8x8192xf32, #tpu.memory_space<hbm>>
      %dma_wait3A_171 = tpu.memref_squeeze %dma_wait3A_170 : memref<1x8x8192xf32, #tpu.memory_space<hbm>> -> memref<8x8192xf32, #tpu.memory_space<hbm>>
      %dma_wait3A_172 = arith.constant 0 : i32
      %dma_wait3A_173 = tpu.memref_slice %arg2[%select_n3A, %add3A_56, %dma_wait3A_172] : memref<4x2048x8192xf32, #tpu.memory_space<hbm>> -> memref<1x8x8192xf32, #tpu.memory_space<hbm>>
      %dma_wait3A_174 = tpu.memref_squeeze %dma_wait3A_173 : memref<1x8x8192xf32, #tpu.memory_space<hbm>> -> memref<8x8192xf32, #tpu.memory_space<hbm>>
      tpu.wait_dma2 semaphore(%run_scoped3A : memref<!tpu.dma_semaphore, #tpu.memory_space<semaphore_mem>>) src(%arg3 : memref<8x8192xf32, #tpu.memory_space<vmem>>) dst(%dma_wait3A_174 : memref<8x8192xf32, #tpu.memory_space<hbm>>)
      tpu.yield
    }) : () -> ()
    %mul3A_57 = arith.constant 256 : i32
    %mul3A_58 = arith.muli %select_n3A_36, %mul3A_57 : i32
    %add3A_59 = arith.constant 40 : i32
    %add3A_60 = arith.addi %mul3A_58, %add3A_59 : i32
    "tpu.region"() ({
      %run_scoped3A = tpu.sem_alloc : memref<!tpu.dma_semaphore, #tpu.memory_space<semaphore_mem>>
      %dma_start3A = arith.constant 0 : i32
      %dma_start3A_165 = tpu.memref_slice %arg2[%select_n3A, %add3A_60, %dma_start3A] : memref<4x2048x8192xf32, #tpu.memory_space<hbm>> -> memref<1x8x8192xf32, #tpu.memory_space<hbm>>
      %dma_start3A_166 = tpu.memref_squeeze %dma_start3A_165 : memref<1x8x8192xf32, #tpu.memory_space<hbm>> -> memref<8x8192xf32, #tpu.memory_space<hbm>>
      %dma_start3A_167 = arith.constant 0 : i32
      %dma_start3A_168 = tpu.memref_slice %arg2[%select_n3A, %add3A_60, %dma_start3A_167] : memref<4x2048x8192xf32, #tpu.memory_space<hbm>> -> memref<1x8x8192xf32, #tpu.memory_space<hbm>>
      %dma_start3A_169 = tpu.memref_squeeze %dma_start3A_168 : memref<1x8x8192xf32, #tpu.memory_space<hbm>> -> memref<8x8192xf32, #tpu.memory_space<hbm>>
      tpu.enqueue_dma source(%arg3 : memref<8x8192xf32, #tpu.memory_space<vmem>>) target(%dma_start3A_169 : memref<8x8192xf32, #tpu.memory_space<hbm>>) target_semaphore(%run_scoped3A : memref<!tpu.dma_semaphore, #tpu.memory_space<semaphore_mem>>)
      %dma_wait3A = arith.constant 0 : i32
      %dma_wait3A_170 = tpu.memref_slice %arg2[%select_n3A, %add3A_60, %dma_wait3A] : memref<4x2048x8192xf32, #tpu.memory_space<hbm>> -> memref<1x8x8192xf32, #tpu.memory_space<hbm>>
      %dma_wait3A_171 = tpu.memref_squeeze %dma_wait3A_170 : memref<1x8x8192xf32, #tpu.memory_space<hbm>> -> memref<8x8192xf32, #tpu.memory_space<hbm>>
      %dma_wait3A_172 = arith.constant 0 : i32
      %dma_wait3A_173 = tpu.memref_slice %arg2[%select_n3A, %add3A_60, %dma_wait3A_172] : memref<4x2048x8192xf32, #tpu.memory_space<hbm>> -> memref<1x8x8192xf32, #tpu.memory_space<hbm>>
      %dma_wait3A_174 = tpu.memref_squeeze %dma_wait3A_173 : memref<1x8x8192xf32, #tpu.memory_space<hbm>> -> memref<8x8192xf32, #tpu.memory_space<hbm>>
      tpu.wait_dma2 semaphore(%run_scoped3A : memref<!tpu.dma_semaphore, #tpu.memory_space<semaphore_mem>>) src(%arg3 : memref<8x8192xf32, #tpu.memory_space<vmem>>) dst(%dma_wait3A_174 : memref<8x8192xf32, #tpu.memory_space<hbm>>)
      tpu.yield
    }) : () -> ()
    %mul3A_61 = arith.constant 256 : i32
    %mul3A_62 = arith.muli %select_n3A_36, %mul3A_61 : i32
    %add3A_63 = arith.constant 48 : i32
    %add3A_64 = arith.addi %mul3A_62, %add3A_63 : i32
    "tpu.region"() ({
      %run_scoped3A = tpu.sem_alloc : memref<!tpu.dma_semaphore, #tpu.memory_space<semaphore_mem>>
      %dma_start3A = arith.constant 0 : i32
      %dma_start3A_165 = tpu.memref_slice %arg2[%select_n3A, %add3A_64, %dma_start3A] : memref<4x2048x8192xf32, #tpu.memory_space<hbm>> -> memref<1x8x8192xf32, #tpu.memory_space<hbm>>
      %dma_start3A_166 = tpu.memref_squeeze %dma_start3A_165 : memref<1x8x8192xf32, #tpu.memory_space<hbm>> -> memref<8x8192xf32, #tpu.memory_space<hbm>>
      %dma_start3A_167 = arith.constant 0 : i32
      %dma_start3A_168 = tpu.memref_slice %arg2[%select_n3A, %add3A_64, %dma_start3A_167] : memref<4x2048x8192xf32, #tpu.memory_space<hbm>> -> memref<1x8x8192xf32, #tpu.memory_space<hbm>>
      %dma_start3A_169 = tpu.memref_squeeze %dma_start3A_168 : memref<1x8x8192xf32, #tpu.memory_space<hbm>> -> memref<8x8192xf32, #tpu.memory_space<hbm>>
      tpu.enqueue_dma source(%arg3 : memref<8x8192xf32, #tpu.memory_space<vmem>>) target(%dma_start3A_169 : memref<8x8192xf32, #tpu.memory_space<hbm>>) target_semaphore(%run_scoped3A : memref<!tpu.dma_semaphore, #tpu.memory_space<semaphore_mem>>)
      %dma_wait3A = arith.constant 0 : i32
      %dma_wait3A_170 = tpu.memref_slice %arg2[%select_n3A, %add3A_64, %dma_wait3A] : memref<4x2048x8192xf32, #tpu.memory_space<hbm>> -> memref<1x8x8192xf32, #tpu.memory_space<hbm>>
      %dma_wait3A_171 = tpu.memref_squeeze %dma_wait3A_170 : memref<1x8x8192xf32, #tpu.memory_space<hbm>> -> memref<8x8192xf32, #tpu.memory_space<hbm>>
      %dma_wait3A_172 = arith.constant 0 : i32
      %dma_wait3A_173 = tpu.memref_slice %arg2[%select_n3A, %add3A_64, %dma_wait3A_172] : memref<4x2048x8192xf32, #tpu.memory_space<hbm>> -> memref<1x8x8192xf32, #tpu.memory_space<hbm>>
      %dma_wait3A_174 = tpu.memref_squeeze %dma_wait3A_173 : memref<1x8x8192xf32, #tpu.memory_space<hbm>> -> memref<8x8192xf32, #tpu.memory_space<hbm>>
      tpu.wait_dma2 semaphore(%run_scoped3A : memref<!tpu.dma_semaphore, #tpu.memory_space<semaphore_mem>>) src(%arg3 : memref<8x8192xf32, #tpu.memory_space<vmem>>) dst(%dma_wait3A_174 : memref<8x8192xf32, #tpu.memory_space<hbm>>)
      tpu.yield
    }) : () -> ()
    %mul3A_65 = arith.constant 256 : i32
    %mul3A_66 = arith.muli %select_n3A_36, %mul3A_65 : i32
    %add3A_67 = arith.constant 56 : i32
    %add3A_68 = arith.addi %mul3A_66, %add3A_67 : i32
    "tpu.region"() ({
      %run_scoped3A = tpu.sem_alloc : memref<!tpu.dma_semaphore, #tpu.memory_space<semaphore_mem>>
      %dma_start3A = arith.constant 0 : i32
      %dma_start3A_165 = tpu.memref_slice %arg2[%select_n3A, %add3A_68, %dma_start3A] : memref<4x2048x8192xf32, #tpu.memory_space<hbm>> -> memref<1x8x8192xf32, #tpu.memory_space<hbm>>
      %dma_start3A_166 = tpu.memref_squeeze %dma_start3A_165 : memref<1x8x8192xf32, #tpu.memory_space<hbm>> -> memref<8x8192xf32, #tpu.memory_space<hbm>>
      %dma_start3A_167 = arith.constant 0 : i32
      %dma_start3A_168 = tpu.memref_slice %arg2[%select_n3A, %add3A_68, %dma_start3A_167] : memref<4x2048x8192xf32, #tpu.memory_space<hbm>> -> memref<1x8x8192xf32, #tpu.memory_space<hbm>>
      %dma_start3A_169 = tpu.memref_squeeze %dma_start3A_168 : memref<1x8x8192xf32, #tpu.memory_space<hbm>> -> memref<8x8192xf32, #tpu.memory_space<hbm>>
      tpu.enqueue_dma source(%arg3 : memref<8x8192xf32, #tpu.memory_space<vmem>>) target(%dma_start3A_169 : memref<8x8192xf32, #tpu.memory_space<hbm>>) target_semaphore(%run_scoped3A : memref<!tpu.dma_semaphore, #tpu.memory_space<semaphore_mem>>)
      %dma_wait3A = arith.constant 0 : i32
      %dma_wait3A_170 = tpu.memref_slice %arg2[%select_n3A, %add3A_68, %dma_wait3A] : memref<4x2048x8192xf32, #tpu.memory_space<hbm>> -> memref<1x8x8192xf32, #tpu.memory_space<hbm>>
      %dma_wait3A_171 = tpu.memref_squeeze %dma_wait3A_170 : memref<1x8x8192xf32, #tpu.memory_space<hbm>> -> memref<8x8192xf32, #tpu.memory_space<hbm>>
      %dma_wait3A_172 = arith.constant 0 : i32
      %dma_wait3A_173 = tpu.memref_slice %arg2[%select_n3A, %add3A_68, %dma_wait3A_172] : memref<4x2048x8192xf32, #tpu.memory_space<hbm>> -> memref<1x8x8192xf32, #tpu.memory_space<hbm>>
      %dma_wait3A_174 = tpu.memref_squeeze %dma_wait3A_173 : memref<1x8x8192xf32, #tpu.memory_space<hbm>> -> memref<8x8192xf32, #tpu.memory_space<hbm>>
      tpu.wait_dma2 semaphore(%run_scoped3A : memref<!tpu.dma_semaphore, #tpu.memory_space<semaphore_mem>>) src(%arg3 : memref<8x8192xf32, #tpu.memory_space<vmem>>) dst(%dma_wait3A_174 : memref<8x8192xf32, #tpu.memory_space<hbm>>)
      tpu.yield
    }) : () -> ()
    %mul3A_69 = arith.constant 256 : i32
    %mul3A_70 = arith.muli %select_n3A_36, %mul3A_69 : i32
    %add3A_71 = arith.constant 64 : i32
    %add3A_72 = arith.addi %mul3A_70, %add3A_71 : i32
    "tpu.region"() ({
      %run_scoped3A = tpu.sem_alloc : memref<!tpu.dma_semaphore, #tpu.memory_space<semaphore_mem>>
      %dma_start3A = arith.constant 0 : i32
      %dma_start3A_165 = tpu.memref_slice %arg2[%select_n3A, %add3A_72, %dma_start3A] : memref<4x2048x8192xf32, #tpu.memory_space<hbm>> -> memref<1x8x8192xf32, #tpu.memory_space<hbm>>
      %dma_start3A_166 = tpu.memref_squeeze %dma_start3A_165 : memref<1x8x8192xf32, #tpu.memory_space<hbm>> -> memref<8x8192xf32, #tpu.memory_space<hbm>>
      %dma_start3A_167 = arith.constant 0 : i32
      %dma_start3A_168 = tpu.memref_slice %arg2[%select_n3A, %add3A_72, %dma_start3A_167] : memref<4x2048x8192xf32, #tpu.memory_space<hbm>> -> memref<1x8x8192xf32, #tpu.memory_space<hbm>>
      %dma_start3A_169 = tpu.memref_squeeze %dma_start3A_168 : memref<1x8x8192xf32, #tpu.memory_space<hbm>> -> memref<8x8192xf32, #tpu.memory_space<hbm>>
      tpu.enqueue_dma source(%arg3 : memref<8x8192xf32, #tpu.memory_space<vmem>>) target(%dma_start3A_169 : memref<8x8192xf32, #tpu.memory_space<hbm>>) target_semaphore(%run_scoped3A : memref<!tpu.dma_semaphore, #tpu.memory_space<semaphore_mem>>)
      %dma_wait3A = arith.constant 0 : i32
      %dma_wait3A_170 = tpu.memref_slice %arg2[%select_n3A, %add3A_72, %dma_wait3A] : memref<4x2048x8192xf32, #tpu.memory_space<hbm>> -> memref<1x8x8192xf32, #tpu.memory_space<hbm>>
      %dma_wait3A_171 = tpu.memref_squeeze %dma_wait3A_170 : memref<1x8x8192xf32, #tpu.memory_space<hbm>> -> memref<8x8192xf32, #tpu.memory_space<hbm>>
      %dma_wait3A_172 = arith.constant 0 : i32
      %dma_wait3A_173 = tpu.memref_slice %arg2[%select_n3A, %add3A_72, %dma_wait3A_172] : memref<4x2048x8192xf32, #tpu.memory_space<hbm>> -> memref<1x8x8192xf32, #tpu.memory_space<hbm>>
      %dma_wait3A_174 = tpu.memref_squeeze %dma_wait3A_173 : memref<1x8x8192xf32, #tpu.memory_space<hbm>> -> memref<8x8192xf32, #tpu.memory_space<hbm>>
      tpu.wait_dma2 semaphore(%run_scoped3A : memref<!tpu.dma_semaphore, #tpu.memory_space<semaphore_mem>>) src(%arg3 : memref<8x8192xf32, #tpu.memory_space<vmem>>) dst(%dma_wait3A_174 : memref<8x8192xf32, #tpu.memory_space<hbm>>)
      tpu.yield
    }) : () -> ()
    %mul3A_73 = arith.constant 256 : i32
    %mul3A_74 = arith.muli %select_n3A_36, %mul3A_73 : i32
    %add3A_75 = arith.constant 72 : i32
    %add3A_76 = arith.addi %mul3A_74, %add3A_75 : i32
    "tpu.region"() ({
      %run_scoped3A = tpu.sem_alloc : memref<!tpu.dma_semaphore, #tpu.memory_space<semaphore_mem>>
      %dma_start3A = arith.constant 0 : i32
      %dma_start3A_165 = tpu.memref_slice %arg2[%select_n3A, %add3A_76, %dma_start3A] : memref<4x2048x8192xf32, #tpu.memory_space<hbm>> -> memref<1x8x8192xf32, #tpu.memory_space<hbm>>
      %dma_start3A_166 = tpu.memref_squeeze %dma_start3A_165 : memref<1x8x8192xf32, #tpu.memory_space<hbm>> -> memref<8x8192xf32, #tpu.memory_space<hbm>>
      %dma_start3A_167 = arith.constant 0 : i32
      %dma_start3A_168 = tpu.memref_slice %arg2[%select_n3A, %add3A_76, %dma_start3A_167] : memref<4x2048x8192xf32, #tpu.memory_space<hbm>> -> memref<1x8x8192xf32, #tpu.memory_space<hbm>>
      %dma_start3A_169 = tpu.memref_squeeze %dma_start3A_168 : memref<1x8x8192xf32, #tpu.memory_space<hbm>> -> memref<8x8192xf32, #tpu.memory_space<hbm>>
      tpu.enqueue_dma source(%arg3 : memref<8x8192xf32, #tpu.memory_space<vmem>>) target(%dma_start3A_169 : memref<8x8192xf32, #tpu.memory_space<hbm>>) target_semaphore(%run_scoped3A : memref<!tpu.dma_semaphore, #tpu.memory_space<semaphore_mem>>)
      %dma_wait3A = arith.constant 0 : i32
      %dma_wait3A_170 = tpu.memref_slice %arg2[%select_n3A, %add3A_76, %dma_wait3A] : memref<4x2048x8192xf32, #tpu.memory_space<hbm>> -> memref<1x8x8192xf32, #tpu.memory_space<hbm>>
      %dma_wait3A_171 = tpu.memref_squeeze %dma_wait3A_170 : memref<1x8x8192xf32, #tpu.memory_space<hbm>> -> memref<8x8192xf32, #tpu.memory_space<hbm>>
      %dma_wait3A_172 = arith.constant 0 : i32
      %dma_wait3A_173 = tpu.memref_slice %arg2[%select_n3A, %add3A_76, %dma_wait3A_172] : memref<4x2048x8192xf32, #tpu.memory_space<hbm>> -> memref<1x8x8192xf32, #tpu.memory_space<hbm>>
      %dma_wait3A_174 = tpu.memref_squeeze %dma_wait3A_173 : memref<1x8x8192xf32, #tpu.memory_space<hbm>> -> memref<8x8192xf32, #tpu.memory_space<hbm>>
      tpu.wait_dma2 semaphore(%run_scoped3A : memref<!tpu.dma_semaphore, #tpu.memory_space<semaphore_mem>>) src(%arg3 : memref<8x8192xf32, #tpu.memory_space<vmem>>) dst(%dma_wait3A_174 : memref<8x8192xf32, #tpu.memory_space<hbm>>)
      tpu.yield
    }) : () -> ()
    %mul3A_77 = arith.constant 256 : i32
    %mul3A_78 = arith.muli %select_n3A_36, %mul3A_77 : i32
    %add3A_79 = arith.constant 80 : i32
    %add3A_80 = arith.addi %mul3A_78, %add3A_79 : i32
    "tpu.region"() ({
      %run_scoped3A = tpu.sem_alloc : memref<!tpu.dma_semaphore, #tpu.memory_space<semaphore_mem>>
      %dma_start3A = arith.constant 0 : i32
      %dma_start3A_165 = tpu.memref_slice %arg2[%select_n3A, %add3A_80, %dma_start3A] : memref<4x2048x8192xf32, #tpu.memory_space<hbm>> -> memref<1x8x8192xf32, #tpu.memory_space<hbm>>
      %dma_start3A_166 = tpu.memref_squeeze %dma_start3A_165 : memref<1x8x8192xf32, #tpu.memory_space<hbm>> -> memref<8x8192xf32, #tpu.memory_space<hbm>>
      %dma_start3A_167 = arith.constant 0 : i32
      %dma_start3A_168 = tpu.memref_slice %arg2[%select_n3A, %add3A_80, %dma_start3A_167] : memref<4x2048x8192xf32, #tpu.memory_space<hbm>> -> memref<1x8x8192xf32, #tpu.memory_space<hbm>>
      %dma_start3A_169 = tpu.memref_squeeze %dma_start3A_168 : memref<1x8x8192xf32, #tpu.memory_space<hbm>> -> memref<8x8192xf32, #tpu.memory_space<hbm>>
      tpu.enqueue_dma source(%arg3 : memref<8x8192xf32, #tpu.memory_space<vmem>>) target(%dma_start3A_169 : memref<8x8192xf32, #tpu.memory_space<hbm>>) target_semaphore(%run_scoped3A : memref<!tpu.dma_semaphore, #tpu.memory_space<semaphore_mem>>)
      %dma_wait3A = arith.constant 0 : i32
      %dma_wait3A_170 = tpu.memref_slice %arg2[%select_n3A, %add3A_80, %dma_wait3A] : memref<4x2048x8192xf32, #tpu.memory_space<hbm>> -> memref<1x8x8192xf32, #tpu.memory_space<hbm>>
      %dma_wait3A_171 = tpu.memref_squeeze %dma_wait3A_170 : memref<1x8x8192xf32, #tpu.memory_space<hbm>> -> memref<8x8192xf32, #tpu.memory_space<hbm>>
      %dma_wait3A_172 = arith.constant 0 : i32
      %dma_wait3A_173 = tpu.memref_slice %arg2[%select_n3A, %add3A_80, %dma_wait3A_172] : memref<4x2048x8192xf32, #tpu.memory_space<hbm>> -> memref<1x8x8192xf32, #tpu.memory_space<hbm>>
      %dma_wait3A_174 = tpu.memref_squeeze %dma_wait3A_173 : memref<1x8x8192xf32, #tpu.memory_space<hbm>> -> memref<8x8192xf32, #tpu.memory_space<hbm>>
      tpu.wait_dma2 semaphore(%run_scoped3A : memref<!tpu.dma_semaphore, #tpu.memory_space<semaphore_mem>>) src(%arg3 : memref<8x8192xf32, #tpu.memory_space<vmem>>) dst(%dma_wait3A_174 : memref<8x8192xf32, #tpu.memory_space<hbm>>)
      tpu.yield
    }) : () -> ()
    %mul3A_81 = arith.constant 256 : i32
    %mul3A_82 = arith.muli %select_n3A_36, %mul3A_81 : i32
    %add3A_83 = arith.constant 88 : i32
    %add3A_84 = arith.addi %mul3A_82, %add3A_83 : i32
    "tpu.region"() ({
      %run_scoped3A = tpu.sem_alloc : memref<!tpu.dma_semaphore, #tpu.memory_space<semaphore_mem>>
      %dma_start3A = arith.constant 0 : i32
      %dma_start3A_165 = tpu.memref_slice %arg2[%select_n3A, %add3A_84, %dma_start3A] : memref<4x2048x8192xf32, #tpu.memory_space<hbm>> -> memref<1x8x8192xf32, #tpu.memory_space<hbm>>
      %dma_start3A_166 = tpu.memref_squeeze %dma_start3A_165 : memref<1x8x8192xf32, #tpu.memory_space<hbm>> -> memref<8x8192xf32, #tpu.memory_space<hbm>>
      %dma_start3A_167 = arith.constant 0 : i32
      %dma_start3A_168 = tpu.memref_slice %arg2[%select_n3A, %add3A_84, %dma_start3A_167] : memref<4x2048x8192xf32, #tpu.memory_space<hbm>> -> memref<1x8x8192xf32, #tpu.memory_space<hbm>>
      %dma_start3A_169 = tpu.memref_squeeze %dma_start3A_168 : memref<1x8x8192xf32, #tpu.memory_space<hbm>> -> memref<8x8192xf32, #tpu.memory_space<hbm>>
      tpu.enqueue_dma source(%arg3 : memref<8x8192xf32, #tpu.memory_space<vmem>>) target(%dma_start3A_169 : memref<8x8192xf32, #tpu.memory_space<hbm>>) target_semaphore(%run_scoped3A : memref<!tpu.dma_semaphore, #tpu.memory_space<semaphore_mem>>)
      %dma_wait3A = arith.constant 0 : i32
      %dma_wait3A_170 = tpu.memref_slice %arg2[%select_n3A, %add3A_84, %dma_wait3A] : memref<4x2048x8192xf32, #tpu.memory_space<hbm>> -> memref<1x8x8192xf32, #tpu.memory_space<hbm>>
      %dma_wait3A_171 = tpu.memref_squeeze %dma_wait3A_170 : memref<1x8x8192xf32, #tpu.memory_space<hbm>> -> memref<8x8192xf32, #tpu.memory_space<hbm>>
      %dma_wait3A_172 = arith.constant 0 : i32
      %dma_wait3A_173 = tpu.memref_slice %arg2[%select_n3A, %add3A_84, %dma_wait3A_172] : memref<4x2048x8192xf32, #tpu.memory_space<hbm>> -> memref<1x8x8192xf32, #tpu.memory_space<hbm>>
      %dma_wait3A_174 = tpu.memref_squeeze %dma_wait3A_173 : memref<1x8x8192xf32, #tpu.memory_space<hbm>> -> memref<8x8192xf32, #tpu.memory_space<hbm>>
      tpu.wait_dma2 semaphore(%run_scoped3A : memref<!tpu.dma_semaphore, #tpu.memory_space<semaphore_mem>>) src(%arg3 : memref<8x8192xf32, #tpu.memory_space<vmem>>) dst(%dma_wait3A_174 : memref<8x8192xf32, #tpu.memory_space<hbm>>)
      tpu.yield
    }) : () -> ()
    %mul3A_85 = arith.constant 256 : i32
    %mul3A_86 = arith.muli %select_n3A_36, %mul3A_85 : i32
    %add3A_87 = arith.constant 96 : i32
    %add3A_88 = arith.addi %mul3A_86, %add3A_87 : i32
    "tpu.region"() ({
      %run_scoped3A = tpu.sem_alloc : memref<!tpu.dma_semaphore, #tpu.memory_space<semaphore_mem>>
      %dma_start3A = arith.constant 0 : i32
      %dma_start3A_165 = tpu.memref_slice %arg2[%select_n3A, %add3A_88, %dma_start3A] : memref<4x2048x8192xf32, #tpu.memory_space<hbm>> -> memref<1x8x8192xf32, #tpu.memory_space<hbm>>
      %dma_start3A_166 = tpu.memref_squeeze %dma_start3A_165 : memref<1x8x8192xf32, #tpu.memory_space<hbm>> -> memref<8x8192xf32, #tpu.memory_space<hbm>>
      %dma_start3A_167 = arith.constant 0 : i32
      %dma_start3A_168 = tpu.memref_slice %arg2[%select_n3A, %add3A_88, %dma_start3A_167] : memref<4x2048x8192xf32, #tpu.memory_space<hbm>> -> memref<1x8x8192xf32, #tpu.memory_space<hbm>>
      %dma_start3A_169 = tpu.memref_squeeze %dma_start3A_168 : memref<1x8x8192xf32, #tpu.memory_space<hbm>> -> memref<8x8192xf32, #tpu.memory_space<hbm>>
      tpu.enqueue_dma source(%arg3 : memref<8x8192xf32, #tpu.memory_space<vmem>>) target(%dma_start3A_169 : memref<8x8192xf32, #tpu.memory_space<hbm>>) target_semaphore(%run_scoped3A : memref<!tpu.dma_semaphore, #tpu.memory_space<semaphore_mem>>)
      %dma_wait3A = arith.constant 0 : i32
      %dma_wait3A_170 = tpu.memref_slice %arg2[%select_n3A, %add3A_88, %dma_wait3A] : memref<4x2048x8192xf32, #tpu.memory_space<hbm>> -> memref<1x8x8192xf32, #tpu.memory_space<hbm>>
      %dma_wait3A_171 = tpu.memref_squeeze %dma_wait3A_170 : memref<1x8x8192xf32, #tpu.memory_space<hbm>> -> memref<8x8192xf32, #tpu.memory_space<hbm>>
      %dma_wait3A_172 = arith.constant 0 : i32
      %dma_wait3A_173 = tpu.memref_slice %arg2[%select_n3A, %add3A_88, %dma_wait3A_172] : memref<4x2048x8192xf32, #tpu.memory_space<hbm>> -> memref<1x8x8192xf32, #tpu.memory_space<hbm>>
      %dma_wait3A_174 = tpu.memref_squeeze %dma_wait3A_173 : memref<1x8x8192xf32, #tpu.memory_space<hbm>> -> memref<8x8192xf32, #tpu.memory_space<hbm>>
      tpu.wait_dma2 semaphore(%run_scoped3A : memref<!tpu.dma_semaphore, #tpu.memory_space<semaphore_mem>>) src(%arg3 : memref<8x8192xf32, #tpu.memory_space<vmem>>) dst(%dma_wait3A_174 : memref<8x8192xf32, #tpu.memory_space<hbm>>)
      tpu.yield
    }) : () -> ()
    %mul3A_89 = arith.constant 256 : i32
    %mul3A_90 = arith.muli %select_n3A_36, %mul3A_89 : i32
    %add3A_91 = arith.constant 104 : i32
    %add3A_92 = arith.addi %mul3A_90, %add3A_91 : i32
    "tpu.region"() ({
      %run_scoped3A = tpu.sem_alloc : memref<!tpu.dma_semaphore, #tpu.memory_space<semaphore_mem>>
      %dma_start3A = arith.constant 0 : i32
      %dma_start3A_165 = tpu.memref_slice %arg2[%select_n3A, %add3A_92, %dma_start3A] : memref<4x2048x8192xf32, #tpu.memory_space<hbm>> -> memref<1x8x8192xf32, #tpu.memory_space<hbm>>
      %dma_start3A_166 = tpu.memref_squeeze %dma_start3A_165 : memref<1x8x8192xf32, #tpu.memory_space<hbm>> -> memref<8x8192xf32, #tpu.memory_space<hbm>>
      %dma_start3A_167 = arith.constant 0 : i32
      %dma_start3A_168 = tpu.memref_slice %arg2[%select_n3A, %add3A_92, %dma_start3A_167] : memref<4x2048x8192xf32, #tpu.memory_space<hbm>> -> memref<1x8x8192xf32, #tpu.memory_space<hbm>>
      %dma_start3A_169 = tpu.memref_squeeze %dma_start3A_168 : memref<1x8x8192xf32, #tpu.memory_space<hbm>> -> memref<8x8192xf32, #tpu.memory_space<hbm>>
      tpu.enqueue_dma source(%arg3 : memref<8x8192xf32, #tpu.memory_space<vmem>>) target(%dma_start3A_169 : memref<8x8192xf32, #tpu.memory_space<hbm>>) target_semaphore(%run_scoped3A : memref<!tpu.dma_semaphore, #tpu.memory_space<semaphore_mem>>)
      %dma_wait3A = arith.constant 0 : i32
      %dma_wait3A_170 = tpu.memref_slice %arg2[%select_n3A, %add3A_92, %dma_wait3A] : memref<4x2048x8192xf32, #tpu.memory_space<hbm>> -> memref<1x8x8192xf32, #tpu.memory_space<hbm>>
      %dma_wait3A_171 = tpu.memref_squeeze %dma_wait3A_170 : memref<1x8x8192xf32, #tpu.memory_space<hbm>> -> memref<8x8192xf32, #tpu.memory_space<hbm>>
      %dma_wait3A_172 = arith.constant 0 : i32
      %dma_wait3A_173 = tpu.memref_slice %arg2[%select_n3A, %add3A_92, %dma_wait3A_172] : memref<4x2048x8192xf32, #tpu.memory_space<hbm>> -> memref<1x8x8192xf32, #tpu.memory_space<hbm>>
      %dma_wait3A_174 = tpu.memref_squeeze %dma_wait3A_173 : memref<1x8x8192xf32, #tpu.memory_space<hbm>> -> memref<8x8192xf32, #tpu.memory_space<hbm>>
      tpu.wait_dma2 semaphore(%run_scoped3A : memref<!tpu.dma_semaphore, #tpu.memory_space<semaphore_mem>>) src(%arg3 : memref<8x8192xf32, #tpu.memory_space<vmem>>) dst(%dma_wait3A_174 : memref<8x8192xf32, #tpu.memory_space<hbm>>)
      tpu.yield
    }) : () -> ()
    %mul3A_93 = arith.constant 256 : i32
    %mul3A_94 = arith.muli %select_n3A_36, %mul3A_93 : i32
    %add3A_95 = arith.constant 112 : i32
    %add3A_96 = arith.addi %mul3A_94, %add3A_95 : i32
    "tpu.region"() ({
      %run_scoped3A = tpu.sem_alloc : memref<!tpu.dma_semaphore, #tpu.memory_space<semaphore_mem>>
      %dma_start3A = arith.constant 0 : i32
      %dma_start3A_165 = tpu.memref_slice %arg2[%select_n3A, %add3A_96, %dma_start3A] : memref<4x2048x8192xf32, #tpu.memory_space<hbm>> -> memref<1x8x8192xf32, #tpu.memory_space<hbm>>
      %dma_start3A_166 = tpu.memref_squeeze %dma_start3A_165 : memref<1x8x8192xf32, #tpu.memory_space<hbm>> -> memref<8x8192xf32, #tpu.memory_space<hbm>>
      %dma_start3A_167 = arith.constant 0 : i32
      %dma_start3A_168 = tpu.memref_slice %arg2[%select_n3A, %add3A_96, %dma_start3A_167] : memref<4x2048x8192xf32, #tpu.memory_space<hbm>> -> memref<1x8x8192xf32, #tpu.memory_space<hbm>>
      %dma_start3A_169 = tpu.memref_squeeze %dma_start3A_168 : memref<1x8x8192xf32, #tpu.memory_space<hbm>> -> memref<8x8192xf32, #tpu.memory_space<hbm>>
      tpu.enqueue_dma source(%arg3 : memref<8x8192xf32, #tpu.memory_space<vmem>>) target(%dma_start3A_169 : memref<8x8192xf32, #tpu.memory_space<hbm>>) target_semaphore(%run_scoped3A : memref<!tpu.dma_semaphore, #tpu.memory_space<semaphore_mem>>)
      %dma_wait3A = arith.constant 0 : i32
      %dma_wait3A_170 = tpu.memref_slice %arg2[%select_n3A, %add3A_96, %dma_wait3A] : memref<4x2048x8192xf32, #tpu.memory_space<hbm>> -> memref<1x8x8192xf32, #tpu.memory_space<hbm>>
      %dma_wait3A_171 = tpu.memref_squeeze %dma_wait3A_170 : memref<1x8x8192xf32, #tpu.memory_space<hbm>> -> memref<8x8192xf32, #tpu.memory_space<hbm>>
      %dma_wait3A_172 = arith.constant 0 : i32
      %dma_wait3A_173 = tpu.memref_slice %arg2[%select_n3A, %add3A_96, %dma_wait3A_172] : memref<4x2048x8192xf32, #tpu.memory_space<hbm>> -> memref<1x8x8192xf32, #tpu.memory_space<hbm>>
      %dma_wait3A_174 = tpu.memref_squeeze %dma_wait3A_173 : memref<1x8x8192xf32, #tpu.memory_space<hbm>> -> memref<8x8192xf32, #tpu.memory_space<hbm>>
      tpu.wait_dma2 semaphore(%run_scoped3A : memref<!tpu.dma_semaphore, #tpu.memory_space<semaphore_mem>>) src(%arg3 : memref<8x8192xf32, #tpu.memory_space<vmem>>) dst(%dma_wait3A_174 : memref<8x8192xf32, #tpu.memory_space<hbm>>)
      tpu.yield
    }) : () -> ()
    %mul3A_97 = arith.constant 256 : i32
    %mul3A_98 = arith.muli %select_n3A_36, %mul3A_97 : i32
    %add3A_99 = arith.constant 120 : i32
    %add3A_100 = arith.addi %mul3A_98, %add3A_99 : i32
    "tpu.region"() ({
      %run_scoped3A = tpu.sem_alloc : memref<!tpu.dma_semaphore, #tpu.memory_space<semaphore_mem>>
      %dma_start3A = arith.constant 0 : i32
      %dma_start3A_165 = tpu.memref_slice %arg2[%select_n3A, %add3A_100, %dma_start3A] : memref<4x2048x8192xf32, #tpu.memory_space<hbm>> -> memref<1x8x8192xf32, #tpu.memory_space<hbm>>
      %dma_start3A_166 = tpu.memref_squeeze %dma_start3A_165 : memref<1x8x8192xf32, #tpu.memory_space<hbm>> -> memref<8x8192xf32, #tpu.memory_space<hbm>>
      %dma_start3A_167 = arith.constant 0 : i32
      %dma_start3A_168 = tpu.memref_slice %arg2[%select_n3A, %add3A_100, %dma_start3A_167] : memref<4x2048x8192xf32, #tpu.memory_space<hbm>> -> memref<1x8x8192xf32, #tpu.memory_space<hbm>>
      %dma_start3A_169 = tpu.memref_squeeze %dma_start3A_168 : memref<1x8x8192xf32, #tpu.memory_space<hbm>> -> memref<8x8192xf32, #tpu.memory_space<hbm>>
      tpu.enqueue_dma source(%arg3 : memref<8x8192xf32, #tpu.memory_space<vmem>>) target(%dma_start3A_169 : memref<8x8192xf32, #tpu.memory_space<hbm>>) target_semaphore(%run_scoped3A : memref<!tpu.dma_semaphore, #tpu.memory_space<semaphore_mem>>)
      %dma_wait3A = arith.constant 0 : i32
      %dma_wait3A_170 = tpu.memref_slice %arg2[%select_n3A, %add3A_100, %dma_wait3A] : memref<4x2048x8192xf32, #tpu.memory_space<hbm>> -> memref<1x8x8192xf32, #tpu.memory_space<hbm>>
      %dma_wait3A_171 = tpu.memref_squeeze %dma_wait3A_170 : memref<1x8x8192xf32, #tpu.memory_space<hbm>> -> memref<8x8192xf32, #tpu.memory_space<hbm>>
      %dma_wait3A_172 = arith.constant 0 : i32
      %dma_wait3A_173 = tpu.memref_slice %arg2[%select_n3A, %add3A_100, %dma_wait3A_172] : memref<4x2048x8192xf32, #tpu.memory_space<hbm>> -> memref<1x8x8192xf32, #tpu.memory_space<hbm>>
      %dma_wait3A_174 = tpu.memref_squeeze %dma_wait3A_173 : memref<1x8x8192xf32, #tpu.memory_space<hbm>> -> memref<8x8192xf32, #tpu.memory_space<hbm>>
      tpu.wait_dma2 semaphore(%run_scoped3A : memref<!tpu.dma_semaphore, #tpu.memory_space<semaphore_mem>>) src(%arg3 : memref<8x8192xf32, #tpu.memory_space<vmem>>) dst(%dma_wait3A_174 : memref<8x8192xf32, #tpu.memory_space<hbm>>)
      tpu.yield
    }) : () -> ()
    %mul3A_101 = arith.constant 256 : i32
    %mul3A_102 = arith.muli %select_n3A_36, %mul3A_101 : i32
    %add3A_103 = arith.constant 128 : i32
    %add3A_104 = arith.addi %mul3A_102, %add3A_103 : i32
    "tpu.region"() ({
      %run_scoped3A = tpu.sem_alloc : memref<!tpu.dma_semaphore, #tpu.memory_space<semaphore_mem>>
      %dma_start3A = arith.constant 0 : i32
      %dma_start3A_165 = tpu.memref_slice %arg2[%select_n3A, %add3A_104, %dma_start3A] : memref<4x2048x8192xf32, #tpu.memory_space<hbm>> -> memref<1x8x8192xf32, #tpu.memory_space<hbm>>
      %dma_start3A_166 = tpu.memref_squeeze %dma_start3A_165 : memref<1x8x8192xf32, #tpu.memory_space<hbm>> -> memref<8x8192xf32, #tpu.memory_space<hbm>>
      %dma_start3A_167 = arith.constant 0 : i32
      %dma_start3A_168 = tpu.memref_slice %arg2[%select_n3A, %add3A_104, %dma_start3A_167] : memref<4x2048x8192xf32, #tpu.memory_space<hbm>> -> memref<1x8x8192xf32, #tpu.memory_space<hbm>>
      %dma_start3A_169 = tpu.memref_squeeze %dma_start3A_168 : memref<1x8x8192xf32, #tpu.memory_space<hbm>> -> memref<8x8192xf32, #tpu.memory_space<hbm>>
      tpu.enqueue_dma source(%arg3 : memref<8x8192xf32, #tpu.memory_space<vmem>>) target(%dma_start3A_169 : memref<8x8192xf32, #tpu.memory_space<hbm>>) target_semaphore(%run_scoped3A : memref<!tpu.dma_semaphore, #tpu.memory_space<semaphore_mem>>)
      %dma_wait3A = arith.constant 0 : i32
      %dma_wait3A_170 = tpu.memref_slice %arg2[%select_n3A, %add3A_104, %dma_wait3A] : memref<4x2048x8192xf32, #tpu.memory_space<hbm>> -> memref<1x8x8192xf32, #tpu.memory_space<hbm>>
      %dma_wait3A_171 = tpu.memref_squeeze %dma_wait3A_170 : memref<1x8x8192xf32, #tpu.memory_space<hbm>> -> memref<8x8192xf32, #tpu.memory_space<hbm>>
      %dma_wait3A_172 = arith.constant 0 : i32
      %dma_wait3A_173 = tpu.memref_slice %arg2[%select_n3A, %add3A_104, %dma_wait3A_172] : memref<4x2048x8192xf32, #tpu.memory_space<hbm>> -> memref<1x8x8192xf32, #tpu.memory_space<hbm>>
      %dma_wait3A_174 = tpu.memref_squeeze %dma_wait3A_173 : memref<1x8x8192xf32, #tpu.memory_space<hbm>> -> memref<8x8192xf32, #tpu.memory_space<hbm>>
      tpu.wait_dma2 semaphore(%run_scoped3A : memref<!tpu.dma_semaphore, #tpu.memory_space<semaphore_mem>>) src(%arg3 : memref<8x8192xf32, #tpu.memory_space<vmem>>) dst(%dma_wait3A_174 : memref<8x8192xf32, #tpu.memory_space<hbm>>)
      tpu.yield
    }) : () -> ()
    %mul3A_105 = arith.constant 256 : i32
    %mul3A_106 = arith.muli %select_n3A_36, %mul3A_105 : i32
    %add3A_107 = arith.constant 136 : i32
    %add3A_108 = arith.addi %mul3A_106, %add3A_107 : i32
    "tpu.region"() ({
      %run_scoped3A = tpu.sem_alloc : memref<!tpu.dma_semaphore, #tpu.memory_space<semaphore_mem>>
      %dma_start3A = arith.constant 0 : i32
      %dma_start3A_165 = tpu.memref_slice %arg2[%select_n3A, %add3A_108, %dma_start3A] : memref<4x2048x8192xf32, #tpu.memory_space<hbm>> -> memref<1x8x8192xf32, #tpu.memory_space<hbm>>
      %dma_start3A_166 = tpu.memref_squeeze %dma_start3A_165 : memref<1x8x8192xf32, #tpu.memory_space<hbm>> -> memref<8x8192xf32, #tpu.memory_space<hbm>>
      %dma_start3A_167 = arith.constant 0 : i32
      %dma_start3A_168 = tpu.memref_slice %arg2[%select_n3A, %add3A_108, %dma_start3A_167] : memref<4x2048x8192xf32, #tpu.memory_space<hbm>> -> memref<1x8x8192xf32, #tpu.memory_space<hbm>>
      %dma_start3A_169 = tpu.memref_squeeze %dma_start3A_168 : memref<1x8x8192xf32, #tpu.memory_space<hbm>> -> memref<8x8192xf32, #tpu.memory_space<hbm>>
      tpu.enqueue_dma source(%arg3 : memref<8x8192xf32, #tpu.memory_space<vmem>>) target(%dma_start3A_169 : memref<8x8192xf32, #tpu.memory_space<hbm>>) target_semaphore(%run_scoped3A : memref<!tpu.dma_semaphore, #tpu.memory_space<semaphore_mem>>)
      %dma_wait3A = arith.constant 0 : i32
      %dma_wait3A_170 = tpu.memref_slice %arg2[%select_n3A, %add3A_108, %dma_wait3A] : memref<4x2048x8192xf32, #tpu.memory_space<hbm>> -> memref<1x8x8192xf32, #tpu.memory_space<hbm>>
      %dma_wait3A_171 = tpu.memref_squeeze %dma_wait3A_170 : memref<1x8x8192xf32, #tpu.memory_space<hbm>> -> memref<8x8192xf32, #tpu.memory_space<hbm>>
      %dma_wait3A_172 = arith.constant 0 : i32
      %dma_wait3A_173 = tpu.memref_slice %arg2[%select_n3A, %add3A_108, %dma_wait3A_172] : memref<4x2048x8192xf32, #tpu.memory_space<hbm>> -> memref<1x8x8192xf32, #tpu.memory_space<hbm>>
      %dma_wait3A_174 = tpu.memref_squeeze %dma_wait3A_173 : memref<1x8x8192xf32, #tpu.memory_space<hbm>> -> memref<8x8192xf32, #tpu.memory_space<hbm>>
      tpu.wait_dma2 semaphore(%run_scoped3A : memref<!tpu.dma_semaphore, #tpu.memory_space<semaphore_mem>>) src(%arg3 : memref<8x8192xf32, #tpu.memory_space<vmem>>) dst(%dma_wait3A_174 : memref<8x8192xf32, #tpu.memory_space<hbm>>)
      tpu.yield
    }) : () -> ()
    %mul3A_109 = arith.constant 256 : i32
    %mul3A_110 = arith.muli %select_n3A_36, %mul3A_109 : i32
    %add3A_111 = arith.constant 144 : i32
    %add3A_112 = arith.addi %mul3A_110, %add3A_111 : i32
    "tpu.region"() ({
      %run_scoped3A = tpu.sem_alloc : memref<!tpu.dma_semaphore, #tpu.memory_space<semaphore_mem>>
      %dma_start3A = arith.constant 0 : i32
      %dma_start3A_165 = tpu.memref_slice %arg2[%select_n3A, %add3A_112, %dma_start3A] : memref<4x2048x8192xf32, #tpu.memory_space<hbm>> -> memref<1x8x8192xf32, #tpu.memory_space<hbm>>
      %dma_start3A_166 = tpu.memref_squeeze %dma_start3A_165 : memref<1x8x8192xf32, #tpu.memory_space<hbm>> -> memref<8x8192xf32, #tpu.memory_space<hbm>>
      %dma_start3A_167 = arith.constant 0 : i32
      %dma_start3A_168 = tpu.memref_slice %arg2[%select_n3A, %add3A_112, %dma_start3A_167] : memref<4x2048x8192xf32, #tpu.memory_space<hbm>> -> memref<1x8x8192xf32, #tpu.memory_space<hbm>>
      %dma_start3A_169 = tpu.memref_squeeze %dma_start3A_168 : memref<1x8x8192xf32, #tpu.memory_space<hbm>> -> memref<8x8192xf32, #tpu.memory_space<hbm>>
      tpu.enqueue_dma source(%arg3 : memref<8x8192xf32, #tpu.memory_space<vmem>>) target(%dma_start3A_169 : memref<8x8192xf32, #tpu.memory_space<hbm>>) target_semaphore(%run_scoped3A : memref<!tpu.dma_semaphore, #tpu.memory_space<semaphore_mem>>)
      %dma_wait3A = arith.constant 0 : i32
      %dma_wait3A_170 = tpu.memref_slice %arg2[%select_n3A, %add3A_112, %dma_wait3A] : memref<4x2048x8192xf32, #tpu.memory_space<hbm>> -> memref<1x8x8192xf32, #tpu.memory_space<hbm>>
      %dma_wait3A_171 = tpu.memref_squeeze %dma_wait3A_170 : memref<1x8x8192xf32, #tpu.memory_space<hbm>> -> memref<8x8192xf32, #tpu.memory_space<hbm>>
      %dma_wait3A_172 = arith.constant 0 : i32
      %dma_wait3A_173 = tpu.memref_slice %arg2[%select_n3A, %add3A_112, %dma_wait3A_172] : memref<4x2048x8192xf32, #tpu.memory_space<hbm>> -> memref<1x8x8192xf32, #tpu.memory_space<hbm>>
      %dma_wait3A_174 = tpu.memref_squeeze %dma_wait3A_173 : memref<1x8x8192xf32, #tpu.memory_space<hbm>> -> memref<8x8192xf32, #tpu.memory_space<hbm>>
      tpu.wait_dma2 semaphore(%run_scoped3A : memref<!tpu.dma_semaphore, #tpu.memory_space<semaphore_mem>>) src(%arg3 : memref<8x8192xf32, #tpu.memory_space<vmem>>) dst(%dma_wait3A_174 : memref<8x8192xf32, #tpu.memory_space<hbm>>)
      tpu.yield
    }) : () -> ()
    %mul3A_113 = arith.constant 256 : i32
    %mul3A_114 = arith.muli %select_n3A_36, %mul3A_113 : i32
    %add3A_115 = arith.constant 152 : i32
    %add3A_116 = arith.addi %mul3A_114, %add3A_115 : i32
    "tpu.region"() ({
      %run_scoped3A = tpu.sem_alloc : memref<!tpu.dma_semaphore, #tpu.memory_space<semaphore_mem>>
      %dma_start3A = arith.constant 0 : i32
      %dma_start3A_165 = tpu.memref_slice %arg2[%select_n3A, %add3A_116, %dma_start3A] : memref<4x2048x8192xf32, #tpu.memory_space<hbm>> -> memref<1x8x8192xf32, #tpu.memory_space<hbm>>
      %dma_start3A_166 = tpu.memref_squeeze %dma_start3A_165 : memref<1x8x8192xf32, #tpu.memory_space<hbm>> -> memref<8x8192xf32, #tpu.memory_space<hbm>>
      %dma_start3A_167 = arith.constant 0 : i32
      %dma_start3A_168 = tpu.memref_slice %arg2[%select_n3A, %add3A_116, %dma_start3A_167] : memref<4x2048x8192xf32, #tpu.memory_space<hbm>> -> memref<1x8x8192xf32, #tpu.memory_space<hbm>>
      %dma_start3A_169 = tpu.memref_squeeze %dma_start3A_168 : memref<1x8x8192xf32, #tpu.memory_space<hbm>> -> memref<8x8192xf32, #tpu.memory_space<hbm>>
      tpu.enqueue_dma source(%arg3 : memref<8x8192xf32, #tpu.memory_space<vmem>>) target(%dma_start3A_169 : memref<8x8192xf32, #tpu.memory_space<hbm>>) target_semaphore(%run_scoped3A : memref<!tpu.dma_semaphore, #tpu.memory_space<semaphore_mem>>)
      %dma_wait3A = arith.constant 0 : i32
      %dma_wait3A_170 = tpu.memref_slice %arg2[%select_n3A, %add3A_116, %dma_wait3A] : memref<4x2048x8192xf32, #tpu.memory_space<hbm>> -> memref<1x8x8192xf32, #tpu.memory_space<hbm>>
      %dma_wait3A_171 = tpu.memref_squeeze %dma_wait3A_170 : memref<1x8x8192xf32, #tpu.memory_space<hbm>> -> memref<8x8192xf32, #tpu.memory_space<hbm>>
      %dma_wait3A_172 = arith.constant 0 : i32
      %dma_wait3A_173 = tpu.memref_slice %arg2[%select_n3A, %add3A_116, %dma_wait3A_172] : memref<4x2048x8192xf32, #tpu.memory_space<hbm>> -> memref<1x8x8192xf32, #tpu.memory_space<hbm>>
      %dma_wait3A_174 = tpu.memref_squeeze %dma_wait3A_173 : memref<1x8x8192xf32, #tpu.memory_space<hbm>> -> memref<8x8192xf32, #tpu.memory_space<hbm>>
      tpu.wait_dma2 semaphore(%run_scoped3A : memref<!tpu.dma_semaphore, #tpu.memory_space<semaphore_mem>>) src(%arg3 : memref<8x8192xf32, #tpu.memory_space<vmem>>) dst(%dma_wait3A_174 : memref<8x8192xf32, #tpu.memory_space<hbm>>)
      tpu.yield
    }) : () -> ()
    %mul3A_117 = arith.constant 256 : i32
    %mul3A_118 = arith.muli %select_n3A_36, %mul3A_117 : i32
    %add3A_119 = arith.constant 160 : i32
    %add3A_120 = arith.addi %mul3A_118, %add3A_119 : i32
    "tpu.region"() ({
      %run_scoped3A = tpu.sem_alloc : memref<!tpu.dma_semaphore, #tpu.memory_space<semaphore_mem>>
      %dma_start3A = arith.constant 0 : i32
      %dma_start3A_165 = tpu.memref_slice %arg2[%select_n3A, %add3A_120, %dma_start3A] : memref<4x2048x8192xf32, #tpu.memory_space<hbm>> -> memref<1x8x8192xf32, #tpu.memory_space<hbm>>
      %dma_start3A_166 = tpu.memref_squeeze %dma_start3A_165 : memref<1x8x8192xf32, #tpu.memory_space<hbm>> -> memref<8x8192xf32, #tpu.memory_space<hbm>>
      %dma_start3A_167 = arith.constant 0 : i32
      %dma_start3A_168 = tpu.memref_slice %arg2[%select_n3A, %add3A_120, %dma_start3A_167] : memref<4x2048x8192xf32, #tpu.memory_space<hbm>> -> memref<1x8x8192xf32, #tpu.memory_space<hbm>>
      %dma_start3A_169 = tpu.memref_squeeze %dma_start3A_168 : memref<1x8x8192xf32, #tpu.memory_space<hbm>> -> memref<8x8192xf32, #tpu.memory_space<hbm>>
      tpu.enqueue_dma source(%arg3 : memref<8x8192xf32, #tpu.memory_space<vmem>>) target(%dma_start3A_169 : memref<8x8192xf32, #tpu.memory_space<hbm>>) target_semaphore(%run_scoped3A : memref<!tpu.dma_semaphore, #tpu.memory_space<semaphore_mem>>)
      %dma_wait3A = arith.constant 0 : i32
      %dma_wait3A_170 = tpu.memref_slice %arg2[%select_n3A, %add3A_120, %dma_wait3A] : memref<4x2048x8192xf32, #tpu.memory_space<hbm>> -> memref<1x8x8192xf32, #tpu.memory_space<hbm>>
      %dma_wait3A_171 = tpu.memref_squeeze %dma_wait3A_170 : memref<1x8x8192xf32, #tpu.memory_space<hbm>> -> memref<8x8192xf32, #tpu.memory_space<hbm>>
      %dma_wait3A_172 = arith.constant 0 : i32
      %dma_wait3A_173 = tpu.memref_slice %arg2[%select_n3A, %add3A_120, %dma_wait3A_172] : memref<4x2048x8192xf32, #tpu.memory_space<hbm>> -> memref<1x8x8192xf32, #tpu.memory_space<hbm>>
      %dma_wait3A_174 = tpu.memref_squeeze %dma_wait3A_173 : memref<1x8x8192xf32, #tpu.memory_space<hbm>> -> memref<8x8192xf32, #tpu.memory_space<hbm>>
      tpu.wait_dma2 semaphore(%run_scoped3A : memref<!tpu.dma_semaphore, #tpu.memory_space<semaphore_mem>>) src(%arg3 : memref<8x8192xf32, #tpu.memory_space<vmem>>) dst(%dma_wait3A_174 : memref<8x8192xf32, #tpu.memory_space<hbm>>)
      tpu.yield
    }) : () -> ()
    %mul3A_121 = arith.constant 256 : i32
    %mul3A_122 = arith.muli %select_n3A_36, %mul3A_121 : i32
    %add3A_123 = arith.constant 168 : i32
    %add3A_124 = arith.addi %mul3A_122, %add3A_123 : i32
    "tpu.region"() ({
      %run_scoped3A = tpu.sem_alloc : memref<!tpu.dma_semaphore, #tpu.memory_space<semaphore_mem>>
      %dma_start3A = arith.constant 0 : i32
      %dma_start3A_165 = tpu.memref_slice %arg2[%select_n3A, %add3A_124, %dma_start3A] : memref<4x2048x8192xf32, #tpu.memory_space<hbm>> -> memref<1x8x8192xf32, #tpu.memory_space<hbm>>
      %dma_start3A_166 = tpu.memref_squeeze %dma_start3A_165 : memref<1x8x8192xf32, #tpu.memory_space<hbm>> -> memref<8x8192xf32, #tpu.memory_space<hbm>>
      %dma_start3A_167 = arith.constant 0 : i32
      %dma_start3A_168 = tpu.memref_slice %arg2[%select_n3A, %add3A_124, %dma_start3A_167] : memref<4x2048x8192xf32, #tpu.memory_space<hbm>> -> memref<1x8x8192xf32, #tpu.memory_space<hbm>>
      %dma_start3A_169 = tpu.memref_squeeze %dma_start3A_168 : memref<1x8x8192xf32, #tpu.memory_space<hbm>> -> memref<8x8192xf32, #tpu.memory_space<hbm>>
      tpu.enqueue_dma source(%arg3 : memref<8x8192xf32, #tpu.memory_space<vmem>>) target(%dma_start3A_169 : memref<8x8192xf32, #tpu.memory_space<hbm>>) target_semaphore(%run_scoped3A : memref<!tpu.dma_semaphore, #tpu.memory_space<semaphore_mem>>)
      %dma_wait3A = arith.constant 0 : i32
      %dma_wait3A_170 = tpu.memref_slice %arg2[%select_n3A, %add3A_124, %dma_wait3A] : memref<4x2048x8192xf32, #tpu.memory_space<hbm>> -> memref<1x8x8192xf32, #tpu.memory_space<hbm>>
      %dma_wait3A_171 = tpu.memref_squeeze %dma_wait3A_170 : memref<1x8x8192xf32, #tpu.memory_space<hbm>> -> memref<8x8192xf32, #tpu.memory_space<hbm>>
      %dma_wait3A_172 = arith.constant 0 : i32
      %dma_wait3A_173 = tpu.memref_slice %arg2[%select_n3A, %add3A_124, %dma_wait3A_172] : memref<4x2048x8192xf32, #tpu.memory_space<hbm>> -> memref<1x8x8192xf32, #tpu.memory_space<hbm>>
      %dma_wait3A_174 = tpu.memref_squeeze %dma_wait3A_173 : memref<1x8x8192xf32, #tpu.memory_space<hbm>> -> memref<8x8192xf32, #tpu.memory_space<hbm>>
      tpu.wait_dma2 semaphore(%run_scoped3A : memref<!tpu.dma_semaphore, #tpu.memory_space<semaphore_mem>>) src(%arg3 : memref<8x8192xf32, #tpu.memory_space<vmem>>) dst(%dma_wait3A_174 : memref<8x8192xf32, #tpu.memory_space<hbm>>)
      tpu.yield
    }) : () -> ()
    %mul3A_125 = arith.constant 256 : i32
    %mul3A_126 = arith.muli %select_n3A_36, %mul3A_125 : i32
    %add3A_127 = arith.constant 176 : i32
    %add3A_128 = arith.addi %mul3A_126, %add3A_127 : i32
    "tpu.region"() ({
      %run_scoped3A = tpu.sem_alloc : memref<!tpu.dma_semaphore, #tpu.memory_space<semaphore_mem>>
      %dma_start3A = arith.constant 0 : i32
      %dma_start3A_165 = tpu.memref_slice %arg2[%select_n3A, %add3A_128, %dma_start3A] : memref<4x2048x8192xf32, #tpu.memory_space<hbm>> -> memref<1x8x8192xf32, #tpu.memory_space<hbm>>
      %dma_start3A_166 = tpu.memref_squeeze %dma_start3A_165 : memref<1x8x8192xf32, #tpu.memory_space<hbm>> -> memref<8x8192xf32, #tpu.memory_space<hbm>>
      %dma_start3A_167 = arith.constant 0 : i32
      %dma_start3A_168 = tpu.memref_slice %arg2[%select_n3A, %add3A_128, %dma_start3A_167] : memref<4x2048x8192xf32, #tpu.memory_space<hbm>> -> memref<1x8x8192xf32, #tpu.memory_space<hbm>>
      %dma_start3A_169 = tpu.memref_squeeze %dma_start3A_168 : memref<1x8x8192xf32, #tpu.memory_space<hbm>> -> memref<8x8192xf32, #tpu.memory_space<hbm>>
      tpu.enqueue_dma source(%arg3 : memref<8x8192xf32, #tpu.memory_space<vmem>>) target(%dma_start3A_169 : memref<8x8192xf32, #tpu.memory_space<hbm>>) target_semaphore(%run_scoped3A : memref<!tpu.dma_semaphore, #tpu.memory_space<semaphore_mem>>)
      %dma_wait3A = arith.constant 0 : i32
      %dma_wait3A_170 = tpu.memref_slice %arg2[%select_n3A, %add3A_128, %dma_wait3A] : memref<4x2048x8192xf32, #tpu.memory_space<hbm>> -> memref<1x8x8192xf32, #tpu.memory_space<hbm>>
      %dma_wait3A_171 = tpu.memref_squeeze %dma_wait3A_170 : memref<1x8x8192xf32, #tpu.memory_space<hbm>> -> memref<8x8192xf32, #tpu.memory_space<hbm>>
      %dma_wait3A_172 = arith.constant 0 : i32
      %dma_wait3A_173 = tpu.memref_slice %arg2[%select_n3A, %add3A_128, %dma_wait3A_172] : memref<4x2048x8192xf32, #tpu.memory_space<hbm>> -> memref<1x8x8192xf32, #tpu.memory_space<hbm>>
      %dma_wait3A_174 = tpu.memref_squeeze %dma_wait3A_173 : memref<1x8x8192xf32, #tpu.memory_space<hbm>> -> memref<8x8192xf32, #tpu.memory_space<hbm>>
      tpu.wait_dma2 semaphore(%run_scoped3A : memref<!tpu.dma_semaphore, #tpu.memory_space<semaphore_mem>>) src(%arg3 : memref<8x8192xf32, #tpu.memory_space<vmem>>) dst(%dma_wait3A_174 : memref<8x8192xf32, #tpu.memory_space<hbm>>)
      tpu.yield
    }) : () -> ()
    %mul3A_129 = arith.constant 256 : i32
    %mul3A_130 = arith.muli %select_n3A_36, %mul3A_129 : i32
    %add3A_131 = arith.constant 184 : i32
    %add3A_132 = arith.addi %mul3A_130, %add3A_131 : i32
    "tpu.region"() ({
      %run_scoped3A = tpu.sem_alloc : memref<!tpu.dma_semaphore, #tpu.memory_space<semaphore_mem>>
      %dma_start3A = arith.constant 0 : i32
      %dma_start3A_165 = tpu.memref_slice %arg2[%select_n3A, %add3A_132, %dma_start3A] : memref<4x2048x8192xf32, #tpu.memory_space<hbm>> -> memref<1x8x8192xf32, #tpu.memory_space<hbm>>
      %dma_start3A_166 = tpu.memref_squeeze %dma_start3A_165 : memref<1x8x8192xf32, #tpu.memory_space<hbm>> -> memref<8x8192xf32, #tpu.memory_space<hbm>>
      %dma_start3A_167 = arith.constant 0 : i32
      %dma_start3A_168 = tpu.memref_slice %arg2[%select_n3A, %add3A_132, %dma_start3A_167] : memref<4x2048x8192xf32, #tpu.memory_space<hbm>> -> memref<1x8x8192xf32, #tpu.memory_space<hbm>>
      %dma_start3A_169 = tpu.memref_squeeze %dma_start3A_168 : memref<1x8x8192xf32, #tpu.memory_space<hbm>> -> memref<8x8192xf32, #tpu.memory_space<hbm>>
      tpu.enqueue_dma source(%arg3 : memref<8x8192xf32, #tpu.memory_space<vmem>>) target(%dma_start3A_169 : memref<8x8192xf32, #tpu.memory_space<hbm>>) target_semaphore(%run_scoped3A : memref<!tpu.dma_semaphore, #tpu.memory_space<semaphore_mem>>)
      %dma_wait3A = arith.constant 0 : i32
      %dma_wait3A_170 = tpu.memref_slice %arg2[%select_n3A, %add3A_132, %dma_wait3A] : memref<4x2048x8192xf32, #tpu.memory_space<hbm>> -> memref<1x8x8192xf32, #tpu.memory_space<hbm>>
      %dma_wait3A_171 = tpu.memref_squeeze %dma_wait3A_170 : memref<1x8x8192xf32, #tpu.memory_space<hbm>> -> memref<8x8192xf32, #tpu.memory_space<hbm>>
      %dma_wait3A_172 = arith.constant 0 : i32
      %dma_wait3A_173 = tpu.memref_slice %arg2[%select_n3A, %add3A_132, %dma_wait3A_172] : memref<4x2048x8192xf32, #tpu.memory_space<hbm>> -> memref<1x8x8192xf32, #tpu.memory_space<hbm>>
      %dma_wait3A_174 = tpu.memref_squeeze %dma_wait3A_173 : memref<1x8x8192xf32, #tpu.memory_space<hbm>> -> memref<8x8192xf32, #tpu.memory_space<hbm>>
      tpu.wait_dma2 semaphore(%run_scoped3A : memref<!tpu.dma_semaphore, #tpu.memory_space<semaphore_mem>>) src(%arg3 : memref<8x8192xf32, #tpu.memory_space<vmem>>) dst(%dma_wait3A_174 : memref<8x8192xf32, #tpu.memory_space<hbm>>)
      tpu.yield
    }) : () -> ()
    %mul3A_133 = arith.constant 256 : i32
    %mul3A_134 = arith.muli %select_n3A_36, %mul3A_133 : i32
    %add3A_135 = arith.constant 192 : i32
    %add3A_136 = arith.addi %mul3A_134, %add3A_135 : i32
    "tpu.region"() ({
      %run_scoped3A = tpu.sem_alloc : memref<!tpu.dma_semaphore, #tpu.memory_space<semaphore_mem>>
      %dma_start3A = arith.constant 0 : i32
      %dma_start3A_165 = tpu.memref_slice %arg2[%select_n3A, %add3A_136, %dma_start3A] : memref<4x2048x8192xf32, #tpu.memory_space<hbm>> -> memref<1x8x8192xf32, #tpu.memory_space<hbm>>
      %dma_start3A_166 = tpu.memref_squeeze %dma_start3A_165 : memref<1x8x8192xf32, #tpu.memory_space<hbm>> -> memref<8x8192xf32, #tpu.memory_space<hbm>>
      %dma_start3A_167 = arith.constant 0 : i32
      %dma_start3A_168 = tpu.memref_slice %arg2[%select_n3A, %add3A_136, %dma_start3A_167] : memref<4x2048x8192xf32, #tpu.memory_space<hbm>> -> memref<1x8x8192xf32, #tpu.memory_space<hbm>>
      %dma_start3A_169 = tpu.memref_squeeze %dma_start3A_168 : memref<1x8x8192xf32, #tpu.memory_space<hbm>> -> memref<8x8192xf32, #tpu.memory_space<hbm>>
      tpu.enqueue_dma source(%arg3 : memref<8x8192xf32, #tpu.memory_space<vmem>>) target(%dma_start3A_169 : memref<8x8192xf32, #tpu.memory_space<hbm>>) target_semaphore(%run_scoped3A : memref<!tpu.dma_semaphore, #tpu.memory_space<semaphore_mem>>)
      %dma_wait3A = arith.constant 0 : i32
      %dma_wait3A_170 = tpu.memref_slice %arg2[%select_n3A, %add3A_136, %dma_wait3A] : memref<4x2048x8192xf32, #tpu.memory_space<hbm>> -> memref<1x8x8192xf32, #tpu.memory_space<hbm>>
      %dma_wait3A_171 = tpu.memref_squeeze %dma_wait3A_170 : memref<1x8x8192xf32, #tpu.memory_space<hbm>> -> memref<8x8192xf32, #tpu.memory_space<hbm>>
      %dma_wait3A_172 = arith.constant 0 : i32
      %dma_wait3A_173 = tpu.memref_slice %arg2[%select_n3A, %add3A_136, %dma_wait3A_172] : memref<4x2048x8192xf32, #tpu.memory_space<hbm>> -> memref<1x8x8192xf32, #tpu.memory_space<hbm>>
      %dma_wait3A_174 = tpu.memref_squeeze %dma_wait3A_173 : memref<1x8x8192xf32, #tpu.memory_space<hbm>> -> memref<8x8192xf32, #tpu.memory_space<hbm>>
      tpu.wait_dma2 semaphore(%run_scoped3A : memref<!tpu.dma_semaphore, #tpu.memory_space<semaphore_mem>>) src(%arg3 : memref<8x8192xf32, #tpu.memory_space<vmem>>) dst(%dma_wait3A_174 : memref<8x8192xf32, #tpu.memory_space<hbm>>)
      tpu.yield
    }) : () -> ()
    %mul3A_137 = arith.constant 256 : i32
    %mul3A_138 = arith.muli %select_n3A_36, %mul3A_137 : i32
    %add3A_139 = arith.constant 200 : i32
    %add3A_140 = arith.addi %mul3A_138, %add3A_139 : i32
    "tpu.region"() ({
      %run_scoped3A = tpu.sem_alloc : memref<!tpu.dma_semaphore, #tpu.memory_space<semaphore_mem>>
      %dma_start3A = arith.constant 0 : i32
      %dma_start3A_165 = tpu.memref_slice %arg2[%select_n3A, %add3A_140, %dma_start3A] : memref<4x2048x8192xf32, #tpu.memory_space<hbm>> -> memref<1x8x8192xf32, #tpu.memory_space<hbm>>
      %dma_start3A_166 = tpu.memref_squeeze %dma_start3A_165 : memref<1x8x8192xf32, #tpu.memory_space<hbm>> -> memref<8x8192xf32, #tpu.memory_space<hbm>>
      %dma_start3A_167 = arith.constant 0 : i32
      %dma_start3A_168 = tpu.memref_slice %arg2[%select_n3A, %add3A_140, %dma_start3A_167] : memref<4x2048x8192xf32, #tpu.memory_space<hbm>> -> memref<1x8x8192xf32, #tpu.memory_space<hbm>>
      %dma_start3A_169 = tpu.memref_squeeze %dma_start3A_168 : memref<1x8x8192xf32, #tpu.memory_space<hbm>> -> memref<8x8192xf32, #tpu.memory_space<hbm>>
      tpu.enqueue_dma source(%arg3 : memref<8x8192xf32, #tpu.memory_space<vmem>>) target(%dma_start3A_169 : memref<8x8192xf32, #tpu.memory_space<hbm>>) target_semaphore(%run_scoped3A : memref<!tpu.dma_semaphore, #tpu.memory_space<semaphore_mem>>)
      %dma_wait3A = arith.constant 0 : i32
      %dma_wait3A_170 = tpu.memref_slice %arg2[%select_n3A, %add3A_140, %dma_wait3A] : memref<4x2048x8192xf32, #tpu.memory_space<hbm>> -> memref<1x8x8192xf32, #tpu.memory_space<hbm>>
      %dma_wait3A_171 = tpu.memref_squeeze %dma_wait3A_170 : memref<1x8x8192xf32, #tpu.memory_space<hbm>> -> memref<8x8192xf32, #tpu.memory_space<hbm>>
      %dma_wait3A_172 = arith.constant 0 : i32
      %dma_wait3A_173 = tpu.memref_slice %arg2[%select_n3A, %add3A_140, %dma_wait3A_172] : memref<4x2048x8192xf32, #tpu.memory_space<hbm>> -> memref<1x8x8192xf32, #tpu.memory_space<hbm>>
      %dma_wait3A_174 = tpu.memref_squeeze %dma_wait3A_173 : memref<1x8x8192xf32, #tpu.memory_space<hbm>> -> memref<8x8192xf32, #tpu.memory_space<hbm>>
      tpu.wait_dma2 semaphore(%run_scoped3A : memref<!tpu.dma_semaphore, #tpu.memory_space<semaphore_mem>>) src(%arg3 : memref<8x8192xf32, #tpu.memory_space<vmem>>) dst(%dma_wait3A_174 : memref<8x8192xf32, #tpu.memory_space<hbm>>)
      tpu.yield
    }) : () -> ()
    %mul3A_141 = arith.constant 256 : i32
    %mul3A_142 = arith.muli %select_n3A_36, %mul3A_141 : i32
    %add3A_143 = arith.constant 208 : i32
    %add3A_144 = arith.addi %mul3A_142, %add3A_143 : i32
    "tpu.region"() ({
      %run_scoped3A = tpu.sem_alloc : memref<!tpu.dma_semaphore, #tpu.memory_space<semaphore_mem>>
      %dma_start3A = arith.constant 0 : i32
      %dma_start3A_165 = tpu.memref_slice %arg2[%select_n3A, %add3A_144, %dma_start3A] : memref<4x2048x8192xf32, #tpu.memory_space<hbm>> -> memref<1x8x8192xf32, #tpu.memory_space<hbm>>
      %dma_start3A_166 = tpu.memref_squeeze %dma_start3A_165 : memref<1x8x8192xf32, #tpu.memory_space<hbm>> -> memref<8x8192xf32, #tpu.memory_space<hbm>>
      %dma_start3A_167 = arith.constant 0 : i32
      %dma_start3A_168 = tpu.memref_slice %arg2[%select_n3A, %add3A_144, %dma_start3A_167] : memref<4x2048x8192xf32, #tpu.memory_space<hbm>> -> memref<1x8x8192xf32, #tpu.memory_space<hbm>>
      %dma_start3A_169 = tpu.memref_squeeze %dma_start3A_168 : memref<1x8x8192xf32, #tpu.memory_space<hbm>> -> memref<8x8192xf32, #tpu.memory_space<hbm>>
      tpu.enqueue_dma source(%arg3 : memref<8x8192xf32, #tpu.memory_space<vmem>>) target(%dma_start3A_169 : memref<8x8192xf32, #tpu.memory_space<hbm>>) target_semaphore(%run_scoped3A : memref<!tpu.dma_semaphore, #tpu.memory_space<semaphore_mem>>)
      %dma_wait3A = arith.constant 0 : i32
      %dma_wait3A_170 = tpu.memref_slice %arg2[%select_n3A, %add3A_144, %dma_wait3A] : memref<4x2048x8192xf32, #tpu.memory_space<hbm>> -> memref<1x8x8192xf32, #tpu.memory_space<hbm>>
      %dma_wait3A_171 = tpu.memref_squeeze %dma_wait3A_170 : memref<1x8x8192xf32, #tpu.memory_space<hbm>> -> memref<8x8192xf32, #tpu.memory_space<hbm>>
      %dma_wait3A_172 = arith.constant 0 : i32
      %dma_wait3A_173 = tpu.memref_slice %arg2[%select_n3A, %add3A_144, %dma_wait3A_172] : memref<4x2048x8192xf32, #tpu.memory_space<hbm>> -> memref<1x8x8192xf32, #tpu.memory_space<hbm>>
      %dma_wait3A_174 = tpu.memref_squeeze %dma_wait3A_173 : memref<1x8x8192xf32, #tpu.memory_space<hbm>> -> memref<8x8192xf32, #tpu.memory_space<hbm>>
      tpu.wait_dma2 semaphore(%run_scoped3A : memref<!tpu.dma_semaphore, #tpu.memory_space<semaphore_mem>>) src(%arg3 : memref<8x8192xf32, #tpu.memory_space<vmem>>) dst(%dma_wait3A_174 : memref<8x8192xf32, #tpu.memory_space<hbm>>)
      tpu.yield
    }) : () -> ()
    %mul3A_145 = arith.constant 256 : i32
    %mul3A_146 = arith.muli %select_n3A_36, %mul3A_145 : i32
    %add3A_147 = arith.constant 216 : i32
    %add3A_148 = arith.addi %mul3A_146, %add3A_147 : i32
    "tpu.region"() ({
      %run_scoped3A = tpu.sem_alloc : memref<!tpu.dma_semaphore, #tpu.memory_space<semaphore_mem>>
      %dma_start3A = arith.constant 0 : i32
      %dma_start3A_165 = tpu.memref_slice %arg2[%select_n3A, %add3A_148, %dma_start3A] : memref<4x2048x8192xf32, #tpu.memory_space<hbm>> -> memref<1x8x8192xf32, #tpu.memory_space<hbm>>
      %dma_start3A_166 = tpu.memref_squeeze %dma_start3A_165 : memref<1x8x8192xf32, #tpu.memory_space<hbm>> -> memref<8x8192xf32, #tpu.memory_space<hbm>>
      %dma_start3A_167 = arith.constant 0 : i32
      %dma_start3A_168 = tpu.memref_slice %arg2[%select_n3A, %add3A_148, %dma_start3A_167] : memref<4x2048x8192xf32, #tpu.memory_space<hbm>> -> memref<1x8x8192xf32, #tpu.memory_space<hbm>>
      %dma_start3A_169 = tpu.memref_squeeze %dma_start3A_168 : memref<1x8x8192xf32, #tpu.memory_space<hbm>> -> memref<8x8192xf32, #tpu.memory_space<hbm>>
      tpu.enqueue_dma source(%arg3 : memref<8x8192xf32, #tpu.memory_space<vmem>>) target(%dma_start3A_169 : memref<8x8192xf32, #tpu.memory_space<hbm>>) target_semaphore(%run_scoped3A : memref<!tpu.dma_semaphore, #tpu.memory_space<semaphore_mem>>)
      %dma_wait3A = arith.constant 0 : i32
      %dma_wait3A_170 = tpu.memref_slice %arg2[%select_n3A, %add3A_148, %dma_wait3A] : memref<4x2048x8192xf32, #tpu.memory_space<hbm>> -> memref<1x8x8192xf32, #tpu.memory_space<hbm>>
      %dma_wait3A_171 = tpu.memref_squeeze %dma_wait3A_170 : memref<1x8x8192xf32, #tpu.memory_space<hbm>> -> memref<8x8192xf32, #tpu.memory_space<hbm>>
      %dma_wait3A_172 = arith.constant 0 : i32
      %dma_wait3A_173 = tpu.memref_slice %arg2[%select_n3A, %add3A_148, %dma_wait3A_172] : memref<4x2048x8192xf32, #tpu.memory_space<hbm>> -> memref<1x8x8192xf32, #tpu.memory_space<hbm>>
      %dma_wait3A_174 = tpu.memref_squeeze %dma_wait3A_173 : memref<1x8x8192xf32, #tpu.memory_space<hbm>> -> memref<8x8192xf32, #tpu.memory_space<hbm>>
      tpu.wait_dma2 semaphore(%run_scoped3A : memref<!tpu.dma_semaphore, #tpu.memory_space<semaphore_mem>>) src(%arg3 : memref<8x8192xf32, #tpu.memory_space<vmem>>) dst(%dma_wait3A_174 : memref<8x8192xf32, #tpu.memory_space<hbm>>)
      tpu.yield
    }) : () -> ()
    %mul3A_149 = arith.constant 256 : i32
    %mul3A_150 = arith.muli %select_n3A_36, %mul3A_149 : i32
    %add3A_151 = arith.constant 224 : i32
    %add3A_152 = arith.addi %mul3A_150, %add3A_151 : i32
    "tpu.region"() ({
      %run_scoped3A = tpu.sem_alloc : memref<!tpu.dma_semaphore, #tpu.memory_space<semaphore_mem>>
      %dma_start3A = arith.constant 0 : i32
      %dma_start3A_165 = tpu.memref_slice %arg2[%select_n3A, %add3A_152, %dma_start3A] : memref<4x2048x8192xf32, #tpu.memory_space<hbm>> -> memref<1x8x8192xf32, #tpu.memory_space<hbm>>
      %dma_start3A_166 = tpu.memref_squeeze %dma_start3A_165 : memref<1x8x8192xf32, #tpu.memory_space<hbm>> -> memref<8x8192xf32, #tpu.memory_space<hbm>>
      %dma_start3A_167 = arith.constant 0 : i32
      %dma_start3A_168 = tpu.memref_slice %arg2[%select_n3A, %add3A_152, %dma_start3A_167] : memref<4x2048x8192xf32, #tpu.memory_space<hbm>> -> memref<1x8x8192xf32, #tpu.memory_space<hbm>>
      %dma_start3A_169 = tpu.memref_squeeze %dma_start3A_168 : memref<1x8x8192xf32, #tpu.memory_space<hbm>> -> memref<8x8192xf32, #tpu.memory_space<hbm>>
      tpu.enqueue_dma source(%arg3 : memref<8x8192xf32, #tpu.memory_space<vmem>>) target(%dma_start3A_169 : memref<8x8192xf32, #tpu.memory_space<hbm>>) target_semaphore(%run_scoped3A : memref<!tpu.dma_semaphore, #tpu.memory_space<semaphore_mem>>)
      %dma_wait3A = arith.constant 0 : i32
      %dma_wait3A_170 = tpu.memref_slice %arg2[%select_n3A, %add3A_152, %dma_wait3A] : memref<4x2048x8192xf32, #tpu.memory_space<hbm>> -> memref<1x8x8192xf32, #tpu.memory_space<hbm>>
      %dma_wait3A_171 = tpu.memref_squeeze %dma_wait3A_170 : memref<1x8x8192xf32, #tpu.memory_space<hbm>> -> memref<8x8192xf32, #tpu.memory_space<hbm>>
      %dma_wait3A_172 = arith.constant 0 : i32
      %dma_wait3A_173 = tpu.memref_slice %arg2[%select_n3A, %add3A_152, %dma_wait3A_172] : memref<4x2048x8192xf32, #tpu.memory_space<hbm>> -> memref<1x8x8192xf32, #tpu.memory_space<hbm>>
      %dma_wait3A_174 = tpu.memref_squeeze %dma_wait3A_173 : memref<1x8x8192xf32, #tpu.memory_space<hbm>> -> memref<8x8192xf32, #tpu.memory_space<hbm>>
      tpu.wait_dma2 semaphore(%run_scoped3A : memref<!tpu.dma_semaphore, #tpu.memory_space<semaphore_mem>>) src(%arg3 : memref<8x8192xf32, #tpu.memory_space<vmem>>) dst(%dma_wait3A_174 : memref<8x8192xf32, #tpu.memory_space<hbm>>)
      tpu.yield
    }) : () -> ()
    %mul3A_153 = arith.constant 256 : i32
    %mul3A_154 = arith.muli %select_n3A_36, %mul3A_153 : i32
    %add3A_155 = arith.constant 232 : i32
    %add3A_156 = arith.addi %mul3A_154, %add3A_155 : i32
    "tpu.region"() ({
      %run_scoped3A = tpu.sem_alloc : memref<!tpu.dma_semaphore, #tpu.memory_space<semaphore_mem>>
      %dma_start3A = arith.constant 0 : i32
      %dma_start3A_165 = tpu.memref_slice %arg2[%select_n3A, %add3A_156, %dma_start3A] : memref<4x2048x8192xf32, #tpu.memory_space<hbm>> -> memref<1x8x8192xf32, #tpu.memory_space<hbm>>
      %dma_start3A_166 = tpu.memref_squeeze %dma_start3A_165 : memref<1x8x8192xf32, #tpu.memory_space<hbm>> -> memref<8x8192xf32, #tpu.memory_space<hbm>>
      %dma_start3A_167 = arith.constant 0 : i32
      %dma_start3A_168 = tpu.memref_slice %arg2[%select_n3A, %add3A_156, %dma_start3A_167] : memref<4x2048x8192xf32, #tpu.memory_space<hbm>> -> memref<1x8x8192xf32, #tpu.memory_space<hbm>>
      %dma_start3A_169 = tpu.memref_squeeze %dma_start3A_168 : memref<1x8x8192xf32, #tpu.memory_space<hbm>> -> memref<8x8192xf32, #tpu.memory_space<hbm>>
      tpu.enqueue_dma source(%arg3 : memref<8x8192xf32, #tpu.memory_space<vmem>>) target(%dma_start3A_169 : memref<8x8192xf32, #tpu.memory_space<hbm>>) target_semaphore(%run_scoped3A : memref<!tpu.dma_semaphore, #tpu.memory_space<semaphore_mem>>)
      %dma_wait3A = arith.constant 0 : i32
      %dma_wait3A_170 = tpu.memref_slice %arg2[%select_n3A, %add3A_156, %dma_wait3A] : memref<4x2048x8192xf32, #tpu.memory_space<hbm>> -> memref<1x8x8192xf32, #tpu.memory_space<hbm>>
      %dma_wait3A_171 = tpu.memref_squeeze %dma_wait3A_170 : memref<1x8x8192xf32, #tpu.memory_space<hbm>> -> memref<8x8192xf32, #tpu.memory_space<hbm>>
      %dma_wait3A_172 = arith.constant 0 : i32
      %dma_wait3A_173 = tpu.memref_slice %arg2[%select_n3A, %add3A_156, %dma_wait3A_172] : memref<4x2048x8192xf32, #tpu.memory_space<hbm>> -> memref<1x8x8192xf32, #tpu.memory_space<hbm>>
      %dma_wait3A_174 = tpu.memref_squeeze %dma_wait3A_173 : memref<1x8x8192xf32, #tpu.memory_space<hbm>> -> memref<8x8192xf32, #tpu.memory_space<hbm>>
      tpu.wait_dma2 semaphore(%run_scoped3A : memref<!tpu.dma_semaphore, #tpu.memory_space<semaphore_mem>>) src(%arg3 : memref<8x8192xf32, #tpu.memory_space<vmem>>) dst(%dma_wait3A_174 : memref<8x8192xf32, #tpu.memory_space<hbm>>)
      tpu.yield
    }) : () -> ()
    %mul3A_157 = arith.constant 256 : i32
    %mul3A_158 = arith.muli %select_n3A_36, %mul3A_157 : i32
    %add3A_159 = arith.constant 240 : i32
    %add3A_160 = arith.addi %mul3A_158, %add3A_159 : i32
    "tpu.region"() ({
      %run_scoped3A = tpu.sem_alloc : memref<!tpu.dma_semaphore, #tpu.memory_space<semaphore_mem>>
      %dma_start3A = arith.constant 0 : i32
      %dma_start3A_165 = tpu.memref_slice %arg2[%select_n3A, %add3A_160, %dma_start3A] : memref<4x2048x8192xf32, #tpu.memory_space<hbm>> -> memref<1x8x8192xf32, #tpu.memory_space<hbm>>
      %dma_start3A_166 = tpu.memref_squeeze %dma_start3A_165 : memref<1x8x8192xf32, #tpu.memory_space<hbm>> -> memref<8x8192xf32, #tpu.memory_space<hbm>>
      %dma_start3A_167 = arith.constant 0 : i32
      %dma_start3A_168 = tpu.memref_slice %arg2[%select_n3A, %add3A_160, %dma_start3A_167] : memref<4x2048x8192xf32, #tpu.memory_space<hbm>> -> memref<1x8x8192xf32, #tpu.memory_space<hbm>>
      %dma_start3A_169 = tpu.memref_squeeze %dma_start3A_168 : memref<1x8x8192xf32, #tpu.memory_space<hbm>> -> memref<8x8192xf32, #tpu.memory_space<hbm>>
      tpu.enqueue_dma source(%arg3 : memref<8x8192xf32, #tpu.memory_space<vmem>>) target(%dma_start3A_169 : memref<8x8192xf32, #tpu.memory_space<hbm>>) target_semaphore(%run_scoped3A : memref<!tpu.dma_semaphore, #tpu.memory_space<semaphore_mem>>)
      %dma_wait3A = arith.constant 0 : i32
      %dma_wait3A_170 = tpu.memref_slice %arg2[%select_n3A, %add3A_160, %dma_wait3A] : memref<4x2048x8192xf32, #tpu.memory_space<hbm>> -> memref<1x8x8192xf32, #tpu.memory_space<hbm>>
      %dma_wait3A_171 = tpu.memref_squeeze %dma_wait3A_170 : memref<1x8x8192xf32, #tpu.memory_space<hbm>> -> memref<8x8192xf32, #tpu.memory_space<hbm>>
      %dma_wait3A_172 = arith.constant 0 : i32
      %dma_wait3A_173 = tpu.memref_slice %arg2[%select_n3A, %add3A_160, %dma_wait3A_172] : memref<4x2048x8192xf32, #tpu.memory_space<hbm>> -> memref<1x8x8192xf32, #tpu.memory_space<hbm>>
      %dma_wait3A_174 = tpu.memref_squeeze %dma_wait3A_173 : memref<1x8x8192xf32, #tpu.memory_space<hbm>> -> memref<8x8192xf32, #tpu.memory_space<hbm>>
      tpu.wait_dma2 semaphore(%run_scoped3A : memref<!tpu.dma_semaphore, #tpu.memory_space<semaphore_mem>>) src(%arg3 : memref<8x8192xf32, #tpu.memory_space<vmem>>) dst(%dma_wait3A_174 : memref<8x8192xf32, #tpu.memory_space<hbm>>)
      tpu.yield
    }) : () -> ()
    %mul3A_161 = arith.constant 256 : i32
    %mul3A_162 = arith.muli %select_n3A_36, %mul3A_161 : i32
    %add3A_163 = arith.constant 248 : i32
    %add3A_164 = arith.addi %mul3A_162, %add3A_163 : i32
    "tpu.region"() ({
      %run_scoped3A = tpu.sem_alloc : memref<!tpu.dma_semaphore, #tpu.memory_space<semaphore_mem>>
      %dma_start3A = arith.constant 0 : i32
      %dma_start3A_165 = tpu.memref_slice %arg2[%select_n3A, %add3A_164, %dma_start3A] : memref<4x2048x8192xf32, #tpu.memory_space<hbm>> -> memref<1x8x8192xf32, #tpu.memory_space<hbm>>
      %dma_start3A_166 = tpu.memref_squeeze %dma_start3A_165 : memref<1x8x8192xf32, #tpu.memory_space<hbm>> -> memref<8x8192xf32, #tpu.memory_space<hbm>>
      %dma_start3A_167 = arith.constant 0 : i32
      %dma_start3A_168 = tpu.memref_slice %arg2[%select_n3A, %add3A_164, %dma_start3A_167] : memref<4x2048x8192xf32, #tpu.memory_space<hbm>> -> memref<1x8x8192xf32, #tpu.memory_space<hbm>>
      %dma_start3A_169 = tpu.memref_squeeze %dma_start3A_168 : memref<1x8x8192xf32, #tpu.memory_space<hbm>> -> memref<8x8192xf32, #tpu.memory_space<hbm>>
      tpu.enqueue_dma source(%arg3 : memref<8x8192xf32, #tpu.memory_space<vmem>>) target(%dma_start3A_169 : memref<8x8192xf32, #tpu.memory_space<hbm>>) target_semaphore(%run_scoped3A : memref<!tpu.dma_semaphore, #tpu.memory_space<semaphore_mem>>)
      %dma_wait3A = arith.constant 0 : i32
      %dma_wait3A_170 = tpu.memref_slice %arg2[%select_n3A, %add3A_164, %dma_wait3A] : memref<4x2048x8192xf32, #tpu.memory_space<hbm>> -> memref<1x8x8192xf32, #tpu.memory_space<hbm>>
      %dma_wait3A_171 = tpu.memref_squeeze %dma_wait3A_170 : memref<1x8x8192xf32, #tpu.memory_space<hbm>> -> memref<8x8192xf32, #tpu.memory_space<hbm>>
      %dma_wait3A_172 = arith.constant 0 : i32
      %dma_wait3A_173 = tpu.memref_slice %arg2[%select_n3A, %add3A_164, %dma_wait3A_172] : memref<4x2048x8192xf32, #tpu.memory_space<hbm>> -> memref<1x8x8192xf32, #tpu.memory_space<hbm>>
      %dma_wait3A_174 = tpu.memref_squeeze %dma_wait3A_173 : memref<1x8x8192xf32, #tpu.memory_space<hbm>> -> memref<8x8192xf32, #tpu.memory_space<hbm>>
      tpu.wait_dma2 semaphore(%run_scoped3A : memref<!tpu.dma_semaphore, #tpu.memory_space<semaphore_mem>>) src(%arg3 : memref<8x8192xf32, #tpu.memory_space<vmem>>) dst(%dma_wait3A_174 : memref<8x8192xf32, #tpu.memory_space<hbm>>)
      tpu.yield
    }) : () -> ()
    return
  }
}

module attributes {stable_mosaic.version = 14 : i64} {
  func.func @_p1_body(%arg0: i32, %arg1: i32, %arg2: memref<1x768x1024xbf16, #tpu.memory_space<vmem>>, %arg3: memref<2048x768xbf16, #tpu.memory_space<vmem>>, %arg4: memref<2048x1xf32, #tpu.memory_space<vmem>>, %arg5: memref<1x1x1024xf32, #tpu.memory_space<vmem>>) attributes {dimension_semantics = [#tpu.dimension_semantics<arbitrary>, #tpu.dimension_semantics<arbitrary>], iteration_bounds = array<i64: 4, 8>, scalar_prefetch = 0 : i64, scratch_operands = 0 : i64, tpu.core_type = #tpu.core_type<tc>, window_params = [{transform_indices = @transform_0, window_bounds = array<i64: 1, 768, 1024>}, {pipeline_mode = #tpu.pipeline_mode<synchronous>, transform_indices = @transform_1, window_bounds = array<i64: 2048, 768>}, {pipeline_mode = #tpu.pipeline_mode<synchronous>, transform_indices = @transform_2, window_bounds = array<i64: 2048, 1>}, {transform_indices = @transform_3, window_bounds = array<i64: 1, 1, 1024>}]} {
    %get3A = arith.constant 0 : index
    %get3A_0 = arith.constant 0 : index
    %get3A_1 = vector.load %arg3[%get3A, %get3A_0] : memref<2048x768xbf16, #tpu.memory_space<vmem>>, vector<2048x768xbf16>
    %get3A_2 = arith.constant 0 : index
    %get3A_3 = arith.constant 0 : index
    %get3A_4 = arith.constant 0 : index
    %get3A_5 = vector.load %arg2[%get3A_2, %get3A_3, %get3A_4] : memref<1x768x1024xbf16, #tpu.memory_space<vmem>>, vector<1x768x1024xbf16>
    %get3A_6 = vector.shape_cast %get3A_5 : vector<1x768x1024xbf16> to vector<768x1024xbf16>
    %dot_general3A = arith.constant dense<0.000000e+00> : vector<2048x1024xf32>
    %dot_general3A_7 = tpu.matmul %get3A_1, %get3A_6, %dot_general3A {dimension_numbers = #tpu.dot_dimension_numbers<[1], [0], [0], [1], [0, 0, 1, 1], [], []>, transpose_lhs_hint = false} : vector<2048x768xbf16>, vector<768x1024xbf16>, vector<2048x1024xf32> -> vector<2048x1024xf32>
    %get3A_8 = arith.constant 0 : index
    %get3A_9 = arith.constant 0 : index
    %get3A_10 = vector.load %arg4[%get3A_8, %get3A_9] : memref<2048x1xf32, #tpu.memory_space<vmem>>, vector<2048x1xf32>
    %add3A = vector.broadcast %get3A_10 : vector<2048x1xf32> to vector<2048x1024xf32>
    %add3A_11 = arith.addf %dot_general3A_7, %add3A : vector<2048x1024xf32>
    %reduce_max3A = arith.constant dense<0xFF800000> : vector<1024xf32>
    %reduce_max3A_12 = vector.multi_reduction <maximumf>, %add3A_11, %reduce_max3A [0] : vector<2048x1024xf32> to vector<1024xf32>
    %swap3A = arith.constant 0 : index
    %swap3A_13 = arith.constant 0 : index
    %swap3A_14 = arith.constant 0 : index
    %swap3A_15 = vector.load %arg5[%swap3A, %swap3A_13, %swap3A_14] : memref<1x1x1024xf32, #tpu.memory_space<vmem>>, vector<1x1x1024xf32>
    %swap3A_16 = vector.shape_cast %swap3A_15 : vector<1x1x1024xf32> to vector<1024xf32>
    %swap3A_17 = vector.shape_cast %reduce_max3A_12 : vector<1024xf32> to vector<1x1x1024xf32>
    tpu.vector_store %arg5[%swap3A, %swap3A_13, %swap3A_14], %swap3A_17 {strides = array<i32>} : memref<1x1x1024xf32, #tpu.memory_space<vmem>>, vector<1x1x1024xf32>,
    return
  }
  func.func @transform_0(%arg0: i32, %arg1: i32) -> (i32, i32, i32) {
    %c0_i32 = arith.constant 0 : i32
    %c0_i32_0 = arith.constant 0 : i32
    return %arg0, %c0_i32, %arg1 : i32, i32, i32
  }
  func.func @transform_1(%arg0: i32, %arg1: i32) -> (i32, i32) {
    %c0_i32 = arith.constant 0 : i32
    %c0_i32_0 = arith.constant 0 : i32
    %c0_i32_1 = arith.constant 0 : i32
    return %c0_i32, %c0_i32_0 : i32, i32
  }
  func.func @transform_2(%arg0: i32, %arg1: i32) -> (i32, i32) {
    %c0_i32 = arith.constant 0 : i32
    %c0_i32_0 = arith.constant 0 : i32
    %c0_i32_1 = arith.constant 0 : i32
    return %c0_i32, %c0_i32_0 : i32, i32
  }
  func.func @transform_3(%arg0: i32, %arg1: i32) -> (i32, i32, i32) {
    %c0_i32 = arith.constant 0 : i32
    %c0_i32_0 = arith.constant 0 : i32
    return %arg0, %c0_i32, %arg1 : i32, i32, i32
  }
}

module attributes {stable_mosaic.version = 14 : i64} {
  func.func @_p2_body(%arg0: i32, %arg1: i32, %arg2: memref<1x1x8192xf32, #tpu.memory_space<vmem>>, %arg3: memref<1x768x2048xbf16, #tpu.memory_space<vmem>>, %arg4: memref<2048x768xbf16, #tpu.memory_space<vmem>>, %arg5: memref<1x2048xf32, #tpu.memory_space<vmem>>, %arg6: memref<1x1x64xf32, #tpu.memory_space<vmem>>, %arg7: memref<1x1x64xi32, #tpu.memory_space<vmem>>, %arg8: memref<1x1x64xi32, #tpu.memory_space<vmem>>, %arg9: memref<1x512x128xf32, #tpu.memory_space<vmem>>, %arg10: memref<1x1x64xi32, #tpu.memory_space<vmem>>, %arg11: memref<1x1x64xi32, #tpu.memory_space<vmem>>, %arg12: memref<64x2048xf32, #tpu.memory_space<vmem>>, %arg13: memref<64x768xf32, #tpu.memory_space<vmem>>, %arg14: memref<64x1xi32, #tpu.memory_space<vmem>>) attributes {dimension_semantics = [#tpu.dimension_semantics<arbitrary>, #tpu.dimension_semantics<arbitrary>], iteration_bounds = array<i64: 4, 4>, scalar_prefetch = 0 : i64, scratch_operands = 3 : i64, tpu.core_type = #tpu.core_type<tc>, window_params = [{transform_indices = @transform_0, window_bounds = array<i64: 1, 1, 8192>}, {transform_indices = @transform_1, window_bounds = array<i64: 1, 768, 2048>}, {pipeline_mode = #tpu.pipeline_mode<synchronous>, transform_indices = @transform_2, window_bounds = array<i64: 2048, 768>}, {pipeline_mode = #tpu.pipeline_mode<synchronous>, transform_indices = @transform_3, window_bounds = array<i64: 1, 2048>}, {transform_indices = @transform_4, window_bounds = array<i64: 1, 1, 64>}, {transform_indices = @transform_5, window_bounds = array<i64: 1, 1, 64>}, {transform_indices = @transform_6, window_bounds = array<i64: 1, 1, 64>}, {transform_indices = @transform_7, window_bounds = array<i64: 1, 512, 128>}, {transform_indices = @transform_8, window_bounds = array<i64: 1, 1, 64>}, {transform_indices = @transform_9, window_bounds = array<i64: 1, 1, 64>}]} {
    %iota3A = tpu.iota {dimensions = array<i32: 1>} : vector<1x8192xi32>
    %iota3A_0 = tpu.iota {dimensions = array<i32: 1>} : vector<1x64xi32>
    %iota3A_1 = tpu.iota {dimensions = array<i32: 0>} : vector<64x1xi32>
    %iota3A_2 = tpu.iota {dimensions = array<i32: 1>} : vector<1x2048xi32>
    %eq3A = arith.constant 0 : i32
    %eq3A_3 = arith.cmpi eq, %arg1, %eq3A : i32
    %convert_element_type3A = arith.extui %eq3A_3 : i1 to i32
    %cond3A = arith.constant 0 : i32
    %cond3A_4 = arith.cmpi ne, %convert_element_type3A, %cond3A : i32
    scf.if %cond3A_4 {
      %get3A_32 = arith.constant 0 : index
      %get3A_33 = arith.constant 0 : index
      %get3A_34 = arith.constant 0 : index
      %get3A_35 = vector.load %arg2[%get3A_32, %get3A_33, %get3A_34] : memref<1x1x8192xf32, #tpu.memory_space<vmem>>, vector<1x1x8192xf32>
      %get3A_36 = vector.shape_cast %get3A_35 : vector<1x1x8192xf32> to vector<1x8192xf32>
      %broadcast_in_dim3A = arith.constant 0 : i32
      %broadcast_in_dim3A_37 = vector.broadcast %broadcast_in_dim3A : i32 to vector<64x1xi32>
      %scan3A = arith.constant 0 : i32
      %scan3A_38 = arith.constant 64 : i32
      %scan3A_39 = arith.addi %scan3A, %scan3A_38 : i32
      %scan3A_40 = arith.constant 1 : i32
      %scan3A_41:2 = scf.for %scan3A_51 = %scan3A to %scan3A_39 step %scan3A_40 iter_args(%scan3A_52 = %get3A_36, %scan3A_53 = %broadcast_in_dim3A_37) -> (vector<1x8192xf32>, vector<64x1xi32>)  : i32 {
        %reduce_max3A = vector.shape_cast %scan3A_52 : vector<1x8192xf32> to vector<1x1x8192xf32>
        %reduce_max3A_54 = arith.constant dense<0xFF800000> : vector<1xf32>
        %reduce_max3A_55 = vector.multi_reduction <maximumf>, %reduce_max3A, %reduce_max3A_54 [1, 2] : vector<1x1x8192xf32> to vector<1xf32>
        %reduce_max3A_56 = vector.shape_cast %reduce_max3A_55 : vector<1xf32> to vector<1x1x1xf32>
        %reduce_max3A_57 = vector.extract %reduce_max3A_56[0, 0, 0] : f32 from vector<1x1x1xf32>
        %eq3A_58 = vector.broadcast %reduce_max3A_57 : f32 to vector<1x8192xf32>
        %eq3A_59 = arith.cmpf oeq, %scan3A_52, %eq3A_58 : vector<1x8192xf32>
        %jit3A = arith.constant 8192 : i32
        %broadcast_in_dim3A_60 = vector.broadcast %jit3A : i32 to vector<1x8192xi32>
        %select_n3A = arith.select %eq3A_59, %iota3A, %broadcast_in_dim3A_60 : vector<1x8192xi1>, vector<1x8192xi32>
        %reduce_min3A = vector.shape_cast %select_n3A : vector<1x8192xi32> to vector<1x1x8192xi32>
        %reduce_min3A_61 = arith.constant dense<2147483647> : vector<1xi32>
        %reduce_min3A_62 = vector.multi_reduction <minsi>, %reduce_min3A, %reduce_min3A_61 [1, 2] : vector<1x1x8192xi32> to vector<1xi32>
        %reduce_min3A_63 = vector.shape_cast %reduce_min3A_62 : vector<1xi32> to vector<1x1x1xi32>
        %reduce_min3A_64 = vector.extract %reduce_min3A_63[0, 0, 0] : i32 from vector<1x1x1xi32>
        %eq3A_65 = vector.broadcast %reduce_min3A_64 : i32 to vector<1x8192xi32>
        %eq3A_66 = arith.cmpi eq, %iota3A, %eq3A_65 : vector<1x8192xi32>
        %jit3A_67 = arith.constant -3.000000e+38 : f32
        %broadcast_in_dim3A_68 = vector.broadcast %jit3A_67 : f32 to vector<1x8192xf32>
        %select_n3A_69 = arith.select %eq3A_66, %broadcast_in_dim3A_68, %scan3A_52 : vector<1x8192xi1>, vector<1x8192xf32>
        %eq3A_70 = vector.broadcast %scan3A_51 : i32 to vector<64x1xi32>
        %eq3A_71 = arith.cmpi eq, %iota3A_1, %eq3A_70 : vector<64x1xi32>
        %broadcast_in_dim3A_72 = vector.broadcast %reduce_min3A_64 : i32 to vector<64x1xi32>
        %select_n3A_73 = arith.select %eq3A_71, %broadcast_in_dim3A_72, %scan3A_53 : vector<64x1xi1>, vector<64x1xi32>
        scf.yield %select_n3A_69, %select_n3A_73 : vector<1x8192xf32>, vector<64x1xi32>
      }
      %scan3A_42 = arith.constant 64 : i32
      %swap3A_43 = arith.constant 0 : index
      %swap3A_44 = arith.constant 0 : index
      %swap3A_45 = vector.load %arg14[%swap3A_43, %swap3A_44] : memref<64x1xi32, #tpu.memory_space<vmem>>, vector<64x1xi32>
      tpu.vector_store %arg14[%swap3A_43, %swap3A_44], %scan3A_41#1 {strides = array<i32>} : memref<64x1xi32, #tpu.memory_space<vmem>>, vector<64x1xi32>,
      %broadcast_in_dim3A_46 = arith.constant 0.000000e+00 : f32
      %broadcast_in_dim3A_47 = vector.broadcast %broadcast_in_dim3A_46 : f32 to vector<64x768xf32>
      %swap3A_48 = arith.constant 0 : index
      %swap3A_49 = arith.constant 0 : index
      %swap3A_50 = vector.load %arg13[%swap3A_48, %swap3A_49] : memref<64x768xf32, #tpu.memory_space<vmem>>, vector<64x768xf32>
      tpu.vector_store %arg13[%swap3A_48, %swap3A_49], %broadcast_in_dim3A_47 {strides = array<i32>} : memref<64x768xf32, #tpu.memory_space<vmem>>, vector<64x768xf32>,
    } else {
    }
    %get3A = arith.constant 0 : index
    %get3A_5 = arith.constant 0 : index
    %get3A_6 = vector.load %arg14[%get3A, %get3A_5] : memref<64x1xi32, #tpu.memory_space<vmem>>, vector<64x1xi32>
    %mul3A = arith.constant 2048 : i32
    %mul3A_7 = arith.muli %arg1, %mul3A : i32
    %iota3A_8 = tpu.iota {dimensions = array<i32: 1>} : vector<64x2048xi32>
    %add3A = vector.broadcast %mul3A_7 : i32 to vector<64x2048xi32>
    %add3A_9 = arith.addi %add3A, %iota3A_8 : vector<64x2048xi32>
    %eq3A_10 = vector.broadcast %get3A_6 : vector<64x1xi32> to vector<64x2048xi32>
    %eq3A_11 = arith.cmpi eq, %add3A_9, %eq3A_10 : vector<64x2048xi32>
    %convert_element_type3A_12 = arith.extui %eq3A_11 : vector<64x2048xi1> to vector<64x2048xi32>
    %convert_element_type3A_13 = arith.sitofp %convert_element_type3A_12 : vector<64x2048xi32> to vector<64x2048xf32>
    %convert_element_type3A_14 = arith.truncf %convert_element_type3A_13 : vector<64x2048xf32> to vector<64x2048xbf16>
    %get3A_15 = arith.constant 0 : index
    %get3A_16 = arith.constant 0 : index
    %get3A_17 = vector.load %arg13[%get3A_15, %get3A_16] : memref<64x768xf32, #tpu.memory_space<vmem>>, vector<64x768xf32>
    %get3A_18 = arith.constant 0 : index
    %get3A_19 = arith.constant 0 : index
    %get3A_20 = arith.constant 0 : index
    %get3A_21 = vector.load %arg3[%get3A_18, %get3A_19, %get3A_20] : memref<1x768x2048xbf16, #tpu.memory_space<vmem>>, vector<1x768x2048xbf16>
    %get3A_22 = vector.shape_cast %get3A_21 : vector<1x768x2048xbf16> to vector<768x2048xbf16>
    %dot_general3A = arith.constant dense<0.000000e+00> : vector<64x768xf32>
    %dot_general3A_23 = tpu.matmul %convert_element_type3A_14, %get3A_22, %dot_general3A {dimension_numbers = #tpu.dot_dimension_numbers<[1], [1], [0], [0], [0, 0, 1, 0], [], []>, transpose_lhs_hint = false} : vector<64x2048xbf16>, vector<768x2048xbf16>, vector<64x768xf32> -> vector<64x768xf32>
    %add3A_24 = arith.addf %get3A_17, %dot_general3A_23 : vector<64x768xf32>
    %swap3A = arith.constant 0 : index
    %swap3A_25 = arith.constant 0 : index
    %swap3A_26 = vector.load %arg13[%swap3A, %swap3A_25] : memref<64x768xf32, #tpu.memory_space<vmem>>, vector<64x768xf32>
    tpu.vector_store %arg13[%swap3A, %swap3A_25], %add3A_24 {strides = array<i32>} : memref<64x768xf32, #tpu.memory_space<vmem>>, vector<64x768xf32>,
    %eq3A_27 = arith.constant 3 : i32
    %eq3A_28 = arith.cmpi eq, %arg1, %eq3A_27 : i32
    %convert_element_type3A_29 = arith.extui %eq3A_28 : i1 to i32
    %cond3A_30 = arith.constant 0 : i32
    %cond3A_31 = arith.cmpi ne, %convert_element_type3A_29, %cond3A_30 : i32
    scf.if %cond3A_31 {
      %get3A_32 = arith.constant 0 : index
      %get3A_33 = arith.constant 0 : index
      %get3A_34 = vector.load %arg13[%get3A_32, %get3A_33] : memref<64x768xf32, #tpu.memory_space<vmem>>, vector<64x768xf32>
      %convert_element_type3A_35 = arith.truncf %get3A_34 : vector<64x768xf32> to vector<64x768xbf16>
      %get3A_36 = arith.constant 0 : index
      %get3A_37 = arith.constant 0 : index
      %get3A_38 = vector.load %arg4[%get3A_36, %get3A_37] : memref<2048x768xbf16, #tpu.memory_space<vmem>>, vector<2048x768xbf16>
      %dot_general3A_39 = arith.constant dense<0.000000e+00> : vector<64x2048xf32>
      %dot_general3A_40 = tpu.matmul %convert_element_type3A_35, %get3A_38, %dot_general3A_39 {dimension_numbers = #tpu.dot_dimension_numbers<[1], [1], [0], [0], [0, 0, 1, 0], [], []>, transpose_lhs_hint = false} : vector<64x768xbf16>, vector<2048x768xbf16>, vector<64x2048xf32> -> vector<64x2048xf32>
      %get3A_41 = arith.constant 0 : index
      %get3A_42 = arith.constant 0 : index
      %get3A_43 = vector.load %arg5[%get3A_41, %get3A_42] : memref<1x2048xf32, #tpu.memory_space<vmem>>, vector<1x2048xf32>
      %add3A_44 = vector.broadcast %get3A_43 : vector<1x2048xf32> to vector<64x2048xf32>
      %add3A_45 = arith.addf %dot_general3A_40, %add3A_44 : vector<64x2048xf32>
      %swap3A_46 = arith.constant 0 : index
      %swap3A_47 = arith.constant 0 : index
      %swap3A_48 = vector.load %arg12[%swap3A_46, %swap3A_47] : memref<64x2048xf32, #tpu.memory_space<vmem>>, vector<64x2048xf32>
      tpu.vector_store %arg12[%swap3A_46, %swap3A_47], %add3A_45 {strides = array<i32>} : memref<64x2048xf32, #tpu.memory_space<vmem>>, vector<64x2048xf32>,
      %reduce_max3A = arith.constant dense<0xFF800000> : vector<64xf32>
      %reduce_max3A_49 = vector.multi_reduction <maximumf>, %add3A_45, %reduce_max3A [1] : vector<64x2048xf32> to vector<64xf32>
      %broadcast_in_dim3A = vector.shape_cast %reduce_max3A_49 : vector<64xf32> to vector<64x1xf32>
      %iota3A_50 = tpu.iota {dimensions = array<i32: 0>} : vector<512x1xi32>
      %broadcast_in_dim3A_51 = arith.constant 0 : i32
      %broadcast_in_dim3A_52 = vector.broadcast %broadcast_in_dim3A_51 : i32 to vector<1x64xi32>
      %broadcast_in_dim3A_53 = arith.constant 0.000000e+00 : f32
      %broadcast_in_dim3A_54 = vector.broadcast %broadcast_in_dim3A_53 : f32 to vector<1x64xf32>
      %broadcast_in_dim3A_55 = arith.constant 0 : i32
      %broadcast_in_dim3A_56 = vector.broadcast %broadcast_in_dim3A_55 : i32 to vector<64x1xi32>
      %broadcast_in_dim3A_57 = arith.constant 0 : i32
      %broadcast_in_dim3A_58 = vector.broadcast %broadcast_in_dim3A_57 : i32 to vector<512x1xi32>
      %scan3A = arith.constant 0 : i32
      %scan3A_59 = arith.constant 64 : i32
      %scan3A_60 = arith.addi %scan3A, %scan3A_59 : i32
      %scan3A_61 = arith.constant 1 : i32
      %scan3A_62:7 = scf.for %scan3A_247 = %scan3A to %scan3A_60 step %scan3A_61 iter_args(%scan3A_248 = %broadcast_in_dim3A, %scan3A_249 = %broadcast_in_dim3A_54, %scan3A_250 = %broadcast_in_dim3A_52, %scan3A_251 = %broadcast_in_dim3A_52, %scan3A_252 = %broadcast_in_dim3A_56, %scan3A_253 = %broadcast_in_dim3A_58, %scan3A_254 = %broadcast_in_dim3A_58) -> (vector<64x1xf32>, vector<1x64xf32>, vector<1x64xi32>, vector<1x64xi32>, vector<64x1xi32>, vector<512x1xi32>, vector<512x1xi32>)  : i32 {
        %reduce_max3A_255 = vector.shape_cast %scan3A_248 : vector<64x1xf32> to vector<1x64x1xf32>
        %reduce_max3A_256 = arith.constant dense<0xFF800000> : vector<1xf32>
        %reduce_max3A_257 = vector.multi_reduction <maximumf>, %reduce_max3A_255, %reduce_max3A_256 [1, 2] : vector<1x64x1xf32> to vector<1xf32>
        %reduce_max3A_258 = vector.shape_cast %reduce_max3A_257 : vector<1xf32> to vector<1x1x1xf32>
        %reduce_max3A_259 = vector.extract %reduce_max3A_258[0, 0, 0] : f32 from vector<1x1x1xf32>
        %eq3A_260 = vector.broadcast %reduce_max3A_259 : f32 to vector<64x1xf32>
        %eq3A_261 = arith.cmpf oeq, %scan3A_248, %eq3A_260 : vector<64x1xf32>
        %jit3A_262 = arith.constant 64 : i32
        %broadcast_in_dim3A_263 = vector.broadcast %jit3A_262 : i32 to vector<64x1xi32>
        %select_n3A_264 = arith.select %eq3A_261, %iota3A_1, %broadcast_in_dim3A_263 : vector<64x1xi1>, vector<64x1xi32>
        %reduce_min3A = vector.shape_cast %select_n3A_264 : vector<64x1xi32> to vector<1x64x1xi32>
        %reduce_min3A_265 = arith.constant dense<2147483647> : vector<1xi32>
        %reduce_min3A_266 = vector.multi_reduction <minsi>, %reduce_min3A, %reduce_min3A_265 [1, 2] : vector<1x64x1xi32> to vector<1xi32>
        %reduce_min3A_267 = vector.shape_cast %reduce_min3A_266 : vector<1xi32> to vector<1x1x1xi32>
        %reduce_min3A_268 = vector.extract %reduce_min3A_267[0, 0, 0] : i32 from vector<1x1x1xi32>
        %get3A_269 = arith.index_cast %reduce_min3A_268 : i32 to index
        %get3A_270 = arith.constant 0 : index
        %get3A_271 = vector.load %arg12[%get3A_269, %get3A_270] : memref<64x2048xf32, #tpu.memory_space<vmem>>, vector<1x2048xf32>
        %eq3A_272 = vector.broadcast %reduce_max3A_259 : f32 to vector<1x2048xf32>
        %eq3A_273 = arith.cmpf oeq, %get3A_271, %eq3A_272 : vector<1x2048xf32>
        %jit3A_274 = arith.constant 2048 : i32
        %broadcast_in_dim3A_275 = vector.broadcast %jit3A_274 : i32 to vector<1x2048xi32>
        %select_n3A_276 = arith.select %eq3A_273, %iota3A_2, %broadcast_in_dim3A_275 : vector<1x2048xi1>, vector<1x2048xi32>
        %reduce_min3A_277 = vector.shape_cast %select_n3A_276 : vector<1x2048xi32> to vector<1x1x2048xi32>
        %reduce_min3A_278 = arith.constant dense<2147483647> : vector<1xi32>
        %reduce_min3A_279 = vector.multi_reduction <minsi>, %reduce_min3A_277, %reduce_min3A_278 [1, 2] : vector<1x1x2048xi32> to vector<1xi32>
        %reduce_min3A_280 = vector.shape_cast %reduce_min3A_279 : vector<1xi32> to vector<1x1x1xi32>
        %reduce_min3A_281 = vector.extract %reduce_min3A_280[0, 0, 0] : i32 from vector<1x1x1xi32>
        %eq3A_282 = vector.broadcast %reduce_min3A_281 : i32 to vector<1x2048xi32>
        %eq3A_283 = arith.cmpi eq, %iota3A_2, %eq3A_282 : vector<1x2048xi32>
        %jit3A_284 = arith.constant -3.000000e+38 : f32
        %broadcast_in_dim3A_285 = vector.broadcast %jit3A_284 : f32 to vector<1x2048xf32>
        %select_n3A_286 = arith.select %eq3A_283, %broadcast_in_dim3A_285, %get3A_271 : vector<1x2048xi1>, vector<1x2048xf32>
        %swap3A_287 = arith.index_cast %reduce_min3A_268 : i32 to index
        %swap3A_288 = arith.constant 0 : index
        %swap3A_289 = vector.load %arg12[%swap3A_287, %swap3A_288] : memref<64x2048xf32, #tpu.memory_space<vmem>>, vector<1x2048xf32>
        tpu.vector_store %arg12[%swap3A_287, %swap3A_288], %select_n3A_286 {strides = array<i32>} : memref<64x2048xf32, #tpu.memory_space<vmem>>, vector<1x2048xf32>,
        %reduce_max3A_290 = vector.shape_cast %select_n3A_286 : vector<1x2048xf32> to vector<1x1x2048xf32>
        %reduce_max3A_291 = arith.constant dense<0xFF800000> : vector<1xf32>
        %reduce_max3A_292 = vector.multi_reduction <maximumf>, %reduce_max3A_290, %reduce_max3A_291 [1, 2] : vector<1x1x2048xf32> to vector<1xf32>
        %reduce_max3A_293 = vector.shape_cast %reduce_max3A_292 : vector<1xf32> to vector<1x1x1xf32>
        %reduce_max3A_294 = vector.extract %reduce_max3A_293[0, 0, 0] : f32 from vector<1x1x1xf32>
        %eq3A_295 = vector.broadcast %reduce_min3A_268 : i32 to vector<64x1xi32>
        %eq3A_296 = arith.cmpi eq, %iota3A_1, %eq3A_295 : vector<64x1xi32>
        %broadcast_in_dim3A_297 = vector.broadcast %reduce_max3A_294 : f32 to vector<64x1xf32>
        %select_n3A_298 = arith.select %eq3A_296, %broadcast_in_dim3A_297, %scan3A_248 : vector<64x1xi1>, vector<64x1xf32>
        %eq3A_299 = vector.broadcast %reduce_min3A_268 : i32 to vector<64x1xi32>
        %eq3A_300 = arith.cmpi eq, %iota3A_1, %eq3A_299 : vector<64x1xi32>
        %jit3A_301 = arith.constant 8192 : i32
        %broadcast_in_dim3A_302 = vector.broadcast %jit3A_301 : i32 to vector<64x1xi32>
        %select_n3A_303 = arith.select %eq3A_300, %get3A_6, %broadcast_in_dim3A_302 : vector<64x1xi1>, vector<64x1xi32>
        %reduce_min3A_304 = vector.shape_cast %select_n3A_303 : vector<64x1xi32> to vector<1x64x1xi32>
        %reduce_min3A_305 = arith.constant dense<2147483647> : vector<1xi32>
        %reduce_min3A_306 = vector.multi_reduction <minsi>, %reduce_min3A_304, %reduce_min3A_305 [1, 2] : vector<1x64x1xi32> to vector<1xi32>
        %reduce_min3A_307 = vector.shape_cast %reduce_min3A_306 : vector<1xi32> to vector<1x1x1xi32>
        %reduce_min3A_308 = vector.extract %reduce_min3A_307[0, 0, 0] : i32 from vector<1x1x1xi32>
        %eq3A_309 = vector.broadcast %scan3A_247 : i32 to vector<1x64xi32>
        %eq3A_310 = arith.cmpi eq, %iota3A_0, %eq3A_309 : vector<1x64xi32>
        %broadcast_in_dim3A_311 = vector.broadcast %reduce_max3A_259 : f32 to vector<1x64xf32>
        %select_n3A_312 = arith.select %eq3A_310, %broadcast_in_dim3A_311, %scan3A_249 : vector<1x64xi1>, vector<1x64xf32>
        %eq3A_313 = vector.broadcast %scan3A_247 : i32 to vector<1x64xi32>
        %eq3A_314 = arith.cmpi eq, %iota3A_0, %eq3A_313 : vector<1x64xi32>
        %broadcast_in_dim3A_315 = vector.broadcast %reduce_min3A_281 : i32 to vector<1x64xi32>
        %select_n3A_316 = arith.select %eq3A_314, %broadcast_in_dim3A_315, %scan3A_250 : vector<1x64xi1>, vector<1x64xi32>
        %eq3A_317 = vector.broadcast %scan3A_247 : i32 to vector<1x64xi32>
        %eq3A_318 = arith.cmpi eq, %iota3A_0, %eq3A_317 : vector<1x64xi32>
        %broadcast_in_dim3A_319 = vector.broadcast %reduce_min3A_308 : i32 to vector<1x64xi32>
        %select_n3A_320 = arith.select %eq3A_318, %broadcast_in_dim3A_319, %scan3A_251 : vector<1x64xi1>, vector<1x64xi32>
        %eq3A_321 = vector.broadcast %scan3A_247 : i32 to vector<64x1xi32>
        %eq3A_322 = arith.cmpi eq, %iota3A_1, %eq3A_321 : vector<64x1xi32>
        %broadcast_in_dim3A_323 = vector.broadcast %reduce_min3A_308 : i32 to vector<64x1xi32>
        %select_n3A_324 = arith.select %eq3A_322, %broadcast_in_dim3A_323, %scan3A_252 : vector<64x1xi1>, vector<64x1xi32>
        %jit3A_325 = arith.constant 8 : i32
        %div3A_326 = vector.broadcast %jit3A_325 : i32 to vector<512x1xi32>
        %div3A_327 = arith.divsi %iota3A_50, %div3A_326 : vector<512x1xi32>
        %sign3A_328 = arith.constant 0 : i32
        %sign3A_329 = vector.broadcast %sign3A_328 : i32 to vector<512x1xi32>
        %sign3A_330 = arith.cmpi sgt, %iota3A_50, %sign3A_329 : vector<512x1xi32>
        %sign3A_331 = arith.extui %sign3A_330 : vector<512x1xi1> to vector<512x1xi32>
        %sign3A_332 = arith.constant 0 : i32
        %sign3A_333 = vector.broadcast %sign3A_332 : i32 to vector<512x1xi32>
        %sign3A_334 = arith.cmpi slt, %iota3A_50, %sign3A_333 : vector<512x1xi32>
        %sign3A_335 = arith.extui %sign3A_334 : vector<512x1xi1> to vector<512x1xi32>
        %sign3A_336 = arith.subi %sign3A_331, %sign3A_335 : vector<512x1xi32>
        %sign3A_337 = arith.constant 0 : i32
        %sign3A_338 = arith.cmpi sgt, %jit3A_325, %sign3A_337 : i32
        %sign3A_339 = arith.extui %sign3A_338 : i1 to i32
        %sign3A_340 = arith.constant 0 : i32
        %sign3A_341 = arith.cmpi slt, %jit3A_325, %sign3A_340 : i32
        %sign3A_342 = arith.extui %sign3A_341 : i1 to i32
        %sign3A_343 = arith.subi %sign3A_339, %sign3A_342 : i32
        %ne3A_344 = vector.broadcast %sign3A_343 : i32 to vector<512x1xi32>
        %ne3A_345 = arith.cmpi ne, %sign3A_336, %ne3A_344 : vector<512x1xi32>
        %rem3A_346 = vector.broadcast %jit3A_325 : i32 to vector<512x1xi32>
        %rem3A_347 = arith.remsi %iota3A_50, %rem3A_346 : vector<512x1xi32>
        %ne3A_348 = arith.constant 0 : i32
        %ne3A_349 = vector.broadcast %ne3A_348 : i32 to vector<512x1xi32>
        %ne3A_350 = arith.cmpi ne, %rem3A_347, %ne3A_349 : vector<512x1xi32>
        %and3A_351 = arith.andi %ne3A_345, %ne3A_350 : vector<512x1xi1>
        %sub3A_352 = arith.constant 1 : i32
        %sub3A_353 = vector.broadcast %sub3A_352 : i32 to vector<512x1xi32>
        %sub3A_354 = arith.subi %div3A_327, %sub3A_353 : vector<512x1xi32>
        %select_n3A_355 = arith.select %and3A_351, %sub3A_354, %div3A_327 : vector<512x1xi1>, vector<512x1xi32>
        %eq3A_356 = vector.broadcast %scan3A_247 : i32 to vector<512x1xi32>
        %eq3A_357 = arith.cmpi eq, %select_n3A_355, %eq3A_356 : vector<512x1xi32>
        %jit3A_358 = arith.constant 8 : i32
        %div3A_359 = arith.divsi %reduce_min3A_281, %jit3A_358 : i32
        %sign3A_360 = arith.constant 0 : i32
        %sign3A_361 = arith.cmpi sgt, %reduce_min3A_281, %sign3A_360 : i32
        %sign3A_362 = arith.extui %sign3A_361 : i1 to i32
        %sign3A_363 = arith.constant 0 : i32
        %sign3A_364 = arith.cmpi slt, %reduce_min3A_281, %sign3A_363 : i32
        %sign3A_365 = arith.extui %sign3A_364 : i1 to i32
        %sign3A_366 = arith.subi %sign3A_362, %sign3A_365 : i32
        %sign3A_367 = arith.constant 0 : i32
        %sign3A_368 = arith.cmpi sgt, %jit3A_358, %sign3A_367 : i32
        %sign3A_369 = arith.extui %sign3A_368 : i1 to i32
        %sign3A_370 = arith.constant 0 : i32
        %sign3A_371 = arith.cmpi slt, %jit3A_358, %sign3A_370 : i32
        %sign3A_372 = arith.extui %sign3A_371 : i1 to i32
        %sign3A_373 = arith.subi %sign3A_369, %sign3A_372 : i32
        %ne3A_374 = arith.cmpi ne, %sign3A_366, %sign3A_373 : i32
        %rem3A_375 = arith.remsi %reduce_min3A_281, %jit3A_358 : i32
        %ne3A_376 = arith.constant 0 : i32
        %ne3A_377 = arith.cmpi ne, %rem3A_375, %ne3A_376 : i32
        %and3A_378 = arith.andi %ne3A_374, %ne3A_377 : i1
        %sub3A_379 = arith.constant 1 : i32
        %sub3A_380 = arith.subi %div3A_359, %sub3A_379 : i32
        %select_n3A_381 = arith.select %and3A_378, %sub3A_380, %div3A_359 : i32
        %broadcast_in_dim3A_382 = vector.broadcast %select_n3A_381 : i32 to vector<512x1xi32>
        %select_n3A_383 = arith.select %eq3A_357, %broadcast_in_dim3A_382, %scan3A_253 : vector<512x1xi1>, vector<512x1xi32>
        %jit3A_384 = arith.constant 128 : i32
        %div3A_385 = arith.divsi %reduce_min3A_308, %jit3A_384 : i32
        %sign3A_386 = arith.constant 0 : i32
        %sign3A_387 = arith.cmpi sgt, %reduce_min3A_308, %sign3A_386 : i32
        %sign3A_388 = arith.extui %sign3A_387 : i1 to i32
        %sign3A_389 = arith.constant 0 : i32
        %sign3A_390 = arith.cmpi slt, %reduce_min3A_308, %sign3A_389 : i32
        %sign3A_391 = arith.extui %sign3A_390 : i1 to i32
        %sign3A_392 = arith.subi %sign3A_388, %sign3A_391 : i32
        %sign3A_393 = arith.constant 0 : i32
        %sign3A_394 = arith.cmpi sgt, %jit3A_384, %sign3A_393 : i32
        %sign3A_395 = arith.extui %sign3A_394 : i1 to i32
        %sign3A_396 = arith.constant 0 : i32
        %sign3A_397 = arith.cmpi slt, %jit3A_384, %sign3A_396 : i32
        %sign3A_398 = arith.extui %sign3A_397 : i1 to i32
        %sign3A_399 = arith.subi %sign3A_395, %sign3A_398 : i32
        %ne3A_400 = arith.cmpi ne, %sign3A_392, %sign3A_399 : i32
        %rem3A_401 = arith.remsi %reduce_min3A_308, %jit3A_384 : i32
        %ne3A_402 = arith.constant 0 : i32
        %ne3A_403 = arith.cmpi ne, %rem3A_401, %ne3A_402 : i32
        %and3A_404 = arith.andi %ne3A_400, %ne3A_403 : i1
        %sub3A_405 = arith.constant 1 : i32
        %sub3A_406 = arith.subi %div3A_385, %sub3A_405 : i32
        %select_n3A_407 = arith.select %and3A_404, %sub3A_406, %div3A_385 : i32
        %broadcast_in_dim3A_408 = vector.broadcast %select_n3A_407 : i32 to vector<512x1xi32>
        %select_n3A_409 = arith.select %eq3A_357, %broadcast_in_dim3A_408, %scan3A_254 : vector<512x1xi1>, vector<512x1xi32>
        scf.yield %select_n3A_298, %select_n3A_312, %select_n3A_316, %select_n3A_320, %select_n3A_324, %select_n3A_383, %select_n3A_409 : vector<64x1xf32>, vector<1x64xf32>, vector<1x64xi32>, vector<1x64xi32>, vector<64x1xi32>, vector<512x1xi32>, vector<512x1xi32>
      }
      %scan3A_63 = arith.constant 64 : i32
      %jit3A = arith.constant 8 : i32
      %div3A = vector.broadcast %jit3A : i32 to vector<1x64xi32>
      %div3A_64 = arith.divsi %scan3A_62#2, %div3A : vector<1x64xi32>
      %sign3A = arith.constant 0 : i32
      %sign3A_65 = vector.broadcast %sign3A : i32 to vector<1x64xi32>
      %sign3A_66 = arith.cmpi sgt, %scan3A_62#2, %sign3A_65 : vector<1x64xi32>
      %sign3A_67 = arith.extui %sign3A_66 : vector<1x64xi1> to vector<1x64xi32>
      %sign3A_68 = arith.constant 0 : i32
      %sign3A_69 = vector.broadcast %sign3A_68 : i32 to vector<1x64xi32>
      %sign3A_70 = arith.cmpi slt, %scan3A_62#2, %sign3A_69 : vector<1x64xi32>
      %sign3A_71 = arith.extui %sign3A_70 : vector<1x64xi1> to vector<1x64xi32>
      %sign3A_72 = arith.subi %sign3A_67, %sign3A_71 : vector<1x64xi32>
      %sign3A_73 = arith.constant 0 : i32
      %sign3A_74 = arith.cmpi sgt, %jit3A, %sign3A_73 : i32
      %sign3A_75 = arith.extui %sign3A_74 : i1 to i32
      %sign3A_76 = arith.constant 0 : i32
      %sign3A_77 = arith.cmpi slt, %jit3A, %sign3A_76 : i32
      %sign3A_78 = arith.extui %sign3A_77 : i1 to i32
      %sign3A_79 = arith.subi %sign3A_75, %sign3A_78 : i32
      %ne3A = vector.broadcast %sign3A_79 : i32 to vector<1x64xi32>
      %ne3A_80 = arith.cmpi ne, %sign3A_72, %ne3A : vector<1x64xi32>
      %rem3A = vector.broadcast %jit3A : i32 to vector<1x64xi32>
      %rem3A_81 = arith.remsi %scan3A_62#2, %rem3A : vector<1x64xi32>
      %ne3A_82 = arith.constant 0 : i32
      %ne3A_83 = vector.broadcast %ne3A_82 : i32 to vector<1x64xi32>
      %ne3A_84 = arith.cmpi ne, %rem3A_81, %ne3A_83 : vector<1x64xi32>
      %and3A = arith.andi %ne3A_80, %ne3A_84 : vector<1x64xi1>
      %sub3A = arith.constant 1 : i32
      %sub3A_85 = vector.broadcast %sub3A : i32 to vector<1x64xi32>
      %sub3A_86 = arith.subi %div3A_64, %sub3A_85 : vector<1x64xi32>
      %select_n3A = arith.select %and3A, %sub3A_86, %div3A_64 : vector<1x64xi1>, vector<1x64xi32>
      %jit3A_87 = arith.constant 128 : i32
      %div3A_88 = vector.broadcast %jit3A_87 : i32 to vector<1x64xi32>
      %div3A_89 = arith.divsi %scan3A_62#3, %div3A_88 : vector<1x64xi32>
      %sign3A_90 = arith.constant 0 : i32
      %sign3A_91 = vector.broadcast %sign3A_90 : i32 to vector<1x64xi32>
      %sign3A_92 = arith.cmpi sgt, %scan3A_62#3, %sign3A_91 : vector<1x64xi32>
      %sign3A_93 = arith.extui %sign3A_92 : vector<1x64xi1> to vector<1x64xi32>
      %sign3A_94 = arith.constant 0 : i32
      %sign3A_95 = vector.broadcast %sign3A_94 : i32 to vector<1x64xi32>
      %sign3A_96 = arith.cmpi slt, %scan3A_62#3, %sign3A_95 : vector<1x64xi32>
      %sign3A_97 = arith.extui %sign3A_96 : vector<1x64xi1> to vector<1x64xi32>
      %sign3A_98 = arith.subi %sign3A_93, %sign3A_97 : vector<1x64xi32>
      %sign3A_99 = arith.constant 0 : i32
      %sign3A_100 = arith.cmpi sgt, %jit3A_87, %sign3A_99 : i32
      %sign3A_101 = arith.extui %sign3A_100 : i1 to i32
      %sign3A_102 = arith.constant 0 : i32
      %sign3A_103 = arith.cmpi slt, %jit3A_87, %sign3A_102 : i32
      %sign3A_104 = arith.extui %sign3A_103 : i1 to i32
      %sign3A_105 = arith.subi %sign3A_101, %sign3A_104 : i32
      %ne3A_106 = vector.broadcast %sign3A_105 : i32 to vector<1x64xi32>
      %ne3A_107 = arith.cmpi ne, %sign3A_98, %ne3A_106 : vector<1x64xi32>
      %rem3A_108 = vector.broadcast %jit3A_87 : i32 to vector<1x64xi32>
      %rem3A_109 = arith.remsi %scan3A_62#3, %rem3A_108 : vector<1x64xi32>
      %ne3A_110 = arith.constant 0 : i32
      %ne3A_111 = vector.broadcast %ne3A_110 : i32 to vector<1x64xi32>
      %ne3A_112 = arith.cmpi ne, %rem3A_109, %ne3A_111 : vector<1x64xi32>
      %and3A_113 = arith.andi %ne3A_107, %ne3A_112 : vector<1x64xi1>
      %sub3A_114 = arith.constant 1 : i32
      %sub3A_115 = vector.broadcast %sub3A_114 : i32 to vector<1x64xi32>
      %sub3A_116 = arith.subi %div3A_89, %sub3A_115 : vector<1x64xi32>
      %select_n3A_117 = arith.select %and3A_113, %sub3A_116, %div3A_89 : vector<1x64xi1>, vector<1x64xi32>
      %jit3A_118 = arith.constant 8 : i32
      %eq3A_119 = arith.constant 0 : i32
      %eq3A_120 = arith.cmpi eq, %jit3A_118, %eq3A_119 : i32
      %jit3A_121 = arith.constant 1 : i32
      %select_n3A_122 = arith.select %eq3A_120, %jit3A_121, %jit3A_118 : i32
      %rem3A_123 = vector.broadcast %select_n3A_122 : i32 to vector<1x64xi32>
      %rem3A_124 = arith.remsi %scan3A_62#2, %rem3A_123 : vector<1x64xi32>
      %ne3A_125 = arith.constant 0 : i32
      %ne3A_126 = vector.broadcast %ne3A_125 : i32 to vector<1x64xi32>
      %ne3A_127 = arith.cmpi ne, %rem3A_124, %ne3A_126 : vector<1x64xi32>
      %lt3A = arith.constant 0 : i32
      %lt3A_128 = vector.broadcast %lt3A : i32 to vector<1x64xi32>
      %lt3A_129 = arith.cmpi slt, %rem3A_124, %lt3A_128 : vector<1x64xi32>
      %lt3A_130 = arith.constant 0 : i32
      %lt3A_131 = arith.cmpi slt, %select_n3A_122, %lt3A_130 : i32
      %ne3A_132 = vector.broadcast %lt3A_131 : i1 to vector<1x64xi1>
      %ne3A_133 = vector.broadcast %ne3A_132 : vector<1x64xi1> to vector<1x64xi1>
      %ne3A_134 = arith.xori %lt3A_129, %ne3A_133 : vector<1x64xi1>
      %and3A_135 = arith.andi %ne3A_134, %ne3A_127 : vector<1x64xi1>
      %add3A_136 = vector.broadcast %select_n3A_122 : i32 to vector<1x64xi32>
      %add3A_137 = arith.addi %rem3A_124, %add3A_136 : vector<1x64xi32>
      %select_n3A_138 = arith.select %and3A_135, %add3A_137, %rem3A_124 : vector<1x64xi1>, vector<1x64xi32>
      %eq3A_139 = vector.broadcast %scan3A_62#5 : vector<512x1xi32> to vector<512x64xi32>
      %eq3A_140 = vector.broadcast %select_n3A : vector<1x64xi32> to vector<512x64xi32>
      %eq3A_141 = arith.cmpi eq, %eq3A_139, %eq3A_140 : vector<512x64xi32>
      %eq3A_142 = vector.broadcast %scan3A_62#6 : vector<512x1xi32> to vector<512x64xi32>
      %eq3A_143 = vector.broadcast %select_n3A_117 : vector<1x64xi32> to vector<512x64xi32>
      %eq3A_144 = arith.cmpi eq, %eq3A_142, %eq3A_143 : vector<512x64xi32>
      %and3A_145 = arith.andi %eq3A_141, %eq3A_144 : vector<512x64xi1>
      %jit3A_146 = arith.constant 8 : i32
      %eq3A_147 = arith.constant 0 : i32
      %eq3A_148 = arith.cmpi eq, %jit3A_146, %eq3A_147 : i32
      %jit3A_149 = arith.constant 1 : i32
      %select_n3A_150 = arith.select %eq3A_148, %jit3A_149, %jit3A_146 : i32
      %rem3A_151 = vector.broadcast %select_n3A_150 : i32 to vector<512x1xi32>
      %rem3A_152 = arith.remsi %iota3A_50, %rem3A_151 : vector<512x1xi32>
      %ne3A_153 = arith.constant 0 : i32
      %ne3A_154 = vector.broadcast %ne3A_153 : i32 to vector<512x1xi32>
      %ne3A_155 = arith.cmpi ne, %rem3A_152, %ne3A_154 : vector<512x1xi32>
      %lt3A_156 = arith.constant 0 : i32
      %lt3A_157 = vector.broadcast %lt3A_156 : i32 to vector<512x1xi32>
      %lt3A_158 = arith.cmpi slt, %rem3A_152, %lt3A_157 : vector<512x1xi32>
      %lt3A_159 = arith.constant 0 : i32
      %lt3A_160 = arith.cmpi slt, %select_n3A_150, %lt3A_159 : i32
      %ne3A_161 = vector.broadcast %lt3A_160 : i1 to vector<512x1xi1>
      %ne3A_162 = vector.broadcast %ne3A_161 : vector<512x1xi1> to vector<512x1xi1>
      %ne3A_163 = arith.xori %lt3A_158, %ne3A_162 : vector<512x1xi1>
      %and3A_164 = arith.andi %ne3A_163, %ne3A_155 : vector<512x1xi1>
      %add3A_165 = vector.broadcast %select_n3A_150 : i32 to vector<512x1xi32>
      %add3A_166 = arith.addi %rem3A_152, %add3A_165 : vector<512x1xi32>
      %select_n3A_167 = arith.select %and3A_164, %add3A_166, %rem3A_152 : vector<512x1xi1>, vector<512x1xi32>
      %eq3A_168 = vector.broadcast %select_n3A_167 : vector<512x1xi32> to vector<512x64xi32>
      %eq3A_169 = vector.broadcast %select_n3A_138 : vector<1x64xi32> to vector<512x64xi32>
      %eq3A_170 = arith.cmpi eq, %eq3A_168, %eq3A_169 : vector<512x64xi32>
      %and3A_171 = arith.andi %and3A_145, %eq3A_170 : vector<512x64xi1>
      %convert_element_type3A_172 = arith.extui %and3A_171 : vector<512x64xi1> to vector<512x64xi32>
      %convert_element_type3A_173 = arith.sitofp %convert_element_type3A_172 : vector<512x64xi32> to vector<512x64xf32>
      %mul3A_174 = vector.broadcast %scan3A_62#1 : vector<1x64xf32> to vector<512x64xf32>
      %mul3A_175 = arith.mulf %convert_element_type3A_173, %mul3A_174 : vector<512x64xf32>
      %iota3A_176 = tpu.iota {dimensions = array<i32: 1>} : vector<64x128xi32>
      %jit3A_177 = arith.constant 128 : i32
      %eq3A_178 = arith.constant 0 : i32
      %eq3A_179 = arith.cmpi eq, %jit3A_177, %eq3A_178 : i32
      %jit3A_180 = arith.constant 1 : i32
      %select_n3A_181 = arith.select %eq3A_179, %jit3A_180, %jit3A_177 : i32
      %rem3A_182 = vector.broadcast %select_n3A_181 : i32 to vector<64x1xi32>
      %rem3A_183 = arith.remsi %scan3A_62#4, %rem3A_182 : vector<64x1xi32>
      %ne3A_184 = arith.constant 0 : i32
      %ne3A_185 = vector.broadcast %ne3A_184 : i32 to vector<64x1xi32>
      %ne3A_186 = arith.cmpi ne, %rem3A_183, %ne3A_185 : vector<64x1xi32>
      %lt3A_187 = arith.constant 0 : i32
      %lt3A_188 = vector.broadcast %lt3A_187 : i32 to vector<64x1xi32>
      %lt3A_189 = arith.cmpi slt, %rem3A_183, %lt3A_188 : vector<64x1xi32>
      %lt3A_190 = arith.constant 0 : i32
      %lt3A_191 = arith.cmpi slt, %select_n3A_181, %lt3A_190 : i32
      %ne3A_192 = vector.broadcast %lt3A_191 : i1 to vector<64x1xi1>
      %ne3A_193 = vector.broadcast %ne3A_192 : vector<64x1xi1> to vector<64x1xi1>
      %ne3A_194 = arith.xori %lt3A_189, %ne3A_193 : vector<64x1xi1>
      %and3A_195 = arith.andi %ne3A_194, %ne3A_186 : vector<64x1xi1>
      %add3A_196 = vector.broadcast %select_n3A_181 : i32 to vector<64x1xi32>
      %add3A_197 = arith.addi %rem3A_183, %add3A_196 : vector<64x1xi32>
      %select_n3A_198 = arith.select %and3A_195, %add3A_197, %rem3A_183 : vector<64x1xi1>, vector<64x1xi32>
      %eq3A_199 = vector.broadcast %select_n3A_198 : vector<64x1xi32> to vector<64x128xi32>
      %eq3A_200 = arith.cmpi eq, %iota3A_176, %eq3A_199 : vector<64x128xi32>
      %convert_element_type3A_201 = arith.extui %eq3A_200 : vector<64x128xi1> to vector<64x128xi32>
      %convert_element_type3A_202 = arith.sitofp %convert_element_type3A_201 : vector<64x128xi32> to vector<64x128xf32>
      %dot_general3A_203 = arith.constant dense<0.000000e+00> : vector<512x128xf32>
      %dot_general3A_204 = tpu.matmul %mul3A_175, %convert_element_type3A_202, %dot_general3A_203 {dimension_numbers = #tpu.dot_dimension_numbers<[1], [0], [0], [1], [0, 0, 1, 1], [], []>, precision = #tpu.contract_precision<fp32>, transpose_lhs_hint = false} : vector<512x64xf32>, vector<64x128xf32>, vector<512x128xf32> -> vector<512x128xf32>
      %swap3A_205 = arith.constant 0 : index
      %swap3A_206 = arith.constant 0 : index
      %swap3A_207 = arith.constant 0 : index
      %swap3A_208 = vector.load %arg6[%swap3A_205, %swap3A_206, %swap3A_207] : memref<1x1x64xf32, #tpu.memory_space<vmem>>, vector<1x1x64xf32>
      %swap3A_209 = vector.shape_cast %swap3A_208 : vector<1x1x64xf32> to vector<1x64xf32>
      %swap3A_210 = vector.shape_cast %scan3A_62#1 : vector<1x64xf32> to vector<1x1x64xf32>
      tpu.vector_store %arg6[%swap3A_205, %swap3A_206, %swap3A_207], %swap3A_210 {strides = array<i32>} : memref<1x1x64xf32, #tpu.memory_space<vmem>>, vector<1x1x64xf32>,
      %swap3A_211 = arith.constant 0 : index
      %swap3A_212 = arith.constant 0 : index
      %swap3A_213 = arith.constant 0 : index
      %swap3A_214 = vector.load %arg7[%swap3A_211, %swap3A_212, %swap3A_213] : memref<1x1x64xi32, #tpu.memory_space<vmem>>, vector<1x1x64xi32>
      %swap3A_215 = vector.shape_cast %swap3A_214 : vector<1x1x64xi32> to vector<1x64xi32>
      %swap3A_216 = vector.shape_cast %scan3A_62#2 : vector<1x64xi32> to vector<1x1x64xi32>
      tpu.vector_store %arg7[%swap3A_211, %swap3A_212, %swap3A_213], %swap3A_216 {strides = array<i32>} : memref<1x1x64xi32, #tpu.memory_space<vmem>>, vector<1x1x64xi32>,
      %swap3A_217 = arith.constant 0 : index
      %swap3A_218 = arith.constant 0 : index
      %swap3A_219 = arith.constant 0 : index
      %swap3A_220 = vector.load %arg8[%swap3A_217, %swap3A_218, %swap3A_219] : memref<1x1x64xi32, #tpu.memory_space<vmem>>, vector<1x1x64xi32>
      %swap3A_221 = vector.shape_cast %swap3A_220 : vector<1x1x64xi32> to vector<1x64xi32>
      %swap3A_222 = vector.shape_cast %scan3A_62#3 : vector<1x64xi32> to vector<1x1x64xi32>
      tpu.vector_store %arg8[%swap3A_217, %swap3A_218, %swap3A_219], %swap3A_222 {strides = array<i32>} : memref<1x1x64xi32, #tpu.memory_space<vmem>>, vector<1x1x64xi32>,
      %swap3A_223 = arith.constant 0 : index
      %swap3A_224 = arith.constant 0 : index
      %swap3A_225 = arith.constant 0 : index
      %swap3A_226 = vector.load %arg9[%swap3A_223, %swap3A_224, %swap3A_225] : memref<1x512x128xf32, #tpu.memory_space<vmem>>, vector<1x512x128xf32>
      %swap3A_227 = vector.shape_cast %swap3A_226 : vector<1x512x128xf32> to vector<512x128xf32>
      %swap3A_228 = vector.shape_cast %dot_general3A_204 : vector<512x128xf32> to vector<1x512x128xf32>
      tpu.vector_store %arg9[%swap3A_223, %swap3A_224, %swap3A_225], %swap3A_228 {strides = array<i32>} : memref<1x512x128xf32, #tpu.memory_space<vmem>>, vector<1x512x128xf32>,
      %mul3A_229 = arith.constant 8 : i32
      %mul3A_230 = vector.broadcast %mul3A_229 : i32 to vector<1x64xi32>
      %mul3A_231 = arith.muli %select_n3A, %mul3A_230 : vector<1x64xi32>
      %swap3A_232 = arith.constant 0 : index
      %swap3A_233 = arith.constant 0 : index
      %swap3A_234 = arith.constant 0 : index
      %swap3A_235 = vector.load %arg10[%swap3A_232, %swap3A_233, %swap3A_234] : memref<1x1x64xi32, #tpu.memory_space<vmem>>, vector<1x1x64xi32>
      %swap3A_236 = vector.shape_cast %swap3A_235 : vector<1x1x64xi32> to vector<1x64xi32>
      %swap3A_237 = vector.shape_cast %mul3A_231 : vector<1x64xi32> to vector<1x1x64xi32>
      tpu.vector_store %arg10[%swap3A_232, %swap3A_233, %swap3A_234], %swap3A_237 {strides = array<i32>} : memref<1x1x64xi32, #tpu.memory_space<vmem>>, vector<1x1x64xi32>,
      %mul3A_238 = arith.constant 128 : i32
      %mul3A_239 = vector.broadcast %mul3A_238 : i32 to vector<1x64xi32>
      %mul3A_240 = arith.muli %select_n3A_117, %mul3A_239 : vector<1x64xi32>
      %swap3A_241 = arith.constant 0 : index
      %swap3A_242 = arith.constant 0 : index
      %swap3A_243 = arith.constant 0 : index
      %swap3A_244 = vector.load %arg11[%swap3A_241, %swap3A_242, %swap3A_243] : memref<1x1x64xi32, #tpu.memory_space<vmem>>, vector<1x1x64xi32>
      %swap3A_245 = vector.shape_cast %swap3A_244 : vector<1x1x64xi32> to vector<1x64xi32>
      %swap3A_246 = vector.shape_cast %mul3A_240 : vector<1x64xi32> to vector<1x1x64xi32>
      tpu.vector_store %arg11[%swap3A_241, %swap3A_242, %swap3A_243], %swap3A_246 {strides = array<i32>} : memref<1x1x64xi32, #tpu.memory_space<vmem>>, vector<1x1x64xi32>,
    } else {
    }
    return
  }
  func.func @transform_0(%arg0: i32, %arg1: i32) -> (i32, i32, i32) {
    %c0_i32 = arith.constant 0 : i32
    %c0_i32_0 = arith.constant 0 : i32
    %c0_i32_1 = arith.constant 0 : i32
    return %arg0, %c0_i32, %c0_i32_0 : i32, i32, i32
  }
  func.func @transform_1(%arg0: i32, %arg1: i32) -> (i32, i32, i32) {
    %c0_i32 = arith.constant 0 : i32
    %c0_i32_0 = arith.constant 0 : i32
    return %arg0, %c0_i32, %arg1 : i32, i32, i32
  }
  func.func @transform_2(%arg0: i32, %arg1: i32) -> (i32, i32) {
    %c0_i32 = arith.constant 0 : i32
    %c0_i32_0 = arith.constant 0 : i32
    %c0_i32_1 = arith.constant 0 : i32
    return %c0_i32, %c0_i32_0 : i32, i32
  }
  func.func @transform_3(%arg0: i32, %arg1: i32) -> (i32, i32) {
    %c0_i32 = arith.constant 0 : i32
    %c0_i32_0 = arith.constant 0 : i32
    %c0_i32_1 = arith.constant 0 : i32
    return %c0_i32, %c0_i32_0 : i32, i32
  }
  func.func @transform_4(%arg0: i32, %arg1: i32) -> (i32, i32, i32) {
    %c0_i32 = arith.constant 0 : i32
    %c0_i32_0 = arith.constant 0 : i32
    %c0_i32_1 = arith.constant 0 : i32
    return %arg0, %c0_i32, %c0_i32_0 : i32, i32, i32
  }
  func.func @transform_5(%arg0: i32, %arg1: i32) -> (i32, i32, i32) {
    %c0_i32 = arith.constant 0 : i32
    %c0_i32_0 = arith.constant 0 : i32
    %c0_i32_1 = arith.constant 0 : i32
    return %arg0, %c0_i32, %c0_i32_0 : i32, i32, i32
  }
  func.func @transform_6(%arg0: i32, %arg1: i32) -> (i32, i32, i32) {
    %c0_i32 = arith.constant 0 : i32
    %c0_i32_0 = arith.constant 0 : i32
    %c0_i32_1 = arith.constant 0 : i32
    return %arg0, %c0_i32, %c0_i32_0 : i32, i32, i32
  }
  func.func @transform_7(%arg0: i32, %arg1: i32) -> (i32, i32, i32) {
    %c0_i32 = arith.constant 0 : i32
    %c0_i32_0 = arith.constant 0 : i32
    %c0_i32_1 = arith.constant 0 : i32
    return %arg0, %c0_i32, %c0_i32_0 : i32, i32, i32
  }
  func.func @transform_8(%arg0: i32, %arg1: i32) -> (i32, i32, i32) {
    %c0_i32 = arith.constant 0 : i32
    %c0_i32_0 = arith.constant 0 : i32
    %c0_i32_1 = arith.constant 0 : i32
    return %arg0, %c0_i32, %c0_i32_0 : i32, i32, i32
  }
  func.func @transform_9(%arg0: i32, %arg1: i32) -> (i32, i32, i32) {
    %c0_i32 = arith.constant 0 : i32
    %c0_i32_0 = arith.constant 0 : i32
    %c0_i32_1 = arith.constant 0 : i32
    return %arg0, %c0_i32, %c0_i32_0 : i32, i32, i32
  }
}

module attributes {stable_mosaic.version = 14 : i64} {
  func.func @_p3y_body(%arg0: i32, %arg1: i32, %arg2: memref<1x1x64xf32, #tpu.memory_space<vmem>>, %arg3: memref<1x1x64xi32, #tpu.memory_space<vmem>>, %arg4: memref<1x1x64xi32, #tpu.memory_space<vmem>>, %arg5: memref<768x2048xbf16, #tpu.memory_space<vmem>>, %arg6: memref<768x1xf32, #tpu.memory_space<vmem>>, %arg7: memref<1x768x1024xf32, #tpu.memory_space<vmem>>, %arg8: memref<2048x64xbf16, #tpu.memory_space<vmem>>, %arg9: memref<768x64xbf16, #tpu.memory_space<vmem>>, %arg10: memref<768x64xbf16, #tpu.memory_space<vmem>>) attributes {dimension_semantics = [#tpu.dimension_semantics<arbitrary>, #tpu.dimension_semantics<arbitrary>], iteration_bounds = array<i64: 4, 8>, scalar_prefetch = 0 : i64, scratch_operands = 3 : i64, tpu.core_type = #tpu.core_type<tc>, window_params = [{transform_indices = @transform_0, window_bounds = array<i64: 1, 1, 64>}, {transform_indices = @transform_1, window_bounds = array<i64: 1, 1, 64>}, {transform_indices = @transform_2, window_bounds = array<i64: 1, 1, 64>}, {pipeline_mode = #tpu.pipeline_mode<synchronous>, transform_indices = @transform_3, window_bounds = array<i64: 768, 2048>}, {pipeline_mode = #tpu.pipeline_mode<synchronous>, transform_indices = @transform_4, window_bounds = array<i64: 768, 1>}, {transform_indices = @transform_5, window_bounds = array<i64: 1, 768, 1024>}]} {
    %eq3A = arith.constant 0 : i32
    %eq3A_0 = arith.cmpi eq, %arg1, %eq3A : i32
    %convert_element_type3A = arith.extui %eq3A_0 : i1 to i32
    %cond3A = arith.constant 0 : i32
    %cond3A_1 = arith.cmpi ne, %convert_element_type3A, %cond3A : i32
    scf.if %cond3A_1 {
      %get3A_33 = arith.constant 0 : index
      %get3A_34 = arith.constant 0 : index
      %get3A_35 = arith.constant 0 : index
      %get3A_36 = vector.load %arg2[%get3A_33, %get3A_34, %get3A_35] : memref<1x1x64xf32, #tpu.memory_space<vmem>>, vector<1x1x64xf32>
      %get3A_37 = vector.shape_cast %get3A_36 : vector<1x1x64xf32> to vector<1x64xf32>
      %convert_element_type3A_38 = arith.truncf %get3A_37 : vector<1x64xf32> to vector<1x64xbf16>
      %convert_element_type3A_39 = arith.extf %convert_element_type3A_38 : vector<1x64xbf16> to vector<1x64xf32>
      %iota3A_40 = tpu.iota {dimensions = array<i32: 0>} : vector<2048x64xi32>
      %get3A_41 = arith.constant 0 : index
      %get3A_42 = arith.constant 0 : index
      %get3A_43 = arith.constant 0 : index
      %get3A_44 = vector.load %arg3[%get3A_41, %get3A_42, %get3A_43] : memref<1x1x64xi32, #tpu.memory_space<vmem>>, vector<1x1x64xi32>
      %get3A_45 = vector.shape_cast %get3A_44 : vector<1x1x64xi32> to vector<1x64xi32>
      %eq3A_46 = vector.broadcast %get3A_45 : vector<1x64xi32> to vector<2048x64xi32>
      %eq3A_47 = arith.cmpi eq, %iota3A_40, %eq3A_46 : vector<2048x64xi32>
      %convert_element_type3A_48 = arith.extui %eq3A_47 : vector<2048x64xi1> to vector<2048x64xi32>
      %convert_element_type3A_49 = arith.sitofp %convert_element_type3A_48 : vector<2048x64xi32> to vector<2048x64xf32>
      %mul3A_50 = vector.broadcast %convert_element_type3A_39 : vector<1x64xf32> to vector<2048x64xf32>
      %mul3A_51 = arith.mulf %convert_element_type3A_49, %mul3A_50 : vector<2048x64xf32>
      %convert_element_type3A_52 = arith.truncf %mul3A_51 : vector<2048x64xf32> to vector<2048x64xbf16>
      %swap3A_53 = arith.constant 0 : index
      %swap3A_54 = arith.constant 0 : index
      %swap3A_55 = vector.load %arg8[%swap3A_53, %swap3A_54] : memref<2048x64xbf16, #tpu.memory_space<vmem>>, vector<2048x64xbf16>
      tpu.vector_store %arg8[%swap3A_53, %swap3A_54], %convert_element_type3A_52 {strides = array<i32>} : memref<2048x64xbf16, #tpu.memory_space<vmem>>, vector<2048x64xbf16>,
      %get3A_56 = arith.constant 0 : index
      %get3A_57 = arith.constant 0 : index
      %get3A_58 = vector.load %arg5[%get3A_56, %get3A_57] : memref<768x2048xbf16, #tpu.memory_space<vmem>>, vector<768x2048xbf16>
      %get3A_59 = arith.constant 0 : index
      %get3A_60 = arith.constant 0 : index
      %get3A_61 = vector.load %arg8[%get3A_59, %get3A_60] : memref<2048x64xbf16, #tpu.memory_space<vmem>>, vector<2048x64xbf16>
      %dot_general3A_62 = arith.constant dense<0.000000e+00> : vector<768x64xf32>
      %dot_general3A_63 = tpu.matmul %get3A_58, %get3A_61, %dot_general3A_62 {dimension_numbers = #tpu.dot_dimension_numbers<[1], [0], [0], [1], [0, 0, 1, 1], [], []>, transpose_lhs_hint = false} : vector<768x2048xbf16>, vector<2048x64xbf16>, vector<768x64xf32> -> vector<768x64xf32>
      %convert_element_type3A_64 = arith.truncf %dot_general3A_63 : vector<768x64xf32> to vector<768x64xbf16>
      %swap3A_65 = arith.constant 0 : index
      %swap3A_66 = arith.constant 0 : index
      %swap3A_67 = vector.load %arg9[%swap3A_65, %swap3A_66] : memref<768x64xbf16, #tpu.memory_space<vmem>>, vector<768x64xbf16>
      tpu.vector_store %arg9[%swap3A_65, %swap3A_66], %convert_element_type3A_64 {strides = array<i32>} : memref<768x64xbf16, #tpu.memory_space<vmem>>, vector<768x64xbf16>,
      %convert_element_type3A_68 = arith.extf %convert_element_type3A_64 : vector<768x64xbf16> to vector<768x64xf32>
      %sub3A = arith.subf %dot_general3A_63, %convert_element_type3A_68 : vector<768x64xf32>
      %convert_element_type3A_69 = arith.truncf %sub3A : vector<768x64xf32> to vector<768x64xbf16>
      %swap3A_70 = arith.constant 0 : index
      %swap3A_71 = arith.constant 0 : index
      %swap3A_72 = vector.load %arg10[%swap3A_70, %swap3A_71] : memref<768x64xbf16, #tpu.memory_space<vmem>>, vector<768x64xbf16>
      tpu.vector_store %arg10[%swap3A_70, %swap3A_71], %convert_element_type3A_69 {strides = array<i32>} : memref<768x64xbf16, #tpu.memory_space<vmem>>, vector<768x64xbf16>,
    } else {
    }
    %mul3A = arith.constant 1024 : i32
    %mul3A_2 = arith.muli %arg1, %mul3A : i32
    %iota3A = tpu.iota {dimensions = array<i32: 0>} : vector<1024x64xi32>
    %add3A = vector.broadcast %mul3A_2 : i32 to vector<1024x64xi32>
    %add3A_3 = arith.addi %add3A, %iota3A : vector<1024x64xi32>
    %get3A = arith.constant 0 : index
    %get3A_4 = arith.constant 0 : index
    %get3A_5 = arith.constant 0 : index
    %get3A_6 = vector.load %arg4[%get3A, %get3A_4, %get3A_5] : memref<1x1x64xi32, #tpu.memory_space<vmem>>, vector<1x1x64xi32>
    %get3A_7 = vector.shape_cast %get3A_6 : vector<1x1x64xi32> to vector<1x64xi32>
    %eq3A_8 = vector.broadcast %get3A_7 : vector<1x64xi32> to vector<1024x64xi32>
    %eq3A_9 = arith.cmpi eq, %add3A_3, %eq3A_8 : vector<1024x64xi32>
    %convert_element_type3A_10 = arith.extui %eq3A_9 : vector<1024x64xi1> to vector<1024x64xi32>
    %convert_element_type3A_11 = arith.sitofp %convert_element_type3A_10 : vector<1024x64xi32> to vector<1024x64xf32>
    %convert_element_type3A_12 = arith.truncf %convert_element_type3A_11 : vector<1024x64xf32> to vector<1024x64xbf16>
    %get3A_13 = arith.constant 0 : index
    %get3A_14 = arith.constant 0 : index
    %get3A_15 = vector.load %arg9[%get3A_13, %get3A_14] : memref<768x64xbf16, #tpu.memory_space<vmem>>, vector<768x64xbf16>
    %dot_general3A = arith.constant dense<0.000000e+00> : vector<768x1024xf32>
    %dot_general3A_16 = tpu.matmul %get3A_15, %convert_element_type3A_12, %dot_general3A {dimension_numbers = #tpu.dot_dimension_numbers<[1], [1], [0], [0], [0, 0, 1, 0], [], []>, transpose_lhs_hint = false} : vector<768x64xbf16>, vector<1024x64xbf16>, vector<768x1024xf32> -> vector<768x1024xf32>
    %get3A_17 = arith.constant 0 : index
    %get3A_18 = arith.constant 0 : index
    %get3A_19 = vector.load %arg10[%get3A_17, %get3A_18] : memref<768x64xbf16, #tpu.memory_space<vmem>>, vector<768x64xbf16>
    %dot_general3A_20 = arith.constant dense<0.000000e+00> : vector<768x1024xf32>
    %dot_general3A_21 = tpu.matmul %get3A_19, %convert_element_type3A_12, %dot_general3A_20 {dimension_numbers = #tpu.dot_dimension_numbers<[1], [1], [0], [0], [0, 0, 1, 0], [], []>, transpose_lhs_hint = false} : vector<768x64xbf16>, vector<1024x64xbf16>, vector<768x1024xf32> -> vector<768x1024xf32>
    %add3A_22 = arith.addf %dot_general3A_16, %dot_general3A_21 : vector<768x1024xf32>
    %get3A_23 = arith.constant 0 : index
    %get3A_24 = arith.constant 0 : index
    %get3A_25 = vector.load %arg6[%get3A_23, %get3A_24] : memref<768x1xf32, #tpu.memory_space<vmem>>, vector<768x1xf32>
    %add3A_26 = vector.broadcast %get3A_25 : vector<768x1xf32> to vector<768x1024xf32>
    %add3A_27 = arith.addf %add3A_22, %add3A_26 : vector<768x1024xf32>
    %swap3A = arith.constant 0 : index
    %swap3A_28 = arith.constant 0 : index
    %swap3A_29 = arith.constant 0 : index
    %swap3A_30 = vector.load %arg7[%swap3A, %swap3A_28, %swap3A_29] : memref<1x768x1024xf32, #tpu.memory_space<vmem>>, vector<1x768x1024xf32>
    %swap3A_31 = vector.shape_cast %swap3A_30 : vector<1x768x1024xf32> to vector<768x1024xf32>
    %swap3A_32 = vector.shape_cast %add3A_27 : vector<768x1024xf32> to vector<1x768x1024xf32>
    tpu.vector_store %arg7[%swap3A, %swap3A_28, %swap3A_29], %swap3A_32 {strides = array<i32>} : memref<1x768x1024xf32, #tpu.memory_space<vmem>>, vector<1x768x1024xf32>,
    return
  }
  func.func @transform_0(%arg0: i32, %arg1: i32) -> (i32, i32, i32) {
    %c0_i32 = arith.constant 0 : i32
    %c0_i32_0 = arith.constant 0 : i32
    %c0_i32_1 = arith.constant 0 : i32
    return %arg0, %c0_i32, %c0_i32_0 : i32, i32, i32
  }
  func.func @transform_1(%arg0: i32, %arg1: i32) -> (i32, i32, i32) {
    %c0_i32 = arith.constant 0 : i32
    %c0_i32_0 = arith.constant 0 : i32
    %c0_i32_1 = arith.constant 0 : i32
    return %arg0, %c0_i32, %c0_i32_0 : i32, i32, i32
  }
  func.func @transform_2(%arg0: i32, %arg1: i32) -> (i32, i32, i32) {
    %c0_i32 = arith.constant 0 : i32
    %c0_i32_0 = arith.constant 0 : i32
    %c0_i32_1 = arith.constant 0 : i32
    return %arg0, %c0_i32, %c0_i32_0 : i32, i32, i32
  }
  func.func @transform_3(%arg0: i32, %arg1: i32) -> (i32, i32) {
    %c0_i32 = arith.constant 0 : i32
    %c0_i32_0 = arith.constant 0 : i32
    %c0_i32_1 = arith.constant 0 : i32
    return %c0_i32, %c0_i32_0 : i32, i32
  }
  func.func @transform_4(%arg0: i32, %arg1: i32) -> (i32, i32) {
    %c0_i32 = arith.constant 0 : i32
    %c0_i32_0 = arith.constant 0 : i32
    %c0_i32_1 = arith.constant 0 : i32
    return %c0_i32, %c0_i32_0 : i32, i32
  }
  func.func @transform_5(%arg0: i32, %arg1: i32) -> (i32, i32, i32) {
    %c0_i32 = arith.constant 0 : i32
    %c0_i32_0 = arith.constant 0 : i32
    return %arg0, %c0_i32, %arg1 : i32, i32, i32
  }
}

</mosaic_0001>

<sc_bundles>
// kernel: kernel.10.cloned.1.call-start
scs
__scs_entry_jumppad:
0x0: {  	(pc) =	sbr.rel $0x88, $3  }
0x1: {  	(tag) =	ssettag $0x0;
	lr =	simm.s32 $0x1  }
0x2: {  	[smem:$0x3F9C] =	sst lr;
	_ =	strace $0xD0000000  }
0x3: {  	_ = 	snop  }
0x4: {  	_ = 	snop  }
0x5: {  	_ = 	snop  }
0x6: {  	_ = 	snop  }
0x7: {  	_ = 	snop  }
__scs_overlays_trampoline_lowered:
0x8: {  	[smem:$0x3FAB] =	sst s0  }
0x9: {  	[smem:$0x3FAC] =	sst s1  }
0xa: {  	[smem:$0x3FAD] =	sst s2  }
0xb: {  	[smem:$0x3FAE] =	sst s3  }
0xc: {  	[smem:$0x3FAF] =	sst s4  }
0xd: {  	[smem:$0x3FB0] =	sst s5  }
0xe: {  	[smem:$0x3FB1] =	sst s6  }
0xf: {  	[smem:$0x3FB2] =	sst s7  }
0x10: {  	[smem:$0x3FB3] =	sst s8  }
0x11: {  	[smem:$0x3FB4] =	sst s9;
	s0 =	simm.s32 @!p0 $0x0  }
0x12: {  	s1 =	sld [smem:$0x3F9A];
	s0 =	simm.s32 @p0 $0x1  }
0x13: {  	[smem:$0x3FB5] =	sst s0;
	s0 =	simm.s32 @!p1 $0x0  }
0x14: {  	s2 =	sld [smem:$0x3F99];
	s0 =	simm.s32 @p1 $0x1  }
0x15: {  	[smem:$0x3FB6] =	sst s0;
	s0 =	simm.s32 @!p2 $0x0  }
0x16: {  	s3 =	sld [smem:$0x3FDB];
	s0 =	simm.s32 @p2 $0x1  }
0x17: {  	s4 =	simm.s32 $0x1BF5;
	[smem:$0x3FB8] =	sst s0  }
0x18: {  	s0 =	sld [smem:$0x3F9B];
	_ =	swait.ge [sflag:s4], $0x0  }
0x19: {  	s7 =	sld [smem:$0x3F9C]  }
0x1a: {  	s8 =	sadd.s32 $0xFFFFE003, lr  }
0x1b: {  	s9 =	sadd.s32 $0xFFFFFEF7, lr;
	s5 =	simm.s32 $0xFFFFFFFF;
	p2 =	slt.u32 s8, $0xFFFFF086  }
0x1c: {  	p1 =	slt.u32 s9, $0xF7A;
	s5 =	simm.s32 @!p2 $0x0  }
0x1d: {  	s5 =	simm.s32 @p1 $0x1;
	p0 =	seq.s32 s7, s2  }
0x1e: {  	s7 =	smul.u32 @!p0 $0xF7A, s2;
	p2 =	seq.s32 @!p0 s5, $0x0  }
0x1f: {  	s9 =	smul.u32 $0xF7A, s1;
	s8 =	simm.s32 @!p0 $0x1BF5;
	p2 =	por !p2, p0  }
0x20: {  	[sflag:s8] =	ssyncset.s32 @!p0 $0xFFFFF086;
	s6 =	sadd.s32 @!p0 s3, s7;
	s7 =	simm.s32 @!p0 $0x108  }
0x21: {  	s3 =	sadd.s32 s3, s9;
	s6 =	sadd.s32 @!p0 $0x88, s6;
	s7 =	simm.s32 @p2 $0x1082  }
0x22: {  	[simem:s7], [sflag:s8] =	dma.local @!p0 [hbm:s6], $0xF7A  }
0x23: {  	s9 =	sor.u32 $0xD0000000, s2;
	s6 =	simm.s32 $0x108;
	_ =	swait.ge @!p0 [sflag:s8], $0x0  }
0x24: {  	s3 =	sadd.s32 $0x88, s3;
	s6 =	simm.s32 @!p1 $0x1082;
	[sflag:s4] =	ssyncset.s32 $0xFFFFF086  }
0x25: {  	[simem:s6], [sflag:s4] =	dma.local [hbm:s3], $0xF7A  }
0x26: {  	[smem:$0x3F9C] =	sst s1;
	(tag) =	ssettag s2;
	_ =	strace s9  }
0x27: {  	s1 =	sld [smem:$0x3FAC]  }
0x28: {  	s2 =	sld [smem:$0x3FAD]  }
0x29: {  	s4 =	sld [smem:$0x3FAF]  }
0x2a: {  	p0 =	seq.s32 s5, $0x0;
	s5 =	sld [smem:$0x3FB0]  }
0x2b: {  	s6 =	sld [smem:$0x3FB1]  }
0x2c: {  	s7 =	sld [smem:$0x3FB2]  }
0x2d: {  	s3 =	simm.s32 $0x108;
	s8 =	sld [smem:$0x3FB3]  }
0x2e: {  	s3 =	simm.s32 @!p0 $0x1082;
	s9 =	sld [smem:$0x3FB4]  }
0x2f: {  	lr =	sadd.s32 s0, s3;
	s0 =	sld [smem:$0x3FAB]  }
0x30: {  	s3 =	sld [smem:$0x3FAE]  }
0x31: {  	[smem:$0x3FB7] =	sst s10  }
0x32: {  	s10 =	sld [smem:$0x3FB5];
	_ =	sdelay $0x3  }
0x33: {  	p0 =	seq.s32 s10, $0x1;
	s10 =	sld [smem:$0x3FB7];
	_ =	sdelay $0x3  }
0x34: {  	[smem:$0x3FB7] =	sst s10  }
0x35: {  	s10 =	sld [smem:$0x3FB6];
	_ =	sdelay $0x3  }
0x36: {  	p1 =	seq.s32 s10, $0x1;
	s10 =	sld [smem:$0x3FB7];
	_ =	sdelay $0x3  }
0x37: {  	[smem:$0x3FB7] =	sst s10  }
0x38: {  	s10 =	sld [smem:$0x3FB8]  }
0x39: {  	_ = 	snop;
	(pc) =	sbr.ind lr, $3  }
0x3a: {  	_ = 	snop  }
0x3b: {  	_ = 	snop  }
0x3c: {  	p2 =	seq.s32 s10, $0x1;
	s10 =	sld [smem:$0x3FB7]  }
0x3d: {  	_ =	shalt  }
0x3e: {  	_ =	shalt  }
0x3f: {  	_ =	shalt  }
0x40: {  	_ =	shalt  }
0x41: {  	_ =	shalt  }
0x42: {  	_ =	shalt  }
0x43: {  	_ =	shalt  }
0x44: {  	_ =	shalt  }
0x45: {  	_ =	shalt  }
0x46: {  	_ =	shalt  }
0x47: {  	_ =	shalt  }
0x48: {  	_ =	shalt  }
0x49: {  	_ =	shalt  }
0x4a: {  	_ =	shalt  }
0x4b: {  	_ =	shalt  }
0x4c: {  	_ =	shalt  }
0x4d: {  	_ =	shalt  }
0x4e: {  	_ =	shalt  }
0x4f: {  	_ =	shalt  }
0x50: {  	_ =	shalt  }
0x51: {  	_ =	shalt  }
0x52: {  	_ =	shalt  }
0x53: {  	_ =	shalt  }
0x54: {  	_ =	shalt  }
0x55: {  	_ =	shalt  }
0x56: {  	_ =	shalt  }
0x57: {  	_ =	shalt  }
0x58: {  	_ =	shalt  }
0x59: {  	_ =	shalt  }
0x5a: {  	_ =	shalt  }
0x5b: {  	_ =	shalt  }
0x5c: {  	_ =	shalt  }
0x5d: {  	_ =	shalt  }
0x5e: {  	_ =	shalt  }
0x5f: {  	_ =	shalt  }
0x60: {  	_ =	shalt  }
0x61: {  	_ =	shalt  }
0x62: {  	_ =	shalt  }
0x63: {  	_ =	shalt  }
0x64: {  	_ =	shalt  }
0x65: {  	_ =	shalt  }
0x66: {  	_ =	shalt  }
0x67: {  	_ =	shalt  }
0x68: {  	_ =	shalt  }
0x69: {  	_ =	shalt  }
0x6a: {  	_ =	shalt  }
0x6b: {  	_ =	shalt  }
0x6c: {  	_ =	shalt  }
0x6d: {  	_ =	shalt  }
0x6e: {  	_ =	shalt  }
0x6f: {  	_ =	shalt  }
0x70: {  	_ =	shalt  }
0x71: {  	_ =	shalt  }
0x72: {  	_ =	shalt  }
0x73: {  	_ =	shalt  }
0x74: {  	_ =	shalt  }
0x75: {  	_ =	shalt  }
0x76: {  	_ =	shalt  }
0x77: {  	_ =	shalt  }
0x78: {  	_ =	shalt  }
0x79: {  	_ =	shalt  }
0x7a: {  	_ =	shalt  }
0x7b: {  	_ =	shalt  }
0x7c: {  	_ =	shalt  }
0x7d: {  	_ =	shalt  }
0x7e: {  	_ =	shalt  }
0x7f: {  	_ =	shalt  }
0x80: {  	_ =	shalt  }
0x81: {  	_ =	shalt  }
0x82: {  	_ =	shalt  }
0x83: {  	_ =	shalt  }
0x84: {  	_ =	shalt  }
0x85: {  	_ =	shalt  }
0x86: {  	_ =	shalt  }
0x87: {  	_ =	shalt  }
.Lfunc_end0:
.L_simem_size_0:
called_computation.1_lowered:
.L_overlay_start_0:
0x88: {  	s2 =	sld [smem:$0x3FD9]  }
0x89: {  	s3 =	sld [smem:$0x3FFE];
	_ =	sdelay $0x1  }
0x8a: {  	s1 =	srdreg.scid  }
0x8b: {  	s0 =	sand.u32 $0x1, s1  }
0x8c: {  	s14 =	sshll.u32 s0, $0xA;
	s2 =	sadd.s32 s3, s2  }
0x8d: {  	s2 =	sadd.s32 s2, s14  }
0x8e: {  	[smem:$0x3FC3] =	sst s2  }
0x8f: {  	_ = 	snop  }
0x90: {  	s2 =	sld [smem:$0x3FD0];
	_ =	sdelay $0x2  }
0x91: {  	s15 =	simm.s32 $0xA;
	s4 =	simm.s32 $0x10  }
0x92: {  	[smem:s4], [sflag:s15] =	dma.local [hbm:s2], $0x1  }
0x93: {  	_ =	swait.eq [sflag:s15], $0x1  }
0x94: {  	[sflag:s15] =	ssyncset.done $0x0  }
0x95: {  	[sflag:s15] =	ssyncadd.s32 $0xFFFFFFFF  }
0x96: {  	s16 =	sld [smem:$0x11];
	(tm) =	ssettm $0x1  }
0x97: {  	s17 =	sld [smem:$0x3FFB];
	_ =	sdelay $0x3  }
0x98: {  	_ =	strace s17  }
0x99: {  	s3 =	sld [smem:$0x3FFC];
	_ =	sdelay $0x3  }
0x9a: {  	_ =	strace s3  }
0x9b: {  	s3 =	sld [smem:$0x3FFD];
	_ =	sdelay $0x3  }
0x9c: {  	_ =	strace s3  }
0x9d: {  	_ =	strace $0x8FFFFFFF  }
0x9e: {  	s18 =	sld [smem:$0x3FDB];
	_ =	sdelay $0x1  }
0x9f: {  	s19 =	simm.s32 $_scs_section_size  }
0xa0: {  	s5 =	simm.s32 $_size__tile_overlayer_lowered;
	s6 =	simm.s32 $_tile_overlayer_lowered  }
0xa1: {  	s22 =	simm.s32 $0x1BFF;
	s21 =	sshll.u32 s6, $0x1;
	s3 =	sadd.s32 s19, s18  }
0xa2: {  	s7 =	simm.s32 $0x0;
	s20 =	sshll.u32 s5, $0x1;
	s5 =	sadd.s32 s21, s3  }
0xa3: {  	[timem:s7], [sflag:s22] =	dma.local [hbm:s5], s20  }
0xa4: {  	_ =	swait.ge [sflag:s22], s20  }
0xa5: {  	s4 =	ssub.s32 $0x0, s20;
	[sflag:s22] =	ssyncset.done $0x0  }
0xa6: {  	[sflag:s22] =	ssyncadd.s32 s4;
	_ =	sdelay $0x1  }
0xa7: {  	s23 =	simm.s32 $0x1B8B  }
0xa8: {  	_ =	swait.ge [sflag:s23], $0x1  }
0xa9: {  	[sflag:s23] =	ssyncset.done $0x0  }
0xaa: {  	s25 =	simm.s32 $0x1B8E;
	s24 =	sld [smem:$0x3FFE];
	[sflag:s23] =	ssyncadd.s32 $0xFFFFFFFF  }
0xab: {  	s26 =	simm.s32 $execute0_lowered;
	[smem:$0x3FD2] =	sst s25  }
0xac: {  	s5 =	sshll.u32 s26, $0x1;
	_ =	strace $0x80000049;
	[dreg:$0x1] =	wrdreg $0xFFFFFFFF  }
0xad: {  	s28 =	simm.s32 $_size_execute0_lowered;
	s3 =	sadd.s32 s3, s5;
	[dreg:$0x0] =	wrdreg $0x0  }
0xae: {  	s5 =	sshll.u32 s28, $0x1;
	[dreg:$0x2] =	wrdreg s3  }
0xaf: {  	[dreg:$0x3] =	wrdreg s5  }
0xb0: {  	[dreg:$0x4] =	wrdreg $0xC0  }
0xb1: {  	_ =	task [dreg:s7], $0x5FFFF  }
0xb2: {  	[dreg:$0x1] =	wrdreg $0xFFFFFFFF  }
0xb3: {  	[dreg:$0x0] =	wrdreg $0x60  }
0xb4: {  	[dreg:$0x2] =	wrdreg s24  }
0xb5: {  	[dreg:$0x3] =	wrdreg s16  }
0xb6: {  	[dreg:$0x4] =	wrdreg $0x9  }
0xb7: {  	_ =	task.clear_ibuf [dreg:s7], $0x5FFFF;
	_ =	strace $0x90000049  }
0xb8: {  	s29 =	simm.s32 $0x9;
	_ =	strace $0x8000004B  }
0xb9: {  	_ =	swait.ge [sflag:s29], $0x1  }
0xba: {  	[sflag:s29] =	ssyncadd.s32 $0xFFFFFFFF  }
0xbb: {  	_ =	strace $0x9000004B  }
0xbc: {  	_ =	sfence  }
0xbd: {  	s30 =	sld [smem:$0x0];
	_ =	sdelay $0x2  }
0xbe: {  	s31 =	sshll.u32 s1, $0xD;
	s1 =	sshrl.u32 s1, $0x2  }
0xbf: {  	s3 =	sand.u32 $0x4000, s31;
	s1 =	sadd.s32 s1, s30  }
0xc0: {  	s0 =	sor.u32 s3, s0;
	s1 =	sshll.u32 s1, $0x11  }
0xc1: {  	s0 =	sor.u32 s1, s0  }
0xc2: {  	s0 =	sadd.s32 $0x8F2B, s0  }
0xc3: {  	[sflag:s0] =	ssyncadd.remote.s32 $0x1  }
0xc4: {  	_ =	sfence.sel $0xFFFF  }
0xc5: {  	[dreg:$0x0] =	wrdreg $0xFFFFFFFF;
	(pc) =	sbr.abs _section_cstart, $3  }
0xc6: {  	[dreg:$0x1] =	wrdreg $0xFFFFFFFF  }
0xc7: {  	_ =	task.clear_ibuf [dreg:s7], $0x2FFFF;
	_ =	strace $0x9FFFFFFF  }
0xc8: {  	(tm) =	ssettm $0x7FFFFFFF  }
0xc9: {  	_ =	shalt  }
tec
execute0_lowered:
.L_overlay_start_1:
0x0: {  	(tag) =	ssettag $0x1  }
0x1: {  	s4 =	rddreg [dreg:$0x0]  }
0x2: {  	s1 =	rddreg [dreg:$0x1]  }
0x3: {  	s0 =	rddreg [dreg:$0x2];
	s2 =	simm.s32 $0x0;
	s6 =	srdreg.scid  }
0x4: {  	s30 =	simm.s32 $0x400;
	s31 =	simm.s32 $0x500;
	[smem:$0x7FF] =	sst s2  }
0x5: {  	s3 =	sadd.s32 $0x9C00, s4;
	s5 =	sadd.s32 $0x1600, s4;
	s4 =	sadd.s32 $0x9E00, s4  }
0x6: {  	s6 =	sand.u32 $0x1, s6;
	_ =	strace $0x8000004A;
	[dreg:$0x3] =	wrdreg s3  }
0x7: {  	s3 =	stileid.u32;
	[dreg:$0x4] =	wrdreg s4;
	s15 =	ssub.s32 $0x2, s6  }
0x8: {  	[dreg:$0xd] =	wrdreg s30;
	s7 =	sshll.u32 s3, $0x1;
	s16 =	sshrl.u32 s15, $0x1  }
0x9: {  	[dreg:$0xe] =	wrdreg s31;
	s6 =	sor.u32 s6, s7;
	s7 =	ssub.s32 s15, s16  }
0xa: {  	s8 =	sshll.u32 s6, $0x3;
	s9 =	sshll.u32 s6, $0xA;
	s6 =	sshllo.u32 s6, $0x3  }
0xb: {  	s9 =	sadd.s32 s5, s9;
	s10 =	sor.u32 $0x1, s8;
	s4 =	sand.u32 $0xF0, s8  }
0xc: {  	s11 =	sand.u32 $0x8, s8;
	s12 =	sor.u32 $0x2, s8;
	s13 =	sor.u32 $0x3, s8  }
0xd: {  	s15 =	sor.u32 $0x4, s8;
	s22 =	sor.u32 $0x5, s8;
	s8 =	sor.u32 $0x6, s8  }
0xe: {  	s26 =	sshll.u32 s6, $0x7;
	s6 =	sand.u32 $0xF, s6;
	[dreg:$0x5] =	wrdreg s9  }
0xf: {  	s17 =	sshll.u32 s10, $0x7;
	s18 =	sshll.u32 s12, $0x7;
	s14 =	sshll.u32 s13, $0x7  }
0x10: {  	s20 =	sshll.u32 s15, $0x7;
	s10 =	sand.u32 $0x9, s10;
	s23 =	sshll.u32 s22, $0x7  }
0x11: {  	s12 =	sand.u32 $0xA, s12;
	s13 =	sand.u32 $0xB, s13;
	s9 =	sadd.s32 s5, s17  }
0x12: {  	s24 =	sshll.u32 s8, $0x7;
	s19 =	sadd.s32 s5, s14;
	[dreg:$0x6] =	wrdreg s9  }
0x13: {  	v7 =	vlaneseq.u32;
	v0 =	vmov s11;
	s25 =	sand.u32 $0xC, s15;
	s21 =	sadd.s32 s5, s20;
	[dreg:$0x8] =	wrdreg s19  }
0x14: {  	s8 =	sand.u32 $0xE, s8;
	v6 =	vmov s6;
	v1 =	vmov s10;
	v2 =	vmov s12;
	s9 =	sadd.s32 s5, s18;
	[dreg:$0x9] =	wrdreg s21  }
0x15: {  	s28 =	sand.u32 $0xD, s22;
	v3 =	vmov s13;
	v4 =	vmov s25;
	v5 =	vmov s8;
	[dreg:$0x7] =	wrdreg s9;
	s9 =	sadd.s32 s5, s23  }
0x16: {  	s29 =	sshll.u32 s3, $0x16;
	v8 =	vmov s28;
	vm0 =	veq.s32 v6, v7;
	vm7 =	veq.s32 v0, v7;
	[dreg:$0xa] =	wrdreg s9;
	s9 =	sadd.s32 s5, s24  }
0x17: {  	s6 =	smax.u32 s7, $0x1;
	vm1 =	veq.s32 v5, v7;
	vm2 =	veq.s32 v8, v7;
	vm3 =	veq.s32 v4, v7;
	s5 =	sadd.s32 s5, s26;
	[dreg:$0xb] =	wrdreg s9  }
0x18: {  	s7 =	simm.s32 $0x1;
	vm4 =	veq.s32 v3, v7;
	vm5 =	veq.s32 v2, v7;
	vm6 =	veq.s32 v1, v7;
	[dreg:$0xc] =	wrdreg s5;
	s5 =	sand.u32 $0x3000000, s29  }
.LBB2_1:
0x19: {  	s8 =	rddreg [dreg:$0x3]  }
0x1a: {  	s9 =	rddreg [dreg:$0xd]  }
0x1b: {  	[tilespmem:s9], [sflag:$0x1] =	stream.linear.gather [hbm4b:s8+s2], $0x100, $0x38;
	[tilespmem:$0x600] =	vst v63  }
0x1c: {  	_ =	swait.ge [sflag:s7], $0x100  }
0x1d: {  	s26 =	rddreg [dreg:$0x4];
	[sflag:s7] =	ssyncset.done $0x0  }
0x1e: {  	s28 =	rddreg [dreg:$0xe];
	[sflag:s7] =	ssyncadd.s32 $0xFFFFFF00  }
0x1f: {  	[tilespmem:s28], [sflag:$0x1] =	stream.linear.gather [hbm4b:s26+s2], $0x100, $0x38;
	[tilespmem:$0x600] =	vst v63  }
0x20: {  	_ =	swait.ge [sflag:s7], $0x100  }
0x21: {  	[sflag:s7] =	ssyncset.done $0x0  }
0x22: {  	[sflag:s7] =	ssyncadd.s32 $0xFFFFFF00  }
0x23: {  	v0 =	vld [tilespmem:s4+$0x400]  }
0x24: {  	v1 =	vld [tilespmem:s4+$0x500];
	_ =	sdelay $0x2  }
0x25: {  	s29 =	rddreg [dreg:$0x5]  }
0x26: {  	[tilespmem:s2], [sflag:$0x1] =	stream.linear.gather [hbm4b:s29+s2], $0x400, $0x38;
	v0 =	vxor.u32 $0x80000000, v0;
	[tilespmem:$0x600] =	vst v63  }
0x27: {  	_ =	swait.ge [sflag:s7], $0x400;
	v1 =	vxor.u32 $0x80000000, v1;
	v0 =	vnsel vm7, $0x7FFFFFFF, v0  }
0x28: {  	v26 =	vnsel vm7, $0x7FFFFFFF, v1;
	(xrf0) =	vmax.scan.msk.u32 $0xffff, v0  }
0x29: {  	(xrf0) =	vmax.scan.msk.u32 $0xffff, v26;
	_ =	sdelay $0x4  }
0x2a: {  	v27, _, _ =	vpop (xrf0)  }
0x2b: {  	(v2sf) =	vpush v27, $0xF;
	v28, _, _ =	vpop (xrf0)  }
0x2c: {  	(v2sf) =	vpush v28, $0xF;
	_ =	sdelay $0xd  }
0x2d: {  	s30 =	spop (v2sf)  }
0x2e: {  	s31 =	spop (v2sf)  }
0x2f: {  	s9 =	sshll.u32 s31, $0x3  }
0x30: {  	s8 =	sshll.u32 s30, $0xD;
	s9 =	sand.u32 $0xFFFFFC00, s9  }
0x31: {  	s8 =	sand.u32 $0xFFFF0000, s8;
	s9 =	sadd.s32 s5, s9  }
0x32: {  	s8 =	sadd.s32 s8, s9  }
0x33: {  	[sflag:s7] =	ssyncset.done $0x0;
	s8 =	sshrl.u32 s8, $0x3  }
0x34: {  	[sflag:s7] =	ssyncadd.s32 $0xFFFFFC00;
	s8 =	sadd.s32 s1, s8  }
0x35: {  	[hbm4b:s8+s2] =	stream.linear.scatter [tilespmem:s2], [sflag:$0x1], $0x400, $0x38;
	[tilespmem:$0x600] =	vst v63  }
0x36: {  	_ =	swait.ge [sflag:s7], $0x400  }
0x37: {  	[sflag:s7] =	ssyncset.done $0x0  }
0x38: {  	[sflag:s7] =	ssyncadd.s32 $0xFFFFFC00  }
0x39: {  	v29 =	vld [tilespmem:s4+$0x400]  }
0x3a: {  	v30 =	vld [tilespmem:s4+$0x500];
	_ =	sdelay $0x2  }
0x3b: {  	s10 =	rddreg [dreg:$0x6]  }
0x3c: {  	[tilespmem:s2], [sflag:$0x1] =	stream.linear.gather [hbm4b:s10+s2], $0x400, $0x38;
	v0 =	vxor.u32 $0x80000000, v29;
	[tilespmem:$0x600] =	vst v63  }
0x3d: {  	_ =	swait.ge [sflag:s7], $0x400;
	v1 =	vxor.u32 $0x80000000, v30;
	v0 =	vnsel vm6, $0x7FFFFFFF, v0  }
0x3e: {  	v31 =	vnsel vm6, $0x7FFFFFFF, v1;
	(xrf0) =	vmax.scan.msk.u32 $0xffff, v0  }
0x3f: {  	(xrf0) =	vmax.scan.msk.u32 $0xffff, v31;
	_ =	sdelay $0x4  }
0x40: {  	v32, _, _ =	vpop (xrf0)  }
0x41: {  	(v2sf) =	vpush v32, $0xF;
	v33, _, _ =	vpop (xrf0)  }
0x42: {  	(v2sf) =	vpush v33, $0xF;
	_ =	sdelay $0xd  }
0x43: {  	s11 =	spop (v2sf)  }
0x44: {  	s12 =	spop (v2sf)  }
0x45: {  	s9 =	sshll.u32 s12, $0x3  }
0x46: {  	s8 =	sshll.u32 s11, $0xD;
	s9 =	sand.u32 $0xFFFFFC00, s9  }
0x47: {  	s8 =	sand.u32 $0xFFFF0000, s8;
	s9 =	sadd.s32 s5, s9  }
0x48: {  	s8 =	sadd.s32 s8, s9  }
0x49: {  	[sflag:s7] =	ssyncset.done $0x0;
	s8 =	sshrl.u32 s8, $0x3  }
0x4a: {  	[sflag:s7] =	ssyncadd.s32 $0xFFFFFC00;
	s8 =	sadd.s32 s1, s8  }
0x4b: {  	[hbm4b:s8+s2] =	stream.linear.scatter [tilespmem:s2], [sflag:$0x1], $0x400, $0x38;
	[tilespmem:$0x600] =	vst v63  }
0x4c: {  	_ =	swait.ge [sflag:s7], $0x400  }
0x4d: {  	[sflag:s7] =	ssyncset.done $0x0  }
0x4e: {  	[sflag:s7] =	ssyncadd.s32 $0xFFFFFC00  }
0x4f: {  	v34 =	vld [tilespmem:s4+$0x400]  }
0x50: {  	v35 =	vld [tilespmem:s4+$0x500];
	_ =	sdelay $0x2  }
0x51: {  	s13 =	rddreg [dreg:$0x7]  }
0x52: {  	[tilespmem:s2], [sflag:$0x1] =	stream.linear.gather [hbm4b:s13+s2], $0x400, $0x38;
	v0 =	vxor.u32 $0x80000000, v34;
	[tilespmem:$0x600] =	vst v63  }
0x53: {  	_ =	swait.ge [sflag:s7], $0x400;
	v1 =	vxor.u32 $0x80000000, v35;
	v0 =	vnsel vm5, $0x7FFFFFFF, v0  }
0x54: {  	v36 =	vnsel vm5, $0x7FFFFFFF, v1;
	(xrf0) =	vmax.scan.msk.u32 $0xffff, v0  }
0x55: {  	(xrf0) =	vmax.scan.msk.u32 $0xffff, v36;
	_ =	sdelay $0x4  }
0x56: {  	v37, _, _ =	vpop (xrf0)  }
0x57: {  	(v2sf) =	vpush v37, $0xF;
	v38, _, _ =	vpop (xrf0)  }
0x58: {  	(v2sf) =	vpush v38, $0xF;
	_ =	sdelay $0xd  }
0x59: {  	s14 =	spop (v2sf)  }
0x5a: {  	s15 =	spop (v2sf)  }
0x5b: {  	s9 =	sshll.u32 s15, $0x3  }
0x5c: {  	s8 =	sshll.u32 s14, $0xD;
	s9 =	sand.u32 $0xFFFFFC00, s9  }
0x5d: {  	s8 =	sand.u32 $0xFFFF0000, s8;
	s9 =	sadd.s32 s5, s9  }
0x5e: {  	s8 =	sadd.s32 s8, s9  }
0x5f: {  	[sflag:s7] =	ssyncset.done $0x0;
	s8 =	sshrl.u32 s8, $0x3  }
0x60: {  	[sflag:s7] =	ssyncadd.s32 $0xFFFFFC00;
	s8 =	sadd.s32 s1, s8  }
0x61: {  	[hbm4b:s8+s2] =	stream.linear.scatter [tilespmem:s2], [sflag:$0x1], $0x400, $0x38;
	[tilespmem:$0x600] =	vst v63  }
0x62: {  	_ =	swait.ge [sflag:s7], $0x400  }
0x63: {  	[sflag:s7] =	ssyncset.done $0x0  }
0x64: {  	[sflag:s7] =	ssyncadd.s32 $0xFFFFFC00  }
0x65: {  	v39 =	vld [tilespmem:s4+$0x400]  }
0x66: {  	v40 =	vld [tilespmem:s4+$0x500];
	_ =	sdelay $0x2  }
0x67: {  	s16 =	rddreg [dreg:$0x8]  }
0x68: {  	[tilespmem:s2], [sflag:$0x1] =	stream.linear.gather [hbm4b:s16+s2], $0x400, $0x38;
	v0 =	vxor.u32 $0x80000000, v39;
	[tilespmem:$0x600] =	vst v63  }
0x69: {  	_ =	swait.ge [sflag:s7], $0x400;
	v1 =	vxor.u32 $0x80000000, v40;
	v0 =	vnsel vm4, $0x7FFFFFFF, v0  }
0x6a: {  	v41 =	vnsel vm4, $0x7FFFFFFF, v1;
	(xrf0) =	vmax.scan.msk.u32 $0xffff, v0  }
0x6b: {  	(xrf0) =	vmax.scan.msk.u32 $0xffff, v41;
	_ =	sdelay $0x4  }
0x6c: {  	v42, _, _ =	vpop (xrf0)  }
0x6d: {  	(v2sf) =	vpush v42, $0xF;
	v43, _, _ =	vpop (xrf0)  }
0x6e: {  	(v2sf) =	vpush v43, $0xF;
	_ =	sdelay $0xd  }
0x6f: {  	s17 =	spop (v2sf)  }
0x70: {  	s18 =	spop (v2sf)  }
0x71: {  	s9 =	sshll.u32 s18, $0x3  }
0x72: {  	s8 =	sshll.u32 s17, $0xD;
	s9 =	sand.u32 $0xFFFFFC00, s9  }
0x73: {  	s8 =	sand.u32 $0xFFFF0000, s8;
	s9 =	sadd.s32 s5, s9  }
0x74: {  	s8 =	sadd.s32 s8, s9  }
0x75: {  	[sflag:s7] =	ssyncset.done $0x0;
	s8 =	sshrl.u32 s8, $0x3  }
0x76: {  	[sflag:s7] =	ssyncadd.s32 $0xFFFFFC00;
	s8 =	sadd.s32 s1, s8  }
0x77: {  	[hbm4b:s8+s2] =	stream.linear.scatter [tilespmem:s2], [sflag:$0x1], $0x400, $0x38;
	[tilespmem:$0x600] =	vst v63  }
0x78: {  	_ =	swait.ge [sflag:s7], $0x400  }
0x79: {  	[sflag:s7] =	ssyncset.done $0x0  }
0x7a: {  	[sflag:s7] =	ssyncadd.s32 $0xFFFFFC00  }
0x7b: {  	v44 =	vld [tilespmem:s4+$0x400]  }
0x7c: {  	v45 =	vld [tilespmem:s4+$0x500];
	_ =	sdelay $0x2  }
0x7d: {  	s19 =	rddreg [dreg:$0x9]  }
0x7e: {  	[tilespmem:s2], [sflag:$0x1] =	stream.linear.gather [hbm4b:s19+s2], $0x400, $0x38;
	v0 =	vxor.u32 $0x80000000, v44;
	[tilespmem:$0x600] =	vst v63  }
0x7f: {  	_ =	swait.ge [sflag:s7], $0x400;
	v1 =	vxor.u32 $0x80000000, v45;
	v0 =	vnsel vm3, $0x7FFFFFFF, v0  }
0x80: {  	v46 =	vnsel vm3, $0x7FFFFFFF, v1;
	(xrf0) =	vmax.scan.msk.u32 $0xffff, v0  }
0x81: {  	(xrf0) =	vmax.scan.msk.u32 $0xffff, v46;
	_ =	sdelay $0x4  }
0x82: {  	v47, _, _ =	vpop (xrf0)  }
0x83: {  	(v2sf) =	vpush v47, $0xF;
	v48, _, _ =	vpop (xrf0)  }
0x84: {  	(v2sf) =	vpush v48, $0xF;
	_ =	sdelay $0xd  }
0x85: {  	s20 =	spop (v2sf)  }
0x86: {  	s21 =	spop (v2sf)  }
0x87: {  	s9 =	sshll.u32 s21, $0x3  }
0x88: {  	s8 =	sshll.u32 s20, $0xD;
	s9 =	sand.u32 $0xFFFFFC00, s9  }
0x89: {  	s8 =	sand.u32 $0xFFFF0000, s8;
	s9 =	sadd.s32 s5, s9  }
0x8a: {  	s8 =	sadd.s32 s8, s9  }
0x8b: {  	[sflag:s7] =	ssyncset.done $0x0;
	s8 =	sshrl.u32 s8, $0x3  }
0x8c: {  	[sflag:s7] =	ssyncadd.s32 $0xFFFFFC00;
	s8 =	sadd.s32 s1, s8  }
0x8d: {  	[hbm4b:s8+s2] =	stream.linear.scatter [tilespmem:s2], [sflag:$0x1], $0x400, $0x38;
	[tilespmem:$0x600] =	vst v63  }
0x8e: {  	_ =	swait.ge [sflag:s7], $0x400  }
0x8f: {  	[sflag:s7] =	ssyncset.done $0x0  }
0x90: {  	[sflag:s7] =	ssyncadd.s32 $0xFFFFFC00  }
0x91: {  	v49 =	vld [tilespmem:s4+$0x400]  }
0x92: {  	v50 =	vld [tilespmem:s4+$0x500];
	_ =	sdelay $0x2  }
0x93: {  	s22 =	rddreg [dreg:$0xa]  }
0x94: {  	[tilespmem:s2], [sflag:$0x1] =	stream.linear.gather [hbm4b:s22+s2], $0x400, $0x38;
	v0 =	vxor.u32 $0x80000000, v49;
	[tilespmem:$0x600] =	vst v63  }
0x95: {  	_ =	swait.ge [sflag:s7], $0x400;
	v1 =	vxor.u32 $0x80000000, v50;
	v0 =	vnsel vm2, $0x7FFFFFFF, v0  }
0x96: {  	v51 =	vnsel vm2, $0x7FFFFFFF, v1;
	(xrf0) =	vmax.scan.msk.u32 $0xffff, v0  }
0x97: {  	(xrf0) =	vmax.scan.msk.u32 $0xffff, v51;
	_ =	sdelay $0x4  }
0x98: {  	v52, _, _ =	vpop (xrf0)  }
0x99: {  	(v2sf) =	vpush v52, $0xF;
	v53, _, _ =	vpop (xrf0)  }
0x9a: {  	(v2sf) =	vpush v53, $0xF;
	_ =	sdelay $0xd  }
0x9b: {  	s23 =	spop (v2sf)  }
0x9c: {  	s24 =	spop (v2sf)  }
0x9d: {  	s9 =	sshll.u32 s24, $0x3  }
0x9e: {  	s8 =	sshll.u32 s23, $0xD;
	s9 =	sand.u32 $0xFFFFFC00, s9  }
0x9f: {  	s8 =	sand.u32 $0xFFFF0000, s8;
	s9 =	sadd.s32 s5, s9  }
0xa0: {  	s8 =	sadd.s32 s8, s9  }
0xa1: {  	[sflag:s7] =	ssyncset.done $0x0;
	s8 =	sshrl.u32 s8, $0x3  }
0xa2: {  	[sflag:s7] =	ssyncadd.s32 $0xFFFFFC00;
	s8 =	sadd.s32 s1, s8  }
0xa3: {  	[hbm4b:s8+s2] =	stream.linear.scatter [tilespmem:s2], [sflag:$0x1], $0x400, $0x38;
	[tilespmem:$0x600] =	vst v63  }
0xa4: {  	_ =	swait.ge [sflag:s7], $0x400  }
0xa5: {  	[sflag:s7] =	ssyncset.done $0x0  }
0xa6: {  	[sflag:s7] =	ssyncadd.s32 $0xFFFFFC00  }
0xa7: {  	v54 =	vld [tilespmem:s4+$0x400]  }
0xa8: {  	v55 =	vld [tilespmem:s4+$0x500];
	_ =	sdelay $0x2  }
0xa9: {  	s25 =	rddreg [dreg:$0xb]  }
0xaa: {  	[tilespmem:s2], [sflag:$0x1] =	stream.linear.gather [hbm4b:s25+s2], $0x400, $0x38;
	v0 =	vxor.u32 $0x80000000, v54;
	[tilespmem:$0x600] =	vst v63  }
0xab: {  	_ =	swait.ge [sflag:s7], $0x400;
	v1 =	vxor.u32 $0x80000000, v55;
	v0 =	vnsel vm1, $0x7FFFFFFF, v0  }
0xac: {  	v56 =	vnsel vm1, $0x7FFFFFFF, v1;
	(xrf0) =	vmax.scan.msk.u32 $0xffff, v0  }
0xad: {  	(xrf0) =	vmax.scan.msk.u32 $0xffff, v56;
	_ =	sdelay $0x4  }
0xae: {  	v57, _, _ =	vpop (xrf0)  }
0xaf: {  	(v2sf) =	vpush v57, $0xF;
	v58, _, _ =	vpop (xrf0)  }
0xb0: {  	(v2sf) =	vpush v58, $0xF;
	_ =	sdelay $0xd  }
0xb1: {  	s26 =	spop (v2sf)  }
0xb2: {  	s28 =	spop (v2sf)  }
0xb3: {  	s9 =	sshll.u32 s28, $0x3  }
0xb4: {  	s8 =	sshll.u32 s26, $0xD;
	s9 =	sand.u32 $0xFFFFFC00, s9  }
0xb5: {  	s8 =	sand.u32 $0xFFFF0000, s8;
	s9 =	sadd.s32 s5, s9  }
0xb6: {  	s8 =	sadd.s32 s8, s9  }
0xb7: {  	[sflag:s7] =	ssyncset.done $0x0;
	s8 =	sshrl.u32 s8, $0x3  }
0xb8: {  	[sflag:s7] =	ssyncadd.s32 $0xFFFFFC00;
	s8 =	sadd.s32 s1, s8  }
0xb9: {  	[hbm4b:s8+s2] =	stream.linear.scatter [tilespmem:s2], [sflag:$0x1], $0x400, $0x38;
	[tilespmem:$0x600] =	vst v63  }
0xba: {  	_ =	swait.ge [sflag:s7], $0x400  }
0xbb: {  	[sflag:s7] =	ssyncset.done $0x0  }
0xbc: {  	[sflag:s7] =	ssyncadd.s32 $0xFFFFFC00  }
0xbd: {  	v59 =	vld [tilespmem:s4+$0x400]  }
0xbe: {  	v60 =	vld [tilespmem:s4+$0x500];
	_ =	sdelay $0x2  }
0xbf: {  	s29 =	rddreg [dreg:$0xc]  }
0xc0: {  	[tilespmem:s2], [sflag:$0x1] =	stream.linear.gather [hbm4b:s29+s2], $0x400, $0x38;
	v0 =	vxor.u32 $0x80000000, v59;
	[tilespmem:$0x600] =	vst v63  }
0xc1: {  	_ =	swait.ge [sflag:s7], $0x400;
	v1 =	vxor.u32 $0x80000000, v60;
	v0 =	vnsel vm0, $0x7FFFFFFF, v0  }
0xc2: {  	v61 =	vnsel vm0, $0x7FFFFFFF, v1;
	(xrf0) =	vmax.scan.msk.u32 $0xffff, v0  }
0xc3: {  	(xrf0) =	vmax.scan.msk.u32 $0xffff, v61;
	_ =	sdelay $0x4  }
0xc4: {  	v62, _, _ =	vpop (xrf0)  }
0xc5: {  	(v2sf) =	vpush v62, $0xF;
	v63, _, _ =	vpop (xrf0)  }
0xc6: {  	(v2sf) =	vpush v63, $0xF;
	_ =	sdelay $0xd  }
0xc7: {  	s30 =	spop (v2sf)  }
0xc8: {  	s31 =	spop (v2sf)  }
0xc9: {  	s9 =	sshll.u32 s31, $0x3  }
0xca: {  	s8 =	sshll.u32 s30, $0xD;
	s9 =	sand.u32 $0xFFFFFC00, s9  }
0xcb: {  	s8 =	sand.u32 $0xFFFF0000, s8;
	s9 =	sadd.s32 s5, s9  }
0xcc: {  	s8 =	sadd.s32 s8, s9  }
0xcd: {  	p0 =	sne.s32 s6, $0x1;
	[sflag:s7] =	ssyncset.done $0x0;
	s8 =	sshrl.u32 s8, $0x3  }
.Ltmp0:
0xce: {  	[sflag:s7] =	ssyncadd.s32 $0xFFFFFC00;
	s8 =	sadd.s32 s1, s8;
	(pc) =	sbr.rel @p0 .LBB2_1-.Ltmp0, $4  }
0xcf: {  	[hbm4b:s8+s2] =	stream.linear.scatter [tilespmem:s2], [sflag:$0x1], $0x400, $0x38;
	[tilespmem:$0x600] =	vst v63  }
0xd0: {  	_ =	swait.ge [sflag:s7], $0x400  }
0xd1: {  	[sflag:s7] =	ssyncset.done $0x0  }
0xd2: {  	s6 =	sadd.s32 $0xFFFFFFFF, s6;
	[sflag:s7] =	ssyncadd.s32 $0xFFFFFC00  }
0xd3: {  	_ =	sfence.sel $0x180000  }
0xd4: {  	[bflag:$0x0] =	sbarrier.arrive $0xFFFF  }
0xd5: {  	p0 =	sne.s32 s3, $0x0;
	_ =	strace $0x9000004A  }
0xd6: {  	s0 =	sadd.s32 @!p0 $0x100000, s0;
	[bflag:$0x2] =	sbarrier.arrive $0xFFFF  }
0xd7: {  	[sflag:s0] =	ssyncadd.tile.s32 @!p0 $0x1;
	_ =	shalt  }
.Lfunc_end2:
_tile_overlayer_lowered:
.L_overlay_start_2:
0xd8: {  	(tag) =	ssettag $0x2  }
0xd9: {  	s0 =	rddreg [dreg:$0x0];
	s2 =	stileid.u32  }
0xda: {  	s1 =	rddreg [dreg:$0x1];
	p0 =	sne.s32 s2, $0x0  }
0xdb: {  	s3 =	rddreg [dreg:$0x2];
	[bflag:$0x3] =	sbarrier.arrive $0xFFFF;
	s2 =	simm.s32 @!p0 $0x1C01  }
0xdc: {  	[timem:s3], [sflag:s2] =	dma.local @!p0 [hbm:s0], s1  }
0xdd: {  	s0 =	simm.s32 @!p0 $0x1  }
0xde: {  	_ =	swait.ge @!p0 [sflag:s0], s1  }
0xdf: {  	s1 =	ssub.s32 @!p0 $0x0, s1;
	[sflag:s0] =	ssyncset.done @!p0 $0x0  }
0xe0: {  	[sflag:s0] =	ssyncadd.s32 @!p0 s1  }
0xe1: {  	[bflag:$0x3] =	sbarrier.arrive $0xFFFF  }
0xe2: {  	_ =	shalt  }

// kernel: kernel.7.cloned.1.call-start
scs
__scs_entry_jumppad:
0x0: {  	(pc) =	sbr.rel $0x88, $3  }
0x1: {  	(tag) =	ssettag $0x0;
	lr =	simm.s32 $0x1  }
0x2: {  	[smem:$0x3F9C] =	sst lr;
	_ =	strace $0xD0000000  }
0x3: {  	_ = 	snop  }
0x4: {  	_ = 	snop  }
0x5: {  	_ = 	snop  }
0x6: {  	_ = 	snop  }
0x7: {  	_ = 	snop  }
__scs_overlays_trampoline_lowered:
0x8: {  	[smem:$0x3FAB] =	sst s0  }
0x9: {  	[smem:$0x3FAC] =	sst s1  }
0xa: {  	[smem:$0x3FAD] =	sst s2  }
0xb: {  	[smem:$0x3FAE] =	sst s3  }
0xc: {  	[smem:$0x3FAF] =	sst s4  }
0xd: {  	[smem:$0x3FB0] =	sst s5  }
0xe: {  	[smem:$0x3FB1] =	sst s6  }
0xf: {  	[smem:$0x3FB2] =	sst s7  }
0x10: {  	[smem:$0x3FB3] =	sst s8  }
0x11: {  	[smem:$0x3FB4] =	sst s9;
	s0 =	simm.s32 @!p0 $0x0  }
0x12: {  	s1 =	sld [smem:$0x3F9A];
	s0 =	simm.s32 @p0 $0x1  }
0x13: {  	[smem:$0x3FB5] =	sst s0;
	s0 =	simm.s32 @!p1 $0x0  }
0x14: {  	s2 =	sld [smem:$0x3F99];
	s0 =	simm.s32 @p1 $0x1  }
0x15: {  	[smem:$0x3FB6] =	sst s0;
	s0 =	simm.s32 @!p2 $0x0  }
0x16: {  	s3 =	sld [smem:$0x3FDB];
	s0 =	simm.s32 @p2 $0x1  }
0x17: {  	s4 =	simm.s32 $0x1BF5;
	[smem:$0x3FB8] =	sst s0  }
0x18: {  	s0 =	sld [smem:$0x3F9B];
	_ =	swait.ge [sflag:s4], $0x0  }
0x19: {  	s7 =	sld [smem:$0x3F9C]  }
0x1a: {  	s8 =	sadd.s32 $0xFFFFE003, lr  }
0x1b: {  	s9 =	sadd.s32 $0xFFFFFEF7, lr;
	s5 =	simm.s32 $0xFFFFFFFF;
	p2 =	slt.u32 s8, $0xFFFFF086  }
0x1c: {  	p1 =	slt.u32 s9, $0xF7A;
	s5 =	simm.s32 @!p2 $0x0  }
0x1d: {  	s5 =	simm.s32 @p1 $0x1;
	p0 =	seq.s32 s7, s2  }
0x1e: {  	s7 =	smul.u32 @!p0 $0xF7A, s2;
	p2 =	seq.s32 @!p0 s5, $0x0  }
0x1f: {  	s9 =	smul.u32 $0xF7A, s1;
	s8 =	simm.s32 @!p0 $0x1BF5;
	p2 =	por !p2, p0  }
0x20: {  	[sflag:s8] =	ssyncset.s32 @!p0 $0xFFFFF086;
	s6 =	sadd.s32 @!p0 s3, s7;
	s7 =	simm.s32 @!p0 $0x108  }
0x21: {  	s3 =	sadd.s32 s3, s9;
	s6 =	sadd.s32 @!p0 $0x88, s6;
	s7 =	simm.s32 @p2 $0x1082  }
0x22: {  	[simem:s7], [sflag:s8] =	dma.local @!p0 [hbm:s6], $0xF7A  }
0x23: {  	s9 =	sor.u32 $0xD0000000, s2;
	s6 =	simm.s32 $0x108;
	_ =	swait.ge @!p0 [sflag:s8], $0x0  }
0x24: {  	s3 =	sadd.s32 $0x88, s3;
	s6 =	simm.s32 @!p1 $0x1082;
	[sflag:s4] =	ssyncset.s32 $0xFFFFF086  }
0x25: {  	[simem:s6], [sflag:s4] =	dma.local [hbm:s3], $0xF7A  }
0x26: {  	[smem:$0x3F9C] =	sst s1;
	(tag) =	ssettag s2;
	_ =	strace s9  }
0x27: {  	s1 =	sld [smem:$0x3FAC]  }
0x28: {  	s2 =	sld [smem:$0x3FAD]  }
0x29: {  	s4 =	sld [smem:$0x3FAF]  }
0x2a: {  	p0 =	seq.s32 s5, $0x0;
	s5 =	sld [smem:$0x3FB0]  }
0x2b: {  	s6 =	sld [smem:$0x3FB1]  }
0x2c: {  	s7 =	sld [smem:$0x3FB2]  }
0x2d: {  	s3 =	simm.s32 $0x108;
	s8 =	sld [smem:$0x3FB3]  }
0x2e: {  	s3 =	simm.s32 @!p0 $0x1082;
	s9 =	sld [smem:$0x3FB4]  }
0x2f: {  	lr =	sadd.s32 s0, s3;
	s0 =	sld [smem:$0x3FAB]  }
0x30: {  	s3 =	sld [smem:$0x3FAE]  }
0x31: {  	[smem:$0x3FB7] =	sst s10  }
0x32: {  	s10 =	sld [smem:$0x3FB5];
	_ =	sdelay $0x3  }
0x33: {  	p0 =	seq.s32 s10, $0x1;
	s10 =	sld [smem:$0x3FB7];
	_ =	sdelay $0x3  }
0x34: {  	[smem:$0x3FB7] =	sst s10  }
0x35: {  	s10 =	sld [smem:$0x3FB6];
	_ =	sdelay $0x3  }
0x36: {  	p1 =	seq.s32 s10, $0x1;
	s10 =	sld [smem:$0x3FB7];
	_ =	sdelay $0x3  }
0x37: {  	[smem:$0x3FB7] =	sst s10  }
0x38: {  	s10 =	sld [smem:$0x3FB8]  }
0x39: {  	_ = 	snop;
	(pc) =	sbr.ind lr, $3  }
0x3a: {  	_ = 	snop  }
0x3b: {  	_ = 	snop  }
0x3c: {  	p2 =	seq.s32 s10, $0x1;
	s10 =	sld [smem:$0x3FB7]  }
0x3d: {  	_ =	shalt  }
0x3e: {  	_ =	shalt  }
0x3f: {  	_ =	shalt  }
0x40: {  	_ =	shalt  }
0x41: {  	_ =	shalt  }
0x42: {  	_ =	shalt  }
0x43: {  	_ =	shalt  }
0x44: {  	_ =	shalt  }
0x45: {  	_ =	shalt  }
0x46: {  	_ =	shalt  }
0x47: {  	_ =	shalt  }
0x48: {  	_ =	shalt  }
0x49: {  	_ =	shalt  }
0x4a: {  	_ =	shalt  }
0x4b: {  	_ =	shalt  }
0x4c: {  	_ =	shalt  }
0x4d: {  	_ =	shalt  }
0x4e: {  	_ =	shalt  }
0x4f: {  	_ =	shalt  }
0x50: {  	_ =	shalt  }
0x51: {  	_ =	shalt  }
0x52: {  	_ =	shalt  }
0x53: {  	_ =	shalt  }
0x54: {  	_ =	shalt  }
0x55: {  	_ =	shalt  }
0x56: {  	_ =	shalt  }
0x57: {  	_ =	shalt  }
0x58: {  	_ =	shalt  }
0x59: {  	_ =	shalt  }
0x5a: {  	_ =	shalt  }
0x5b: {  	_ =	shalt  }
0x5c: {  	_ =	shalt  }
0x5d: {  	_ =	shalt  }
0x5e: {  	_ =	shalt  }
0x5f: {  	_ =	shalt  }
0x60: {  	_ =	shalt  }
0x61: {  	_ =	shalt  }
0x62: {  	_ =	shalt  }
0x63: {  	_ =	shalt  }
0x64: {  	_ =	shalt  }
0x65: {  	_ =	shalt  }
0x66: {  	_ =	shalt  }
0x67: {  	_ =	shalt  }
0x68: {  	_ =	shalt  }
0x69: {  	_ =	shalt  }
0x6a: {  	_ =	shalt  }
0x6b: {  	_ =	shalt  }
0x6c: {  	_ =	shalt  }
0x6d: {  	_ =	shalt  }
0x6e: {  	_ =	shalt  }
0x6f: {  	_ =	shalt  }
0x70: {  	_ =	shalt  }
0x71: {  	_ =	shalt  }
0x72: {  	_ =	shalt  }
0x73: {  	_ =	shalt  }
0x74: {  	_ =	shalt  }
0x75: {  	_ =	shalt  }
0x76: {  	_ =	shalt  }
0x77: {  	_ =	shalt  }
0x78: {  	_ =	shalt  }
0x79: {  	_ =	shalt  }
0x7a: {  	_ =	shalt  }
0x7b: {  	_ =	shalt  }
0x7c: {  	_ =	shalt  }
0x7d: {  	_ =	shalt  }
0x7e: {  	_ =	shalt  }
0x7f: {  	_ =	shalt  }
0x80: {  	_ =	shalt  }
0x81: {  	_ =	shalt  }
0x82: {  	_ =	shalt  }
0x83: {  	_ =	shalt  }
0x84: {  	_ =	shalt  }
0x85: {  	_ =	shalt  }
0x86: {  	_ =	shalt  }
0x87: {  	_ =	shalt  }
.Lfunc_end0:
.L_simem_size_0:
called_computation_lowered:
.L_overlay_start_0:
0x88: {  	s2 =	sld [smem:$0x3FD9]  }
0x89: {  	s3 =	sld [smem:$0x3FFE];
	_ =	sdelay $0x1  }
0x8a: {  	s1 =	srdreg.scid  }
0x8b: {  	s0 =	sand.u32 $0x1, s1  }
0x8c: {  	s15 =	sshll.u32 s0, $0xA;
	s2 =	sadd.s32 s3, s2  }
0x8d: {  	s2 =	sadd.s32 s2, s15  }
0x8e: {  	[smem:$0x3FC3] =	sst s2  }
0x8f: {  	_ = 	snop  }
0x90: {  	s2 =	sld [smem:$0x3FD0];
	_ =	sdelay $0x2  }
0x91: {  	s16 =	simm.s32 $0xA;
	s4 =	simm.s32 $0x10  }
0x92: {  	[smem:s4], [sflag:s16] =	dma.local [hbm:s2], $0x1  }
0x93: {  	_ =	swait.eq [sflag:s16], $0x1  }
0x94: {  	[sflag:s16] =	ssyncset.done $0x0  }
0x95: {  	[sflag:s16] =	ssyncadd.s32 $0xFFFFFFFF  }
0x96: {  	s17 =	sld [smem:$0x11];
	(tm) =	ssettm $0x1  }
0x97: {  	s18 =	sld [smem:$0x3FFB];
	_ =	sdelay $0x3  }
0x98: {  	_ =	strace s18  }
0x99: {  	s3 =	sld [smem:$0x3FFC];
	_ =	sdelay $0x3  }
0x9a: {  	_ =	strace s3  }
0x9b: {  	s3 =	sld [smem:$0x3FFD];
	_ =	sdelay $0x3  }
0x9c: {  	_ =	strace s3  }
0x9d: {  	_ =	strace $0x8FFFFFFF  }
0x9e: {  	s19 =	sld [smem:$0x3FDB];
	_ =	sdelay $0x1  }
0x9f: {  	s20 =	simm.s32 $_scs_section_size  }
0xa0: {  	s5 =	simm.s32 $_size__tile_overlayer_lowered;
	s6 =	simm.s32 $_tile_overlayer_lowered  }
0xa1: {  	s23 =	simm.s32 $0x1BFF;
	s22 =	sshll.u32 s6, $0x1;
	s3 =	sadd.s32 s20, s19  }
0xa2: {  	s7 =	simm.s32 $0x0;
	s21 =	sshll.u32 s5, $0x1;
	s5 =	sadd.s32 s22, s3  }
0xa3: {  	[timem:s7], [sflag:s23] =	dma.local [hbm:s5], s21  }
0xa4: {  	_ =	swait.ge [sflag:s23], s21  }
0xa5: {  	s4 =	ssub.s32 $0x0, s21;
	[sflag:s23] =	ssyncset.done $0x0  }
0xa6: {  	[sflag:s23] =	ssyncadd.s32 s4;
	_ =	sdelay $0x1  }
0xa7: {  	s24 =	simm.s32 $0x1B8B  }
0xa8: {  	_ =	swait.ge [sflag:s24], $0x1  }
0xa9: {  	[sflag:s24] =	ssyncset.done $0x0  }
0xaa: {  	s25 =	simm.s32 $0x1B8E;
	[sflag:s24] =	ssyncadd.s32 $0xFFFFFFFF  }
0xab: {  	s26 =	simm.s32 $execute0_lowered;
	[smem:$0x3FD2] =	sst s25  }
0xac: {  	s4 =	sshll.u32 s26, $0x1;
	_ =	strace $0x80000046;
	[dreg:$0x1] =	wrdreg $0xFFFFFFFF  }
0xad: {  	s28 =	simm.s32 $_size_execute0_lowered;
	s3 =	sadd.s32 s3, s4;
	[dreg:$0x0] =	wrdreg $0x0  }
0xae: {  	s4 =	sshll.u32 s28, $0x1;
	[dreg:$0x2] =	wrdreg s3  }
0xaf: {  	[dreg:$0x3] =	wrdreg s4  }
0xb0: {  	[dreg:$0x4] =	wrdreg $0xC0  }
0xb1: {  	_ =	task [dreg:s7], $0x5FFFF  }
0xb2: {  	[dreg:$0x1] =	wrdreg $0xFFFFFFFF  }
0xb3: {  	[dreg:$0x0] =	wrdreg $0x60  }
0xb4: {  	[dreg:$0x2] =	wrdreg s17  }
0xb5: {  	[dreg:$0x3] =	wrdreg $0x9  }
0xb6: {  	_ =	task.clear_ibuf [dreg:s7], $0x4FFFF;
	_ =	strace $0x90000046  }
0xb7: {  	s29 =	simm.s32 $0x9;
	_ =	strace $0x80000048  }
0xb8: {  	_ =	swait.ge [sflag:s29], $0x1  }
0xb9: {  	[sflag:s29] =	ssyncadd.s32 $0xFFFFFFFF  }
0xba: {  	_ =	strace $0x90000048  }
0xbb: {  	_ =	sfence  }
0xbc: {  	s30 =	sld [smem:$0x0];
	_ =	sdelay $0x2  }
0xbd: {  	s31 =	sshll.u32 s1, $0xD;
	s1 =	sshrl.u32 s1, $0x2  }
0xbe: {  	s3 =	sand.u32 $0x4000, s31;
	s1 =	sadd.s32 s1, s30  }
0xbf: {  	s0 =	sor.u32 s3, s0;
	s1 =	sshll.u32 s1, $0x11  }
0xc0: {  	s0 =	sor.u32 s1, s0  }
0xc1: {  	s0 =	sadd.s32 $0x8F2B, s0  }
0xc2: {  	[sflag:s0] =	ssyncadd.remote.s32 $0x1  }
0xc3: {  	_ =	sfence.sel $0xFFFF  }
0xc4: {  	[dreg:$0x0] =	wrdreg $0xFFFFFFFF;
	(pc) =	sbr.abs _section_cstart, $3  }
0xc5: {  	[dreg:$0x1] =	wrdreg $0xFFFFFFFF  }
0xc6: {  	_ =	task.clear_ibuf [dreg:s7], $0x2FFFF;
	_ =	strace $0x9FFFFFFF  }
0xc7: {  	(tm) =	ssettm $0x7FFFFFFF  }
tec
execute0_lowered:
.L_overlay_start_1:
0x0: {  	(tag) =	ssettag $0x1  }
0x1: {  	s2 =	stileid.u32  }
0x2: {  	s0 =	srdreg.scid;
	s1 =	sshll.u32 s2, $0x1  }
0x3: {  	s0 =	sand.u32 $0x1, s0;
	s1 =	sand.u32 $0x6, s1  }
0x4: {  	s2 =	sshll.u32 s2, $0x13;
	s1 =	sor.u32 s0, s1  }
0x5: {  	s4 =	sand.u32 $0x600000, s2;
	s1 =	sshll.u32 s1, $0x12  }
0x6: {  	s3 =	rddreg [dreg:$0x0];
	s7 =	simm.s32 $0x1;
	s1 =	sor.u32 s4, s1  }
0x7: {  	s8 =	simm.s32 $0x0;
	s2 =	simm.s32 $0x0;
	s3 =	sadd.s32 s3, s1  }
0x8: {  	s0 =	ssub.s32 $0x2, s0;
	[smem:$0x7FF] =	sst s2;
	s1 =	sadd.s32 $0x2000, s3  }
0x9: {  	_ =	strace $0x80000047;
	s17 =	sadd.s32 $0x4000, s3;
	[dreg:$0x2] =	wrdreg s1  }
0xa: {  	s16 =	sshrl.u32 s0, $0x1;
	s18 =	sadd.s32 $0x6000, s3;
	[dreg:$0x3] =	wrdreg s17  }
0xb: {  	s0 =	ssub.s32 s0, s16;
	s19 =	sadd.s32 $0x8000, s3;
	[dreg:$0x4] =	wrdreg s18  }
0xc: {  	s20 =	sadd.s32 $0xA000, s3;
	s21 =	sadd.s32 $0xC000, s3;
	[dreg:$0x5] =	wrdreg s19  }
0xd: {  	s22 =	sadd.s32 $0xE000, s3;
	s23 =	sadd.s32 $0x10000, s3;
	[dreg:$0x6] =	wrdreg s20  }
0xe: {  	s24 =	sadd.s32 $0x12000, s3;
	s25 =	sadd.s32 $0x14000, s3;
	[dreg:$0x7] =	wrdreg s21  }
0xf: {  	s26 =	sadd.s32 $0x16000, s3;
	s15 =	sadd.s32 $0x18000, s3;
	[dreg:$0x8] =	wrdreg s22  }
0x10: {  	s16 =	sadd.s32 $0x1A000, s3;
	s28 =	sadd.s32 $0x2E000, s3;
	[dreg:$0x9] =	wrdreg s23  }
0x11: {  	s29 =	sadd.s32 $0x30000, s3;
	s30 =	sadd.s32 $0x32000, s3;
	[dreg:$0xa] =	wrdreg s24  }
0x12: {  	s31 =	sadd.s32 $0x34000, s3;
	s4 =	sadd.s32 $0x3A000, s3;
	[dreg:$0xb] =	wrdreg s25  }
0x13: {  	s5 =	sadd.s32 $0x3C000, s3;
	s6 =	sadd.s32 $0x3E000, s3;
	[dreg:$0xc] =	wrdreg s26  }
0x14: {  	s17 =	sadd.s32 $0x1C000, s3;
	s18 =	sadd.s32 $0x1E000, s3;
	s19 =	sadd.s32 $0x20000, s3  }
0x15: {  	s20 =	sadd.s32 $0x22000, s3;
	s21 =	sadd.s32 $0x24000, s3;
	s22 =	sadd.s32 $0x26000, s3  }
0x16: {  	s23 =	sadd.s32 $0x28000, s3;
	s24 =	sadd.s32 $0x2A000, s3;
	s25 =	smax.u32 s0, $0x1  }
0x17: {  	v0 =	vimm.f32 $0.0e+00;
	s26 =	sadd.s32 $0x2C000, s3;
	s1 =	sadd.s32 $0x36000, s3;
	s0 =	sadd.s32 $0x38000, s3  }
.LBB2_1:
0x18: {  	s9 =	simm.s32 $0x0  }
0x19: {  	s10 =	sand.u32 $0xFC00, s2;
	s9 =	sand.u32 $0x380, s9  }
0x1a: {  	s11 =	sand.u32 $0x70, s2;
	s9 =	sor.u32 s9, s10  }
0x1b: {  	s10 =	sor.u32 s11, s9  }
0x1c: {  	s9 =	simm.s32 $0x1;
	s11 =	simm.s32 $0x0;
	[tilespmem:s10+$0x0] =	vst v0;
	s10 =	simm.s32 $0x80  }
.LBB2_2:
0x1d: {  	s12 =	sshrl.u32 s9, $0x2  }
0x1e: {  	p0 =	sne.s32 s9, $0xFFF;
	s9 =	sadd.s32 $0x1, s9;
	s13 =	sand.u32 $0xFC00, s10  }
.Ltmp0:
0x1f: {  	s11 =	sadd.s32 $0x10, s11;
	s12 =	sand.u32 $0x380, s12;
	(pc) =	sbr.rel @p0 .LBB2_2-.Ltmp0, $4  }
0x20: {  	s14 =	sand.u32 $0x70, s11;
	s12 =	sor.u32 s12, s13  }
0x21: {  	s12 =	sor.u32 s14, s12  }
0x22: {  	[tilespmem:s12+$0x0] =	vst v0  }
0x23: {  	s10 =	sadd.s32 $0x80, s10  }
0x24: {  	[hbm4b:s3+s2] =	stream.linear.scatter [tilespmem:s2], [sflag:$0x1], $0x10000, $0x38;
	[tilespmem:$0x10000] =	vst v63  }
0x25: {  	_ =	swait.ge [sflag:s7], $0x10000  }
0x26: {  	[sflag:s7] =	ssyncset.done $0x0  }
0x27: {  	s9 =	rddreg [dreg:$0x2];
	[sflag:s7] =	ssyncadd.s32 $0xFFFF0000  }
0x28: {  	[hbm4b:s9+s2] =	stream.linear.scatter [tilespmem:s2], [sflag:$0x1], $0x10000, $0x38;
	[tilespmem:$0x10000] =	vst v63  }
0x29: {  	_ =	swait.ge [sflag:s7], $0x10000  }
0x2a: {  	[sflag:s7] =	ssyncset.done $0x0  }
0x2b: {  	s10 =	rddreg [dreg:$0x3];
	[sflag:s7] =	ssyncadd.s32 $0xFFFF0000  }
0x2c: {  	[hbm4b:s10+s2] =	stream.linear.scatter [tilespmem:s2], [sflag:$0x1], $0x10000, $0x38;
	[tilespmem:$0x10000] =	vst v63  }
0x2d: {  	_ =	swait.ge [sflag:s7], $0x10000  }
0x2e: {  	[sflag:s7] =	ssyncset.done $0x0  }
0x2f: {  	s11 =	rddreg [dreg:$0x4];
	[sflag:s7] =	ssyncadd.s32 $0xFFFF0000  }
0x30: {  	[hbm4b:s11+s2] =	stream.linear.scatter [tilespmem:s2], [sflag:$0x1], $0x10000, $0x38;
	[tilespmem:$0x10000] =	vst v63  }
0x31: {  	_ =	swait.ge [sflag:s7], $0x10000  }
0x32: {  	[sflag:s7] =	ssyncset.done $0x0  }
0x33: {  	s12 =	rddreg [dreg:$0x5];
	[sflag:s7] =	ssyncadd.s32 $0xFFFF0000  }
0x34: {  	[hbm4b:s12+s2] =	stream.linear.scatter [tilespmem:s2], [sflag:$0x1], $0x10000, $0x38;
	[tilespmem:$0x10000] =	vst v63  }
0x35: {  	_ =	swait.ge [sflag:s7], $0x10000  }
0x36: {  	[sflag:s7] =	ssyncset.done $0x0  }
0x37: {  	s13 =	rddreg [dreg:$0x6];
	[sflag:s7] =	ssyncadd.s32 $0xFFFF0000  }
0x38: {  	[hbm4b:s13+s2] =	stream.linear.scatter [tilespmem:s2], [sflag:$0x1], $0x10000, $0x38;
	[tilespmem:$0x10000] =	vst v63  }
0x39: {  	_ =	swait.ge [sflag:s7], $0x10000  }
0x3a: {  	[sflag:s7] =	ssyncset.done $0x0  }
0x3b: {  	s14 =	rddreg [dreg:$0x7];
	[sflag:s7] =	ssyncadd.s32 $0xFFFF0000  }
0x3c: {  	[hbm4b:s14+s2] =	stream.linear.scatter [tilespmem:s2], [sflag:$0x1], $0x10000, $0x38;
	[tilespmem:$0x10000] =	vst v63  }
0x3d: {  	_ =	swait.ge [sflag:s7], $0x10000  }
0x3e: {  	[sflag:s7] =	ssyncset.done $0x0  }
0x3f: {  	s10 =	rddreg [dreg:$0x8];
	[sflag:s7] =	ssyncadd.s32 $0xFFFF0000  }
0x40: {  	[hbm4b:s10+s2] =	stream.linear.scatter [tilespmem:s2], [sflag:$0x1], $0x10000, $0x38;
	[tilespmem:$0x10000] =	vst v63  }
0x41: {  	_ =	swait.ge [sflag:s7], $0x10000  }
0x42: {  	[sflag:s7] =	ssyncset.done $0x0  }
0x43: {  	s11 =	rddreg [dreg:$0x9];
	[sflag:s7] =	ssyncadd.s32 $0xFFFF0000  }
0x44: {  	[hbm4b:s11+s2] =	stream.linear.scatter [tilespmem:s2], [sflag:$0x1], $0x10000, $0x38;
	[tilespmem:$0x10000] =	vst v63  }
0x45: {  	_ =	swait.ge [sflag:s7], $0x10000  }
0x46: {  	[sflag:s7] =	ssyncset.done $0x0  }
0x47: {  	s12 =	rddreg [dreg:$0xa];
	[sflag:s7] =	ssyncadd.s32 $0xFFFF0000  }
0x48: {  	[hbm4b:s12+s2] =	stream.linear.scatter [tilespmem:s2], [sflag:$0x1], $0x10000, $0x38;
	[tilespmem:$0x10000] =	vst v63  }
0x49: {  	_ =	swait.ge [sflag:s7], $0x10000  }
0x4a: {  	[sflag:s7] =	ssyncset.done $0x0  }
0x4b: {  	s13 =	rddreg [dreg:$0xb];
	[sflag:s7] =	ssyncadd.s32 $0xFFFF0000  }
0x4c: {  	[hbm4b:s13+s2] =	stream.linear.scatter [tilespmem:s2], [sflag:$0x1], $0x10000, $0x38;
	[tilespmem:$0x10000] =	vst v63  }
0x4d: {  	_ =	swait.ge [sflag:s7], $0x10000  }
0x4e: {  	[sflag:s7] =	ssyncset.done $0x0  }
0x4f: {  	s14 =	rddreg [dreg:$0xc];
	[sflag:s7] =	ssyncadd.s32 $0xFFFF0000  }
0x50: {  	[hbm4b:s14+s2] =	stream.linear.scatter [tilespmem:s2], [sflag:$0x1], $0x10000, $0x38;
	[tilespmem:$0x10000] =	vst v63  }
0x51: {  	_ =	swait.ge [sflag:s7], $0x10000  }
0x52: {  	[sflag:s7] =	ssyncset.done $0x0  }
0x53: {  	[sflag:s7] =	ssyncadd.s32 $0xFFFF0000  }
0x54: {  	[hbm4b:s15+s2] =	stream.linear.scatter [tilespmem:s2], [sflag:$0x1], $0x10000, $0x38;
	[tilespmem:$0x10000] =	vst v63  }
0x55: {  	_ =	swait.ge [sflag:s7], $0x10000  }
0x56: {  	[sflag:s7] =	ssyncset.done $0x0  }
0x57: {  	[sflag:s7] =	ssyncadd.s32 $0xFFFF0000  }
0x58: {  	[hbm4b:s16+s2] =	stream.linear.scatter [tilespmem:s2], [sflag:$0x1], $0x10000, $0x38;
	[tilespmem:$0x10000] =	vst v63  }
0x59: {  	_ =	swait.ge [sflag:s7], $0x10000  }
0x5a: {  	[sflag:s7] =	ssyncset.done $0x0  }
0x5b: {  	[sflag:s7] =	ssyncadd.s32 $0xFFFF0000  }
0x5c: {  	[hbm4b:s17+s2] =	stream.linear.scatter [tilespmem:s2], [sflag:$0x1], $0x10000, $0x38;
	[tilespmem:$0x10000] =	vst v63  }
0x5d: {  	_ =	swait.ge [sflag:s7], $0x10000  }
0x5e: {  	[sflag:s7] =	ssyncset.done $0x0  }
0x5f: {  	[sflag:s7] =	ssyncadd.s32 $0xFFFF0000  }
0x60: {  	[hbm4b:s18+s2] =	stream.linear.scatter [tilespmem:s2], [sflag:$0x1], $0x10000, $0x38;
	[tilespmem:$0x10000] =	vst v63  }
0x61: {  	_ =	swait.ge [sflag:s7], $0x10000  }
0x62: {  	[sflag:s7] =	ssyncset.done $0x0  }
0x63: {  	[sflag:s7] =	ssyncadd.s32 $0xFFFF0000  }
0x64: {  	[hbm4b:s19+s2] =	stream.linear.scatter [tilespmem:s2], [sflag:$0x1], $0x10000, $0x38;
	[tilespmem:$0x10000] =	vst v63  }
0x65: {  	_ =	swait.ge [sflag:s7], $0x10000  }
0x66: {  	[sflag:s7] =	ssyncset.done $0x0  }
0x67: {  	[sflag:s7] =	ssyncadd.s32 $0xFFFF0000  }
0x68: {  	[hbm4b:s20+s2] =	stream.linear.scatter [tilespmem:s2], [sflag:$0x1], $0x10000, $0x38;
	[tilespmem:$0x10000] =	vst v63  }
0x69: {  	_ =	swait.ge [sflag:s7], $0x10000  }
0x6a: {  	[sflag:s7] =	ssyncset.done $0x0  }
0x6b: {  	[sflag:s7] =	ssyncadd.s32 $0xFFFF0000  }
0x6c: {  	[hbm4b:s21+s2] =	stream.linear.scatter [tilespmem:s2], [sflag:$0x1], $0x10000, $0x38;
	[tilespmem:$0x10000] =	vst v63  }
0x6d: {  	_ =	swait.ge [sflag:s7], $0x10000  }
0x6e: {  	[sflag:s7] =	ssyncset.done $0x0  }
0x6f: {  	[sflag:s7] =	ssyncadd.s32 $0xFFFF0000  }
0x70: {  	[hbm4b:s22+s2] =	stream.linear.scatter [tilespmem:s2], [sflag:$0x1], $0x10000, $0x38;
	[tilespmem:$0x10000] =	vst v63  }
0x71: {  	_ =	swait.ge [sflag:s7], $0x10000  }
0x72: {  	[sflag:s7] =	ssyncset.done $0x0  }
0x73: {  	[sflag:s7] =	ssyncadd.s32 $0xFFFF0000  }
0x74: {  	[hbm4b:s23+s2] =	stream.linear.scatter [tilespmem:s2], [sflag:$0x1], $0x10000, $0x38;
	[tilespmem:$0x10000] =	vst v63  }
0x75: {  	_ =	swait.ge [sflag:s7], $0x10000  }
0x76: {  	[sflag:s7] =	ssyncset.done $0x0  }
0x77: {  	[sflag:s7] =	ssyncadd.s32 $0xFFFF0000  }
0x78: {  	[hbm4b:s24+s2] =	stream.linear.scatter [tilespmem:s2], [sflag:$0x1], $0x10000, $0x38;
	[tilespmem:$0x10000] =	vst v63  }
0x79: {  	_ =	swait.ge [sflag:s7], $0x10000  }
0x7a: {  	[sflag:s7] =	ssyncset.done $0x0  }
0x7b: {  	[sflag:s7] =	ssyncadd.s32 $0xFFFF0000  }
0x7c: {  	[hbm4b:s26+s2] =	stream.linear.scatter [tilespmem:s2], [sflag:$0x1], $0x10000, $0x38;
	[tilespmem:$0x10000] =	vst v63  }
0x7d: {  	_ =	swait.ge [sflag:s7], $0x10000  }
0x7e: {  	[sflag:s7] =	ssyncset.done $0x0  }
0x7f: {  	[sflag:s7] =	ssyncadd.s32 $0xFFFF0000  }
0x80: {  	[hbm4b:s28+s2] =	stream.linear.scatter [tilespmem:s2], [sflag:$0x1], $0x10000, $0x38;
	[tilespmem:$0x10000] =	vst v63  }
0x81: {  	_ =	swait.ge [sflag:s7], $0x10000  }
0x82: {  	[sflag:s7] =	ssyncset.done $0x0  }
0x83: {  	[sflag:s7] =	ssyncadd.s32 $0xFFFF0000  }
0x84: {  	[hbm4b:s29+s2] =	stream.linear.scatter [tilespmem:s2], [sflag:$0x1], $0x10000, $0x38;
	[tilespmem:$0x10000] =	vst v63  }
0x85: {  	_ =	swait.ge [sflag:s7], $0x10000  }
0x86: {  	[sflag:s7] =	ssyncset.done $0x0  }
0x87: {  	[sflag:s7] =	ssyncadd.s32 $0xFFFF0000  }
0x88: {  	[hbm4b:s30+s2] =	stream.linear.scatter [tilespmem:s2], [sflag:$0x1], $0x10000, $0x38;
	[tilespmem:$0x10000] =	vst v63  }
0x89: {  	_ =	swait.ge [sflag:s7], $0x10000  }
0x8a: {  	[sflag:s7] =	ssyncset.done $0x0  }
0x8b: {  	[sflag:s7] =	ssyncadd.s32 $0xFFFF0000  }
0x8c: {  	[hbm4b:s31+s2] =	stream.linear.scatter [tilespmem:s2], [sflag:$0x1], $0x10000, $0x38;
	[tilespmem:$0x10000] =	vst v63  }
0x8d: {  	_ =	swait.ge [sflag:s7], $0x10000  }
0x8e: {  	[sflag:s7] =	ssyncset.done $0x0  }
0x8f: {  	[sflag:s7] =	ssyncadd.s32 $0xFFFF0000  }
0x90: {  	[hbm4b:s1+s2] =	stream.linear.scatter [tilespmem:s2], [sflag:$0x1], $0x10000, $0x38;
	[tilespmem:$0x10000] =	vst v63  }
0x91: {  	_ =	swait.ge [sflag:s7], $0x10000  }
0x92: {  	[sflag:s7] =	ssyncset.done $0x0  }
0x93: {  	[sflag:s7] =	ssyncadd.s32 $0xFFFF0000  }
0x94: {  	[hbm4b:s0+s2] =	stream.linear.scatter [tilespmem:s2], [sflag:$0x1], $0x10000, $0x38;
	[tilespmem:$0x10000] =	vst v63  }
0x95: {  	_ =	swait.ge [sflag:s7], $0x10000  }
0x96: {  	[sflag:s7] =	ssyncset.done $0x0  }
0x97: {  	[sflag:s7] =	ssyncadd.s32 $0xFFFF0000  }
0x98: {  	[hbm4b:s4+s2] =	stream.linear.scatter [tilespmem:s2], [sflag:$0x1], $0x10000, $0x38;
	[tilespmem:$0x10000] =	vst v63  }
0x99: {  	_ =	swait.ge [sflag:s7], $0x10000  }
0x9a: {  	[sflag:s7] =	ssyncset.done $0x0  }
0x9b: {  	[sflag:s7] =	ssyncadd.s32 $0xFFFF0000  }
0x9c: {  	[hbm4b:s5+s2] =	stream.linear.scatter [tilespmem:s2], [sflag:$0x1], $0x10000, $0x38;
	[tilespmem:$0x10000] =	vst v63  }
0x9d: {  	s8 =	sadd.s32 $0x1, s8;
	_ =	swait.ge [sflag:s7], $0x10000  }
0x9e: {  	p0 =	sne.s32 s8, s25;
	[sflag:s7] =	ssyncset.done $0x0  }
.Ltmp1:
0x9f: {  	[sflag:s7] =	ssyncadd.s32 $0xFFFF0000;
	(pc) =	sbr.rel @p0 .LBB2_1-.Ltmp1, $4  }
0xa0: {  	[hbm4b:s6+s2] =	stream.linear.scatter [tilespmem:s2], [sflag:$0x1], $0x10000, $0x38;
	[tilespmem:$0x10000] =	vst v63  }
0xa1: {  	_ =	swait.ge [sflag:s7], $0x10000  }
0xa2: {  	[sflag:s7] =	ssyncset.done $0x0  }
0xa3: {  	[sflag:s7] =	ssyncadd.s32 $0xFFFF0000  }
0xa4: {  	_ =	sfence.sel $0x180000  }
0xa5: {  	[bflag:$0x0] =	sbarrier.arrive $0xFFFF  }
0xa6: {  	_ =	strace $0x90000047  }
0xa7: {  	s0 =	stileid.u32;
	[bflag:$0x2] =	sbarrier.arrive $0xFFFF  }
0xa8: {  	p0 =	sne.s32 s0, $0x0;
	s0 =	rddreg [dreg:$0x1]  }
0xa9: {  	s0 =	sadd.s32 @!p0 $0x100000, s0  }
0xaa: {  	[sflag:s0] =	ssyncadd.tile.s32 @!p0 $0x1;
	_ =	shalt  }
.Lfunc_end2:
_tile_overlayer_lowered:
.L_overlay_start_2:
0xab: {  	(tag) =	ssettag $0x2  }
0xac: {  	s0 =	rddreg [dreg:$0x0];
	s2 =	stileid.u32  }
0xad: {  	s1 =	rddreg [dreg:$0x1];
	p0 =	sne.s32 s2, $0x0  }
0xae: {  	s3 =	rddreg [dreg:$0x2];
	[bflag:$0x3] =	sbarrier.arrive $0xFFFF;
	s2 =	simm.s32 @!p0 $0x1C01  }
0xaf: {  	[timem:s3], [sflag:s2] =	dma.local @!p0 [hbm:s0], s1  }
0xb0: {  	s0 =	simm.s32 @!p0 $0x1  }
0xb1: {  	_ =	swait.ge @!p0 [sflag:s0], s1  }
0xb2: {  	s1 =	ssub.s32 @!p0 $0x0, s1;
	[sflag:s0] =	ssyncset.done @!p0 $0x0  }
0xb3: {  	[sflag:s0] =	ssyncadd.s32 @!p0 s1  }
0xb4: {  	[bflag:$0x3] =	sbarrier.arrive $0xFFFF  }
0xb5: {  	_ =	shalt  }

</sc_bundles>
